<compile_context>
chip_gen: v7x
topology: tpu7x:2x2x1
jax: 0.10.2.dev20260603
libtpu: 0.0.44.dev20260713+nightly
codegen_flags: <defaults>
</compile_context>

<pallas_src>
import functools

import jax
import jax.numpy as jnp
from jax.experimental import pallas as pl
from jax.experimental.pallas import tpu as pltpu
from jax.experimental.pallas import tpu_sc as plsc

N = 10000
E = 160000
D = 128
H = 8
DH = D // H

NC = 2
NS = 16
NW = NC * NS

BN = 2000

_f32 = jnp.float32
_bf16 = jnp.bfloat16


def _mm(a, w):
    return jax.lax.dot(a.astype(_bf16), w.astype(_bf16),
                       preferred_element_type=_f32)


def _head_matrix(dtype):
    d = jax.lax.broadcasted_iota(jnp.int32, (D, H), 0)
    h = jax.lax.broadcasted_iota(jnp.int32, (D, H), 1)
    return ((d // DH) == h).astype(dtype)


def _sc_mesh():
    return plsc.VectorSubcoreMesh(core_axis_name="c", subcore_axis_name="s",
                                  num_cores=NC, num_subcores=NS)


def _parallel(n):
    return pltpu.CompilerParams(dimension_semantics=("parallel",) * n)



def _sc_gather_rows(table, idxs, chunk, base, count):
    d = table.shape[1]
    ns = len(idxs)
    offs = [o for _, o in idxs]
    per_w = count // NW
    n_chunks = per_w // chunk

    @functools.partial(
        pl.kernel,
        out_type=[jax.ShapeDtypeStruct((count, d), table.dtype)] * ns,
        mesh=_sc_mesh(),
        scratch_types=[pltpu.VMEM((chunk,), jnp.int32),
                       pltpu.VMEM((chunk, d), table.dtype)],
    )
    def k(tab_hbm, *rest):
        idx_hbms = rest[:ns]
        out_hbms = rest[ns:2 * ns]
        idx_v, rows_v = rest[2 * ns:]
        wid = jax.lax.axis_index("s") * NC + jax.lax.axis_index("c")

        @pl.loop(0, n_chunks)
        def _(i):
            lo = wid * per_w + i * chunk
            for s in range(ns):
                pltpu.sync_copy(idx_hbms[s].at[pl.ds(base + lo, chunk)], idx_v)
                if offs[s]:
                    @pl.loop(0, chunk, step=16)
                    def _(j):
                        idx_v[pl.ds(j, 16)] += offs[s]
                pltpu.sync_copy(tab_hbm.at[idx_v], rows_v)
                pltpu.sync_copy(rows_v, out_hbms[s].at[pl.ds(lo, chunk)])

    outs = k(table, *[a for a, _ in idxs])
    return list(outs) if isinstance(outs, (tuple, list)) else [outs]


def _sc_scatter_add(msg, dst, chunk, base, count):
    per_w = count // NW
    n_chunks = per_w // chunk
    rows_per_init = N // 10

    @functools.partial(
        pl.kernel,
        out_type=jax.ShapeDtypeStruct((NC * N, D), _f32),
        mesh=_sc_mesh(),
        scratch_types=[pltpu.VMEM((chunk,), jnp.int32),
                       pltpu.VMEM((chunk, D), _f32),
                       pltpu.VMEM_SHARED((N, D), _f32)],
    )
    def k(msg_hbm, dst_hbm, u_hbm, idx_v, rows_v, acc_sh):
        cid = jax.lax.axis_index("c")
        sid = jax.lax.axis_index("s")
        wid = sid * NC + cid

        @pl.loop(0, chunk)
        def _(r):
            @pl.loop(0, D, step=16)
            def _(c):
                rows_v[r, pl.ds(c, 16)] = jnp.zeros((16,), _f32)

        @pl.when(sid < 10)
        def _():
            @pl.loop(0, rows_per_init, step=chunk)
            def _(r0):
                pltpu.sync_copy(
                    rows_v, acc_sh.at[pl.ds(sid * rows_per_init + r0, chunk)])

        plsc.subcore_barrier()

        @pl.loop(0, n_chunks)
        def _(i):
            lo = wid * per_w + i * chunk
            pltpu.sync_copy(dst_hbm.at[pl.ds(base + lo, chunk)], idx_v)
            pltpu.sync_copy(msg_hbm.at[pl.ds(lo, chunk)], rows_v)
            pltpu.sync_copy(rows_v, acc_sh.at[idx_v], add=True)

        plsc.subcore_barrier()

        @pl.when(sid < 10)
        def _():
            sl = pl.ds(sid * rows_per_init, rows_per_init)
            pltpu.sync_copy(acc_sh.at[sl],
                            u_hbm.at[pl.ds(cid * N + sid * rows_per_init,
                                           rows_per_init)])

    return k(msg, dst)



def _k1_qkv(h, Wq, bq, Wk, bk, Wv, bv):
    def body(h_ref, wq_ref, bq_ref, wk_ref, bk_ref, wv_ref, bv_ref, t_ref):
        hb = h_ref[...]
        t_ref[0] = _mm(hb, wq_ref[...]) + bq_ref[...]
        t_ref[1] = _mm(hb, wk_ref[...]) + bk_ref[...]
        t_ref[2] = _mm(hb, wv_ref[...]) + bv_ref[...]

    wspec = pl.BlockSpec((D, D), lambda i: (0, 0))
    bspec = pl.BlockSpec((1, D), lambda i: (0, 0))
    return pl.pallas_call(
        body,
        compiler_params=_parallel(1),
        grid=(N // BN,),
        in_specs=[
            pl.BlockSpec((BN, D), lambda i: (i, 0)),
            wspec, bspec, wspec, bspec, wspec, bspec,
        ],
        out_specs=pl.BlockSpec((3, BN, D), lambda i: (0, i, 0)),
        out_shape=jax.ShapeDtypeStruct((3, N, D), _f32),
    )(h, Wq, bq, Wk, bk, Wv, bv)


def _k3_msg(qd, ks, vs, t_ij, Wg, bg, base, bs):
    def body(qd_ref, ks_ref, vs_ref, t_ref, wg_ref, bg_ref, msg_ref, z_ref):
        qk = qd_ref[...] * ks_ref[...]
        mhead = _head_matrix(_bf16)
        logit = (jax.lax.dot(qk.astype(_bf16), mhead,
                             preferred_element_type=_f32) * (1.0 / (DH ** 0.5))
                 + _mm(t_ref[...], wg_ref[...]) + bg_ref[...])
        p = jnp.exp(logit)
        z_ref[0] = jnp.sum(p, axis=0, keepdims=True)
        p128 = jax.lax.dot(p.astype(_bf16), mhead.T,
                           preferred_element_type=_f32)
        msg_ref[...] = p128 * vs_ref[...]

    count = qd.shape[0]
    off_b = base // bs
    sblock = pl.BlockSpec((bs, D), lambda i: (i, 0))
    tblock = pl.BlockSpec((bs, D), lambda i: (i + off_b, 0))
    return pl.pallas_call(
        body,
        compiler_params=_parallel(1),
        grid=(count // bs,),
        in_specs=[
            sblock, sblock, sblock, tblock,
            pl.BlockSpec((D, H), lambda i: (0, 0)),
            pl.BlockSpec((1, H), lambda i: (0, 0)),
        ],
        out_specs=[
            pl.BlockSpec((bs, D), lambda i: (i, 0)),
            pl.BlockSpec((1, 1, H), lambda i: (i, 0, 0)),
        ],
        out_shape=[
            jax.ShapeDtypeStruct((count, D), _f32),
            jax.ShapeDtypeStruct((count // bs, 1, H), _f32),
        ],
    )(qd, ks, vs, t_ij, Wg, bg)


def _k4_hnew_ab(us, zs, h, Wo, bo, We1ab):
    nu, nz = len(us), len(zs)

    def body(*refs):
        u_refs = refs[:2 * nu]
        z_refs = refs[2 * nu:2 * nu + nz]
        h_ref, wo_ref, bo_ref, wab_ref, o_ref, tab_ref = refs[2 * nu + nz:]
        mheadT = _head_matrix(_bf16).T
        z = sum(jnp.sum(zr[...], axis=0) for zr in z_refs)
        r = jax.lax.dot((1.0 / z).astype(_bf16), mheadT,
                        preferred_element_type=_f32)
        un = sum(ur[...] for ur in u_refs) * r
        h_new = h_ref[...] + _mm(un, wo_ref[...]) + bo_ref[...]
        o_ref[...] = h_new
        tab_ref[0] = _mm(h_new, wab_ref[0])
        tab_ref[1] = _mm(h_new, wab_ref[1])

    nb = N // BN
    uspecs = []
    for _ in us:
        uspecs.append(pl.BlockSpec((BN, D), lambda i: (i, 0)))
        uspecs.append(pl.BlockSpec((BN, D), lambda i: (i + nb, 0)))
    zspecs = [pl.BlockSpec((z.shape[0], 1, H), lambda i: (0, 0, 0))
              for z in zs]
    return pl.pallas_call(
        body,
        compiler_params=_parallel(1),
        grid=(nb,),
        in_specs=uspecs + zspecs + [
            pl.BlockSpec((BN, D), lambda i: (i, 0)),
            pl.BlockSpec((D, D), lambda i: (0, 0)),
            pl.BlockSpec((1, D), lambda i: (0, 0)),
            pl.BlockSpec((2, D, D), lambda i: (0, 0, 0)),
        ],
        out_specs=[
            pl.BlockSpec((BN, D), lambda i: (i, 0)),
            pl.BlockSpec((2, BN, D), lambda i: (0, i, 0)),
        ],
        out_shape=[
            jax.ShapeDtypeStruct((N, D), _f32),
            jax.ShapeDtypeStruct((2, N, D), _f32),
        ],
    )(*[u for u in us for _ in (0, 1)], *zs, h, Wo, bo, We1ab)


def _k5_tnew(asrc, bdst, t_ij, We1c, be1, We2, be2, base, bs, tprev=None):
    has_prev = tprev is not None

    def body(*refs):
        if has_prev:
            (_, a_ref, b_ref, t_ref, w1_ref, b1_ref, w2_ref, b2_ref,
             o_ref) = refs
        else:
            (a_ref, b_ref, t_ref, w1_ref, b1_ref, w2_ref, b2_ref,
             o_ref) = refs
        pre = (a_ref[...] + b_ref[...]
               + _mm(t_ref[...], w1_ref[...]) + b1_ref[...])
        act = pre * jax.nn.sigmoid(pre)
        o_ref[...] = t_ref[...] + _mm(act, w2_ref[...]) + b2_ref[...]

    count = asrc.shape[0]
    off_b = base // bs
    sblock = pl.BlockSpec((bs, D), lambda i: (i, 0))
    tblock = pl.BlockSpec((bs, D), lambda i: (i + off_b, 0))
    in_specs = [
        sblock, sblock, tblock,
        pl.BlockSpec((D, D), lambda i: (0, 0)),
        pl.BlockSpec((1, D), lambda i: (0, 0)),
        pl.BlockSpec((D, D), lambda i: (0, 0)),
        pl.BlockSpec((1, D), lambda i: (0, 0)),
    ]
    args = [asrc, bdst, t_ij, We1c, be1, We2, be2]
    kwargs = {}
    if has_prev:
        in_specs = [pl.BlockSpec((bs, D), lambda i: (0, 0))] + in_specs
        args = [tprev] + args
        kwargs["input_output_aliases"] = {0: 0}
    return pl.pallas_call(
        body,
        compiler_params=_parallel(1),
        grid=(count // bs,),
        in_specs=in_specs,
        out_specs=pl.BlockSpec((bs, D), lambda i: (i + off_b, 0)),
        out_shape=jax.ShapeDtypeStruct((E, D), _f32),
        **kwargs,
    )(*args)



def kernel(edge_index2, h, t_ij, Wq, bq, Wk, bk, Wv, bv, Wg, bg, Wo, bo,
           We1, be1, We2, be2):
    src = edge_index2[0]
    dst = edge_index2[1]

    T = _k1_qkv(h, Wq, bq.reshape(1, D), Wk, bk.reshape(1, D),
                Wv, bv.reshape(1, D)).reshape(3 * N, D)

    slabs_a = ((0, 76800, 480), (76800, 83200, 520))
    streams = [(dst, 0), (src, N), (src, 2 * N)]
    bgr = bg.reshape(1, H)
    gath = [_sc_gather_rows(T, streams, chunk=ck, base=b, count=c)
            for (b, c, ck) in slabs_a]
    us, zs = [], []
    for (b, c, _), (qd, ks, vs) in zip(slabs_a, gath):
        msg, z = _k3_msg(qd, ks, vs, t_ij, Wg, bgr, base=b, bs=1600)
        us.append(_sc_scatter_add(msg, dst, chunk=200, base=b, count=c))
        zs.append(z)

    h_new, tab = _k4_hnew_ab(us, zs, h, Wo, bo.reshape(1, D),
                             jnp.stack([We1[:D], We1[D:2 * D]]))

    tab2 = tab.reshape(2 * N, D)
    We1c = We1[2 * D:]
    be1r = be1.reshape(1, D)
    be2r = be2.reshape(1, D)
    slabs_b = ((0, E, 1000),)
    ab = [_sc_gather_rows(tab2, [(src, 0), (dst, N)], chunk=ck, base=b,
                          count=c)
          for (b, c, ck) in slabs_b]
    t_new = None
    for (b, c, _), (a_s, b_d) in zip(slabs_b, ab):
        t_new = _k5_tnew(a_s, b_d, t_ij, We1c, be1r, We2, be2r,
                         base=b, bs=2000, tprev=t_new)
    return (h_new, t_new)

# --- scband reference (transcript-rebuilt; emitter-appended) ---
"""Pipeline reference for scband-gata-85323820302755 (READ-ONLY COPY).

The authoritative reference and input builder live on the scoring server;
editing this copy changes nothing except your own understanding.
"""

import jax, jax.numpy as jnp
import numpy as np

N = 10000
E = 160000
D = 128
H = 8
DH = D // H


def setup_inputs(seed: int = 0) -> dict:
    key = jax.random.key(seed)
    ks = jax.random.split(key, 20)
    s = 0.05
    inp = {
        "edge_index2": jax.random.randint(ks[0], (2, E), 0, N, dtype=jnp.int32),
        "h": jax.random.normal(ks[1], (N, D), dtype=jnp.float32),
        "t_ij": jax.random.normal(ks[2], (E, D), dtype=jnp.float32),
        "Wq": jax.random.normal(ks[3], (D, D), dtype=jnp.float32) * s,
        "bq": jnp.zeros((D,), dtype=jnp.float32),
        "Wk": jax.random.normal(ks[4], (D, D), dtype=jnp.float32) * s,
        "bk": jnp.zeros((D,), dtype=jnp.float32),
        "Wv": jax.random.normal(ks[5], (D, D), dtype=jnp.float32) * s,
        "bv": jnp.zeros((D,), dtype=jnp.float32),
        "Wg": jax.random.normal(ks[6], (D, H), dtype=jnp.float32) * s,
        "bg": jnp.zeros((H,), dtype=jnp.float32),
        "Wo": jax.random.normal(ks[7], (D, D), dtype=jnp.float32) * s,
        "bo": jnp.zeros((D,), dtype=jnp.float32),
        "We1": jax.random.normal(ks[8], (3 * D, D), dtype=jnp.float32) * s,
        "be1": jnp.zeros((D,), dtype=jnp.float32),
        "We2": jax.random.normal(ks[9], (D, D), dtype=jnp.float32) * s,
        "be2": jnp.zeros((D,), dtype=jnp.float32),
    }
    return inp


def reference(edge_index2, h, t_ij, Wq, bq, Wk, bk, Wv, bv, Wg, bg, Wo, bo, We1, be1, We2, be2):
    src = edge_index2[0]
    dst = edge_index2[1]
    q = (jnp.take(h, dst, axis=0) @ Wq + bq).reshape(-1, H, DH)
    k = (jnp.take(h, src, axis=0) @ Wk + bk).reshape(-1, H, DH)
    v = (jnp.take(h, src, axis=0) @ Wv + bv).reshape(-1, H, DH)
    logits = (q * k).sum(-1) / (DH ** 0.5)
    logits = logits + (t_ij @ Wg + bg)
    alpha = jax.nn.softmax(logits, axis=0)
    # dropout p=0.0 in eval -> identity
    msg = (alpha[..., None] * v).reshape(-1, D)
    h_update = jnp.zeros((h.shape[0], D), dtype=h.dtype).at[dst].add(msg)
    h_new = h + (h_update @ Wo + bo)
    cat = jnp.concatenate([jnp.take(h_new, src, axis=0), jnp.take(h_new, dst, axis=0), t_ij], axis=-1)
    t_upd = jax.nn.silu(cat @ We1 + be1) @ We2 + be2
    t_new = t_ij + t_upd
    return (h_new, t_new)

if __name__ == "__main__":
    import jax
    _d = setup_inputs()
    print(jax.jit(kernel)(*tuple(_d.values())))

</pallas_src>

<mosaic_0001>
#map = affine_map<(d0, d1) -> (0, 0)>
#map1 = affine_map<(d0, d1) -> (0)>
module attributes {stable_mosaic.version = 14 : i64} {
  func.func @k(%arg0: i32, %arg1: i32, %arg2: memref<30000x128xf32, #tpu.memory_space<hbm>>, %arg3: memref<160000xi32, #tpu.memory_space<hbm>>, %arg4: memref<160000xi32, #tpu.memory_space<hbm>>, %arg5: memref<160000xi32, #tpu.memory_space<hbm>>, %arg6: memref<83200x128xf32, #tpu.memory_space<hbm>>, %arg7: memref<83200x128xf32, #tpu.memory_space<hbm>>, %arg8: memref<83200x128xf32, #tpu.memory_space<hbm>>, %arg9: memref<520xi32, #tpu.memory_space<vmem>>, %arg10: memref<520x128xf32, #tpu.memory_space<vmem>>) attributes {dimension_semantics = [#tpu.dimension_semantics<core_parallel>, #tpu.dimension_semantics<subcore_parallel>], iteration_bounds = array<i64: 2, 16>, scalar_prefetch = 0 : i64, scratch_operands = 2 : i64, tpu.core_type = #tpu.core_type<sc_vector_subcore>, window_params = [{transform_indices = #map}, {transform_indices = #map1}, {transform_indices = #map1}, {transform_indices = #map1}, {transform_indices = #map}, {transform_indices = #map}, {transform_indices = #map}]} {
    %mul3A = arith.constant 2 : i32
    %mul3A_0 = arith.muli %arg1, %mul3A : i32
    %add3A = arith.addi %mul3A_0, %arg0 : i32
    %scan3A = arith.constant 0 : i32
    %scan3A_1 = arith.constant 5 : i32
    %scan3A_2 = arith.addi %scan3A, %scan3A_1 : i32
    %scan3A_3 = arith.constant 1 : i32
    scf.for %scan3A_5 = %scan3A to %scan3A_2 step %scan3A_3  : i32 {
      %mul3A_6 = arith.constant 1 : i32
      %mul3A_7 = arith.muli %scan3A_5, %mul3A_6 : i32
      %add3A_8 = arith.constant 0 : i32
      %add3A_9 = arith.addi %add3A_8, %mul3A_7 : i32
      %mul3A_10 = arith.constant 2600 : i32
      %mul3A_11 = arith.muli %add3A, %mul3A_10 : i32
      %mul3A_12 = arith.constant 520 : i32
      %mul3A_13 = arith.muli %add3A_9, %mul3A_12 : i32
      %add3A_14 = arith.addi %mul3A_11, %mul3A_13 : i32
      %add3A_15 = arith.constant 76800 : i32
      %add3A_16 = arith.addi %add3A_15, %add3A_14 : i32
      "tpu.region"() ({
        %run_scoped3A = tpu.sem_alloc : memref<!tpu.dma_semaphore, #tpu.memory_space<semaphore_mem>>
        %dma_start3A = tpu.memref_slice %arg3[%add3A_16] : memref<160000xi32, #tpu.memory_space<hbm>> -> memref<520xi32, #tpu.memory_space<hbm>>
        %dma_start3A_31 = tpu.memref_slice %arg3[%add3A_16] : memref<160000xi32, #tpu.memory_space<hbm>> -> memref<520xi32, #tpu.memory_space<hbm>>
        tpu.enqueue_dma source(%dma_start3A_31 : memref<520xi32, #tpu.memory_space<hbm>>) target(%arg9 : memref<520xi32, #tpu.memory_space<vmem>>) target_semaphore(%run_scoped3A : memref<!tpu.dma_semaphore, #tpu.memory_space<semaphore_mem>>)
        %dma_wait3A = tpu.memref_slice %arg3[%add3A_16] : memref<160000xi32, #tpu.memory_space<hbm>> -> memref<520xi32, #tpu.memory_space<hbm>>
        %dma_wait3A_32 = tpu.memref_slice %arg3[%add3A_16] : memref<160000xi32, #tpu.memory_space<hbm>> -> memref<520xi32, #tpu.memory_space<hbm>>
        tpu.wait_dma2 semaphore(%run_scoped3A : memref<!tpu.dma_semaphore, #tpu.memory_space<semaphore_mem>>) src(%dma_wait3A_32 : memref<520xi32, #tpu.memory_space<hbm>>) dst(%arg9 : memref<520xi32, #tpu.memory_space<vmem>>)
        tpu.yield
      }) : () -> ()
      "tpu.region"() ({
        %run_scoped3A = tpu.sem_alloc : memref<!tpu.dma_semaphore, #tpu.memory_space<semaphore_mem>>
        %dma_start3A = arith.constant 0 : i32
        %dma_start3A_31 = arith.constant 0 : i32
        %dma_start3A_32 = tpu.memref_slice %arg2[%dma_start3A, %dma_start3A_31] : memref<30000x128xf32, #tpu.memory_space<hbm>> -> memref<30000x128xf32, #tpu.memory_space<hbm>>
        tpu.enqueue_indirect_dma source(%dma_start3A_32 : memref<30000x128xf32, #tpu.memory_space<hbm>>) target(%arg10 : memref<520x128xf32, #tpu.memory_space<vmem>>) offsets(%arg9 : memref<520xi32, #tpu.memory_space<vmem>>) semaphore(%run_scoped3A : memref<!tpu.dma_semaphore, #tpu.memory_space<semaphore_mem>>)
        %dma_wait3A = arith.constant 0 : i32
        %dma_wait3A_33 = arith.constant 0 : i32
        %dma_wait3A_34 = tpu.memref_slice %arg2[%dma_wait3A, %dma_wait3A_33] : memref<30000x128xf32, #tpu.memory_space<hbm>> -> memref<30000x128xf32, #tpu.memory_space<hbm>>
        tpu.wait_indirect_dma semaphore(%run_scoped3A : memref<!tpu.dma_semaphore, #tpu.memory_space<semaphore_mem>>) src(%dma_wait3A_34 : memref<30000x128xf32, #tpu.memory_space<hbm>>) dst(%arg10 : memref<520x128xf32, #tpu.memory_space<vmem>>)
        tpu.yield
      }) : () -> ()
      "tpu.region"() ({
        %run_scoped3A = tpu.sem_alloc : memref<!tpu.dma_semaphore, #tpu.memory_space<semaphore_mem>>
        %dma_start3A = arith.constant 0 : i32
        %dma_start3A_31 = tpu.memref_slice %arg6[%add3A_14, %dma_start3A] : memref<83200x128xf32, #tpu.memory_space<hbm>> -> memref<520x128xf32, #tpu.memory_space<hbm>>
        %dma_start3A_32 = arith.constant 0 : i32
        %dma_start3A_33 = tpu.memref_slice %arg6[%add3A_14, %dma_start3A_32] : memref<83200x128xf32, #tpu.memory_space<hbm>> -> memref<520x128xf32, #tpu.memory_space<hbm>>
        tpu.enqueue_dma source(%arg10 : memref<520x128xf32, #tpu.memory_space<vmem>>) target(%dma_start3A_33 : memref<520x128xf32, #tpu.memory_space<hbm>>) target_semaphore(%run_scoped3A : memref<!tpu.dma_semaphore, #tpu.memory_space<semaphore_mem>>)
        %dma_wait3A = arith.constant 0 : i32
        %dma_wait3A_34 = tpu.memref_slice %arg6[%add3A_14, %dma_wait3A] : memref<83200x128xf32, #tpu.memory_space<hbm>> -> memref<520x128xf32, #tpu.memory_space<hbm>>
        %dma_wait3A_35 = arith.constant 0 : i32
        %dma_wait3A_36 = tpu.memref_slice %arg6[%add3A_14, %dma_wait3A_35] : memref<83200x128xf32, #tpu.memory_space<hbm>> -> memref<520x128xf32, #tpu.memory_space<hbm>>
        tpu.wait_dma2 semaphore(%run_scoped3A : memref<!tpu.dma_semaphore, #tpu.memory_space<semaphore_mem>>) src(%arg10 : memref<520x128xf32, #tpu.memory_space<vmem>>) dst(%dma_wait3A_36 : memref<520x128xf32, #tpu.memory_space<hbm>>)
        tpu.yield
      }) : () -> ()
      %add3A_17 = arith.constant 76800 : i32
      %add3A_18 = arith.addi %add3A_17, %add3A_14 : i32
      "tpu.region"() ({
        %run_scoped3A = tpu.sem_alloc : memref<!tpu.dma_semaphore, #tpu.memory_space<semaphore_mem>>
        %dma_start3A = tpu.memref_slice %arg4[%add3A_18] : memref<160000xi32, #tpu.memory_space<hbm>> -> memref<520xi32, #tpu.memory_space<hbm>>
        %dma_start3A_31 = tpu.memref_slice %arg4[%add3A_18] : memref<160000xi32, #tpu.memory_space<hbm>> -> memref<520xi32, #tpu.memory_space<hbm>>
        tpu.enqueue_dma source(%dma_start3A_31 : memref<520xi32, #tpu.memory_space<hbm>>) target(%arg9 : memref<520xi32, #tpu.memory_space<vmem>>) target_semaphore(%run_scoped3A : memref<!tpu.dma_semaphore, #tpu.memory_space<semaphore_mem>>)
        %dma_wait3A = tpu.memref_slice %arg4[%add3A_18] : memref<160000xi32, #tpu.memory_space<hbm>> -> memref<520xi32, #tpu.memory_space<hbm>>
        %dma_wait3A_32 = tpu.memref_slice %arg4[%add3A_18] : memref<160000xi32, #tpu.memory_space<hbm>> -> memref<520xi32, #tpu.memory_space<hbm>>
        tpu.wait_dma2 semaphore(%run_scoped3A : memref<!tpu.dma_semaphore, #tpu.memory_space<semaphore_mem>>) src(%dma_wait3A_32 : memref<520xi32, #tpu.memory_space<hbm>>) dst(%arg9 : memref<520xi32, #tpu.memory_space<vmem>>)
        tpu.yield
      }) : () -> ()
      %scan3A_19 = arith.constant 0 : i32
      %scan3A_20 = arith.constant 33 : i32
      %scan3A_21 = arith.addi %scan3A_19, %scan3A_20 : i32
      %scan3A_22 = arith.constant 1 : i32
      scf.for %scan3A_31 = %scan3A_19 to %scan3A_21 step %scan3A_22  : i32 {
        %mul3A_32 = arith.constant 16 : i32
        %mul3A_33 = arith.muli %scan3A_31, %mul3A_32 : i32
        %add3A_34 = arith.constant 0 : i32
        %add3A_35 = arith.addi %add3A_34, %mul3A_33 : i32
        %get3A = arith.index_cast %add3A_35 : i32 to index
        %get3A_36 = tpu.vector_load %arg9[%get3A] {strides = array<i32>} : memref<520xi32, #tpu.memory_space<vmem>>, vector<16xi32>,
        %get3A_37 = vector.shape_cast %get3A_36 : vector<16xi32> to vector<16xi32>
        %add3A_38 = arith.constant 10000 : i32
        %add3A_39 = vector.broadcast %add3A_38 : i32 to vector<16xi32>
        %add3A_40 = arith.addi %get3A_37, %add3A_39 : vector<16xi32>
        %swap3A = arith.index_cast %add3A_35 : i32 to index
        %swap3A_41 = tpu.vector_load %arg9[%swap3A] {strides = array<i32>} : memref<520xi32, #tpu.memory_space<vmem>>, vector<16xi32>,
        %swap3A_42 = vector.shape_cast %swap3A_41 : vector<16xi32> to vector<16xi32>
        %swap3A_43 = vector.shape_cast %add3A_40 : vector<16xi32> to vector<16xi32>
        tpu.vector_store %arg9[%swap3A], %swap3A_43 {strides = array<i32>} : memref<520xi32, #tpu.memory_space<vmem>>, vector<16xi32>,
      }
      %scan3A_23 = arith.constant 33 : i32
      "tpu.region"() ({
        %run_scoped3A = tpu.sem_alloc : memref<!tpu.dma_semaphore, #tpu.memory_space<semaphore_mem>>
        %dma_start3A = arith.constant 0 : i32
        %dma_start3A_31 = arith.constant 0 : i32
        %dma_start3A_32 = tpu.memref_slice %arg2[%dma_start3A, %dma_start3A_31] : memref<30000x128xf32, #tpu.memory_space<hbm>> -> memref<30000x128xf32, #tpu.memory_space<hbm>>
        tpu.enqueue_indirect_dma source(%dma_start3A_32 : memref<30000x128xf32, #tpu.memory_space<hbm>>) target(%arg10 : memref<520x128xf32, #tpu.memory_space<vmem>>) offsets(%arg9 : memref<520xi32, #tpu.memory_space<vmem>>) semaphore(%run_scoped3A : memref<!tpu.dma_semaphore, #tpu.memory_space<semaphore_mem>>)
        %dma_wait3A = arith.constant 0 : i32
        %dma_wait3A_33 = arith.constant 0 : i32
        %dma_wait3A_34 = tpu.memref_slice %arg2[%dma_wait3A, %dma_wait3A_33] : memref<30000x128xf32, #tpu.memory_space<hbm>> -> memref<30000x128xf32, #tpu.memory_space<hbm>>
        tpu.wait_indirect_dma semaphore(%run_scoped3A : memref<!tpu.dma_semaphore, #tpu.memory_space<semaphore_mem>>) src(%dma_wait3A_34 : memref<30000x128xf32, #tpu.memory_space<hbm>>) dst(%arg10 : memref<520x128xf32, #tpu.memory_space<vmem>>)
        tpu.yield
      }) : () -> ()
      "tpu.region"() ({
        %run_scoped3A = tpu.sem_alloc : memref<!tpu.dma_semaphore, #tpu.memory_space<semaphore_mem>>
        %dma_start3A = arith.constant 0 : i32
        %dma_start3A_31 = tpu.memref_slice %arg7[%add3A_14, %dma_start3A] : memref<83200x128xf32, #tpu.memory_space<hbm>> -> memref<520x128xf32, #tpu.memory_space<hbm>>
        %dma_start3A_32 = arith.constant 0 : i32
        %dma_start3A_33 = tpu.memref_slice %arg7[%add3A_14, %dma_start3A_32] : memref<83200x128xf32, #tpu.memory_space<hbm>> -> memref<520x128xf32, #tpu.memory_space<hbm>>
        tpu.enqueue_dma source(%arg10 : memref<520x128xf32, #tpu.memory_space<vmem>>) target(%dma_start3A_33 : memref<520x128xf32, #tpu.memory_space<hbm>>) target_semaphore(%run_scoped3A : memref<!tpu.dma_semaphore, #tpu.memory_space<semaphore_mem>>)
        %dma_wait3A = arith.constant 0 : i32
        %dma_wait3A_34 = tpu.memref_slice %arg7[%add3A_14, %dma_wait3A] : memref<83200x128xf32, #tpu.memory_space<hbm>> -> memref<520x128xf32, #tpu.memory_space<hbm>>
        %dma_wait3A_35 = arith.constant 0 : i32
        %dma_wait3A_36 = tpu.memref_slice %arg7[%add3A_14, %dma_wait3A_35] : memref<83200x128xf32, #tpu.memory_space<hbm>> -> memref<520x128xf32, #tpu.memory_space<hbm>>
        tpu.wait_dma2 semaphore(%run_scoped3A : memref<!tpu.dma_semaphore, #tpu.memory_space<semaphore_mem>>) src(%arg10 : memref<520x128xf32, #tpu.memory_space<vmem>>) dst(%dma_wait3A_36 : memref<520x128xf32, #tpu.memory_space<hbm>>)
        tpu.yield
      }) : () -> ()
      %add3A_24 = arith.constant 76800 : i32
      %add3A_25 = arith.addi %add3A_24, %add3A_14 : i32
      "tpu.region"() ({
        %run_scoped3A = tpu.sem_alloc : memref<!tpu.dma_semaphore, #tpu.memory_space<semaphore_mem>>
        %dma_start3A = tpu.memref_slice %arg5[%add3A_25] : memref<160000xi32, #tpu.memory_space<hbm>> -> memref<520xi32, #tpu.memory_space<hbm>>
        %dma_start3A_31 = tpu.memref_slice %arg5[%add3A_25] : memref<160000xi32, #tpu.memory_space<hbm>> -> memref<520xi32, #tpu.memory_space<hbm>>
        tpu.enqueue_dma source(%dma_start3A_31 : memref<520xi32, #tpu.memory_space<hbm>>) target(%arg9 : memref<520xi32, #tpu.memory_space<vmem>>) target_semaphore(%run_scoped3A : memref<!tpu.dma_semaphore, #tpu.memory_space<semaphore_mem>>)
        %dma_wait3A = tpu.memref_slice %arg5[%add3A_25] : memref<160000xi32, #tpu.memory_space<hbm>> -> memref<520xi32, #tpu.memory_space<hbm>>
        %dma_wait3A_32 = tpu.memref_slice %arg5[%add3A_25] : memref<160000xi32, #tpu.memory_space<hbm>> -> memref<520xi32, #tpu.memory_space<hbm>>
        tpu.wait_dma2 semaphore(%run_scoped3A : memref<!tpu.dma_semaphore, #tpu.memory_space<semaphore_mem>>) src(%dma_wait3A_32 : memref<520xi32, #tpu.memory_space<hbm>>) dst(%arg9 : memref<520xi32, #tpu.memory_space<vmem>>)
        tpu.yield
      }) : () -> ()
      %scan3A_26 = arith.constant 0 : i32
      %scan3A_27 = arith.constant 33 : i32
      %scan3A_28 = arith.addi %scan3A_26, %scan3A_27 : i32
      %scan3A_29 = arith.constant 1 : i32
      scf.for %scan3A_31 = %scan3A_26 to %scan3A_28 step %scan3A_29  : i32 {
        %mul3A_32 = arith.constant 16 : i32
        %mul3A_33 = arith.muli %scan3A_31, %mul3A_32 : i32
        %add3A_34 = arith.constant 0 : i32
        %add3A_35 = arith.addi %add3A_34, %mul3A_33 : i32
        %get3A = arith.index_cast %add3A_35 : i32 to index
        %get3A_36 = tpu.vector_load %arg9[%get3A] {strides = array<i32>} : memref<520xi32, #tpu.memory_space<vmem>>, vector<16xi32>,
        %get3A_37 = vector.shape_cast %get3A_36 : vector<16xi32> to vector<16xi32>
        %add3A_38 = arith.constant 20000 : i32
        %add3A_39 = vector.broadcast %add3A_38 : i32 to vector<16xi32>
        %add3A_40 = arith.addi %get3A_37, %add3A_39 : vector<16xi32>
        %swap3A = arith.index_cast %add3A_35 : i32 to index
        %swap3A_41 = tpu.vector_load %arg9[%swap3A] {strides = array<i32>} : memref<520xi32, #tpu.memory_space<vmem>>, vector<16xi32>,
        %swap3A_42 = vector.shape_cast %swap3A_41 : vector<16xi32> to vector<16xi32>
        %swap3A_43 = vector.shape_cast %add3A_40 : vector<16xi32> to vector<16xi32>
        tpu.vector_store %arg9[%swap3A], %swap3A_43 {strides = array<i32>} : memref<520xi32, #tpu.memory_space<vmem>>, vector<16xi32>,
      }
      %scan3A_30 = arith.constant 33 : i32
      "tpu.region"() ({
        %run_scoped3A = tpu.sem_alloc : memref<!tpu.dma_semaphore, #tpu.memory_space<semaphore_mem>>
        %dma_start3A = arith.constant 0 : i32
        %dma_start3A_31 = arith.constant 0 : i32
        %dma_start3A_32 = tpu.memref_slice %arg2[%dma_start3A, %dma_start3A_31] : memref<30000x128xf32, #tpu.memory_space<hbm>> -> memref<30000x128xf32, #tpu.memory_space<hbm>>
        tpu.enqueue_indirect_dma source(%dma_start3A_32 : memref<30000x128xf32, #tpu.memory_space<hbm>>) target(%arg10 : memref<520x128xf32, #tpu.memory_space<vmem>>) offsets(%arg9 : memref<520xi32, #tpu.memory_space<vmem>>) semaphore(%run_scoped3A : memref<!tpu.dma_semaphore, #tpu.memory_space<semaphore_mem>>)
        %dma_wait3A = arith.constant 0 : i32
        %dma_wait3A_33 = arith.constant 0 : i32
        %dma_wait3A_34 = tpu.memref_slice %arg2[%dma_wait3A, %dma_wait3A_33] : memref<30000x128xf32, #tpu.memory_space<hbm>> -> memref<30000x128xf32, #tpu.memory_space<hbm>>
        tpu.wait_indirect_dma semaphore(%run_scoped3A : memref<!tpu.dma_semaphore, #tpu.memory_space<semaphore_mem>>) src(%dma_wait3A_34 : memref<30000x128xf32, #tpu.memory_space<hbm>>) dst(%arg10 : memref<520x128xf32, #tpu.memory_space<vmem>>)
        tpu.yield
      }) : () -> ()
      "tpu.region"() ({
        %run_scoped3A = tpu.sem_alloc : memref<!tpu.dma_semaphore, #tpu.memory_space<semaphore_mem>>
        %dma_start3A = arith.constant 0 : i32
        %dma_start3A_31 = tpu.memref_slice %arg8[%add3A_14, %dma_start3A] : memref<83200x128xf32, #tpu.memory_space<hbm>> -> memref<520x128xf32, #tpu.memory_space<hbm>>
        %dma_start3A_32 = arith.constant 0 : i32
        %dma_start3A_33 = tpu.memref_slice %arg8[%add3A_14, %dma_start3A_32] : memref<83200x128xf32, #tpu.memory_space<hbm>> -> memref<520x128xf32, #tpu.memory_space<hbm>>
        tpu.enqueue_dma source(%arg10 : memref<520x128xf32, #tpu.memory_space<vmem>>) target(%dma_start3A_33 : memref<520x128xf32, #tpu.memory_space<hbm>>) target_semaphore(%run_scoped3A : memref<!tpu.dma_semaphore, #tpu.memory_space<semaphore_mem>>)
        %dma_wait3A = arith.constant 0 : i32
        %dma_wait3A_34 = tpu.memref_slice %arg8[%add3A_14, %dma_wait3A] : memref<83200x128xf32, #tpu.memory_space<hbm>> -> memref<520x128xf32, #tpu.memory_space<hbm>>
        %dma_wait3A_35 = arith.constant 0 : i32
        %dma_wait3A_36 = tpu.memref_slice %arg8[%add3A_14, %dma_wait3A_35] : memref<83200x128xf32, #tpu.memory_space<hbm>> -> memref<520x128xf32, #tpu.memory_space<hbm>>
        tpu.wait_dma2 semaphore(%run_scoped3A : memref<!tpu.dma_semaphore, #tpu.memory_space<semaphore_mem>>) src(%arg10 : memref<520x128xf32, #tpu.memory_space<vmem>>) dst(%dma_wait3A_36 : memref<520x128xf32, #tpu.memory_space<hbm>>)
        tpu.yield
      }) : () -> ()
    }
    %scan3A_4 = arith.constant 5 : i32
    return
  }
}

#map = affine_map<(d0, d1) -> (0, 0)>
#map1 = affine_map<(d0, d1) -> (0)>
module attributes {stable_mosaic.version = 14 : i64} {
  func.func @k(%arg0: i32, %arg1: i32, %arg2: memref<83200x128xf32, #tpu.memory_space<hbm>>, %arg3: memref<160000xi32, #tpu.memory_space<hbm>>, %arg4: memref<20000x128xf32, #tpu.memory_space<hbm>>, %arg5: memref<200xi32, #tpu.memory_space<vmem>>, %arg6: memref<200x128xf32, #tpu.memory_space<vmem>>, %arg7: memref<10000x128xf32, #tpu.memory_space<vmem_shared>>) attributes {dimension_semantics = [#tpu.dimension_semantics<core_parallel>, #tpu.dimension_semantics<subcore_parallel>], iteration_bounds = array<i64: 2, 16>, scalar_prefetch = 0 : i64, scratch_operands = 3 : i64, tpu.core_type = #tpu.core_type<sc_vector_subcore>, window_params = [{transform_indices = #map}, {transform_indices = #map1}, {transform_indices = #map}]} {
    %mul3A = arith.constant 2 : i32
    %mul3A_0 = arith.muli %arg1, %mul3A : i32
    %add3A = arith.addi %mul3A_0, %arg0 : i32
    %scan3A = arith.constant 0 : i32
    %scan3A_1 = arith.constant 200 : i32
    %scan3A_2 = arith.addi %scan3A, %scan3A_1 : i32
    %scan3A_3 = arith.constant 1 : i32
    scf.for %scan3A_18 = %scan3A to %scan3A_2 step %scan3A_3  : i32 {
      %mul3A_19 = arith.constant 1 : i32
      %mul3A_20 = arith.muli %scan3A_18, %mul3A_19 : i32
      %add3A_21 = arith.constant 0 : i32
      %add3A_22 = arith.addi %add3A_21, %mul3A_20 : i32
      %scan3A_23 = arith.constant 0 : i32
      %scan3A_24 = arith.constant 8 : i32
      %scan3A_25 = arith.addi %scan3A_23, %scan3A_24 : i32
      %scan3A_26 = arith.constant 1 : i32
      scf.for %scan3A_28 = %scan3A_23 to %scan3A_25 step %scan3A_26  : i32 {
        %mul3A_29 = arith.constant 16 : i32
        %mul3A_30 = arith.muli %scan3A_28, %mul3A_29 : i32
        %add3A_31 = arith.constant 0 : i32
        %add3A_32 = arith.addi %add3A_31, %mul3A_30 : i32
        %broadcast_in_dim3A = arith.constant 0.000000e+00 : f32
        %broadcast_in_dim3A_33 = vector.broadcast %broadcast_in_dim3A : f32 to vector<16xf32>
        %swap3A = arith.index_cast %add3A_22 : i32 to index
        %swap3A_34 = arith.index_cast %add3A_32 : i32 to index
        %swap3A_35 = tpu.vector_load %arg6[%swap3A, %swap3A_34] {strides = array<i32>} : memref<200x128xf32, #tpu.memory_space<vmem>>, vector<1x16xf32>,
        %swap3A_36 = vector.shape_cast %swap3A_35 : vector<1x16xf32> to vector<16xf32>
        %swap3A_37 = vector.shape_cast %broadcast_in_dim3A_33 : vector<16xf32> to vector<1x16xf32>
        tpu.vector_store %arg6[%swap3A, %swap3A_34], %swap3A_37 {strides = array<i32>} : memref<200x128xf32, #tpu.memory_space<vmem>>, vector<1x16xf32>,
      }
      %scan3A_27 = arith.constant 8 : i32
    }
    %scan3A_4 = arith.constant 200 : i32
    %lt3A = arith.constant 10 : i32
    %lt3A_5 = arith.cmpi slt, %arg1, %lt3A : i32
    %convert_element_type3A = arith.extui %lt3A_5 : i1 to i32
    %cond3A = arith.constant 0 : i32
    %cond3A_6 = arith.cmpi ne, %convert_element_type3A, %cond3A : i32
    scf.if %cond3A_6 {
      %scan3A_18 = arith.constant 0 : i32
      %scan3A_19 = arith.constant 5 : i32
      %scan3A_20 = arith.addi %scan3A_18, %scan3A_19 : i32
      %scan3A_21 = arith.constant 1 : i32
      scf.for %scan3A_23 = %scan3A_18 to %scan3A_20 step %scan3A_21  : i32 {
        %mul3A_24 = arith.constant 200 : i32
        %mul3A_25 = arith.muli %scan3A_23, %mul3A_24 : i32
        %add3A_26 = arith.constant 0 : i32
        %add3A_27 = arith.addi %add3A_26, %mul3A_25 : i32
        %mul3A_28 = arith.constant 1000 : i32
        %mul3A_29 = arith.muli %arg1, %mul3A_28 : i32
        %add3A_30 = arith.addi %mul3A_29, %add3A_27 : i32
        "tpu.region"() ({
          %run_scoped3A = tpu.sem_alloc : memref<!tpu.dma_semaphore, #tpu.memory_space<semaphore_mem>>
          %dma_start3A = arith.constant 0 : i32
          %dma_start3A_31 = tpu.memref_slice %arg7[%add3A_30, %dma_start3A] : memref<10000x128xf32, #tpu.memory_space<vmem_shared>> -> memref<200x128xf32, #tpu.memory_space<vmem_shared>>
          %dma_start3A_32 = arith.constant 0 : i32
          %dma_start3A_33 = tpu.memref_slice %arg7[%add3A_30, %dma_start3A_32] : memref<10000x128xf32, #tpu.memory_space<vmem_shared>> -> memref<200x128xf32, #tpu.memory_space<vmem_shared>>
          tpu.enqueue_dma source(%arg6 : memref<200x128xf32, #tpu.memory_space<vmem>>) target(%dma_start3A_33 : memref<200x128xf32, #tpu.memory_space<vmem_shared>>) target_semaphore(%run_scoped3A : memref<!tpu.dma_semaphore, #tpu.memory_space<semaphore_mem>>)
          %dma_wait3A = arith.constant 0 : i32
          %dma_wait3A_34 = tpu.memref_slice %arg7[%add3A_30, %dma_wait3A] : memref<10000x128xf32, #tpu.memory_space<vmem_shared>> -> memref<200x128xf32, #tpu.memory_space<vmem_shared>>
          %dma_wait3A_35 = arith.constant 0 : i32
          %dma_wait3A_36 = tpu.memref_slice %arg7[%add3A_30, %dma_wait3A_35] : memref<10000x128xf32, #tpu.memory_space<vmem_shared>> -> memref<200x128xf32, #tpu.memory_space<vmem_shared>>
          tpu.wait_dma2 semaphore(%run_scoped3A : memref<!tpu.dma_semaphore, #tpu.memory_space<semaphore_mem>>) src(%arg6 : memref<200x128xf32, #tpu.memory_space<vmem>>) dst(%dma_wait3A_36 : memref<200x128xf32, #tpu.memory_space<vmem_shared>>)
          tpu.yield
        }) : () -> ()
      }
      %scan3A_22 = arith.constant 5 : i32
    } else {
    }
    %barrier3A = arith.constant 0 : index
    tpu.barrier barrier_id(%barrier3A)
    %scan3A_7 = arith.constant 0 : i32
    %scan3A_8 = arith.constant 13 : i32
    %scan3A_9 = arith.addi %scan3A_7, %scan3A_8 : i32
    %scan3A_10 = arith.constant 1 : i32
    scf.for %scan3A_18 = %scan3A_7 to %scan3A_9 step %scan3A_10  : i32 {
      %mul3A_19 = arith.constant 1 : i32
      %mul3A_20 = arith.muli %scan3A_18, %mul3A_19 : i32
      %add3A_21 = arith.constant 0 : i32
      %add3A_22 = arith.addi %add3A_21, %mul3A_20 : i32
      %mul3A_23 = arith.constant 2600 : i32
      %mul3A_24 = arith.muli %add3A, %mul3A_23 : i32
      %mul3A_25 = arith.constant 200 : i32
      %mul3A_26 = arith.muli %add3A_22, %mul3A_25 : i32
      %add3A_27 = arith.addi %mul3A_24, %mul3A_26 : i32
      %add3A_28 = arith.constant 76800 : i32
      %add3A_29 = arith.addi %add3A_28, %add3A_27 : i32
      "tpu.region"() ({
        %run_scoped3A = tpu.sem_alloc : memref<!tpu.dma_semaphore, #tpu.memory_space<semaphore_mem>>
        %dma_start3A = tpu.memref_slice %arg3[%add3A_29] : memref<160000xi32, #tpu.memory_space<hbm>> -> memref<200xi32, #tpu.memory_space<hbm>>
        %dma_start3A_30 = tpu.memref_slice %arg3[%add3A_29] : memref<160000xi32, #tpu.memory_space<hbm>> -> memref<200xi32, #tpu.memory_space<hbm>>
        tpu.enqueue_dma source(%dma_start3A_30 : memref<200xi32, #tpu.memory_space<hbm>>) target(%arg5 : memref<200xi32, #tpu.memory_space<vmem>>) target_semaphore(%run_scoped3A : memref<!tpu.dma_semaphore, #tpu.memory_space<semaphore_mem>>)
        %dma_wait3A = tpu.memref_slice %arg3[%add3A_29] : memref<160000xi32, #tpu.memory_space<hbm>> -> memref<200xi32, #tpu.memory_space<hbm>>
        %dma_wait3A_31 = tpu.memref_slice %arg3[%add3A_29] : memref<160000xi32, #tpu.memory_space<hbm>> -> memref<200xi32, #tpu.memory_space<hbm>>
        tpu.wait_dma2 semaphore(%run_scoped3A : memref<!tpu.dma_semaphore, #tpu.memory_space<semaphore_mem>>) src(%dma_wait3A_31 : memref<200xi32, #tpu.memory_space<hbm>>) dst(%arg5 : memref<200xi32, #tpu.memory_space<vmem>>)
        tpu.yield
      }) : () -> ()
      "tpu.region"() ({
        %run_scoped3A = tpu.sem_alloc : memref<!tpu.dma_semaphore, #tpu.memory_space<semaphore_mem>>
        %dma_start3A = arith.constant 0 : i32
        %dma_start3A_30 = tpu.memref_slice %arg2[%add3A_27, %dma_start3A] : memref<83200x128xf32, #tpu.memory_space<hbm>> -> memref<200x128xf32, #tpu.memory_space<hbm>>
        %dma_start3A_31 = arith.constant 0 : i32
        %dma_start3A_32 = tpu.memref_slice %arg2[%add3A_27, %dma_start3A_31] : memref<83200x128xf32, #tpu.memory_space<hbm>> -> memref<200x128xf32, #tpu.memory_space<hbm>>
        tpu.enqueue_dma source(%dma_start3A_32 : memref<200x128xf32, #tpu.memory_space<hbm>>) target(%arg6 : memref<200x128xf32, #tpu.memory_space<vmem>>) target_semaphore(%run_scoped3A : memref<!tpu.dma_semaphore, #tpu.memory_space<semaphore_mem>>)
        %dma_wait3A = arith.constant 0 : i32
        %dma_wait3A_33 = tpu.memref_slice %arg2[%add3A_27, %dma_wait3A] : memref<83200x128xf32, #tpu.memory_space<hbm>> -> memref<200x128xf32, #tpu.memory_space<hbm>>
        %dma_wait3A_34 = arith.constant 0 : i32
        %dma_wait3A_35 = tpu.memref_slice %arg2[%add3A_27, %dma_wait3A_34] : memref<83200x128xf32, #tpu.memory_space<hbm>> -> memref<200x128xf32, #tpu.memory_space<hbm>>
        tpu.wait_dma2 semaphore(%run_scoped3A : memref<!tpu.dma_semaphore, #tpu.memory_space<semaphore_mem>>) src(%dma_wait3A_35 : memref<200x128xf32, #tpu.memory_space<hbm>>) dst(%arg6 : memref<200x128xf32, #tpu.memory_space<vmem>>)
        tpu.yield
      }) : () -> ()
      "tpu.region"() ({
        %run_scoped3A = tpu.sem_alloc : memref<!tpu.dma_semaphore, #tpu.memory_space<semaphore_mem>>
        %dma_start3A = arith.constant 0 : i32
        %dma_start3A_30 = arith.constant 0 : i32
        %dma_start3A_31 = tpu.memref_slice %arg7[%dma_start3A, %dma_start3A_30] : memref<10000x128xf32, #tpu.memory_space<vmem_shared>> -> memref<10000x128xf32, #tpu.memory_space<vmem_shared>>
        tpu.enqueue_indirect_dma source(%arg6 : memref<200x128xf32, #tpu.memory_space<vmem>>) target(%dma_start3A_31 : memref<10000x128xf32, #tpu.memory_space<vmem_shared>>) offsets(%arg5 : memref<200xi32, #tpu.memory_space<vmem>>) semaphore(%run_scoped3A : memref<!tpu.dma_semaphore, #tpu.memory_space<semaphore_mem>>) {add = true}
        %dma_wait3A = arith.constant 0 : i32
        %dma_wait3A_32 = arith.constant 0 : i32
        %dma_wait3A_33 = tpu.memref_slice %arg7[%dma_wait3A, %dma_wait3A_32] : memref<10000x128xf32, #tpu.memory_space<vmem_shared>> -> memref<10000x128xf32, #tpu.memory_space<vmem_shared>>
        tpu.wait_indirect_dma semaphore(%run_scoped3A : memref<!tpu.dma_semaphore, #tpu.memory_space<semaphore_mem>>) src(%arg6 : memref<200x128xf32, #tpu.memory_space<vmem>>) dst(%dma_wait3A_33 : memref<10000x128xf32, #tpu.memory_space<vmem_shared>>)
        tpu.yield
      }) : () -> ()
    }
    %scan3A_11 = arith.constant 13 : i32
    %barrier3A_12 = arith.constant 0 : index
    tpu.barrier barrier_id(%barrier3A_12)
    %lt3A_13 = arith.constant 10 : i32
    %lt3A_14 = arith.cmpi slt, %arg1, %lt3A_13 : i32
    %convert_element_type3A_15 = arith.extui %lt3A_14 : i1 to i32
    %cond3A_16 = arith.constant 0 : i32
    %cond3A_17 = arith.cmpi ne, %convert_element_type3A_15, %cond3A_16 : i32
    scf.if %cond3A_17 {
      %mul3A_18 = arith.constant 1000 : i32
      %mul3A_19 = arith.muli %arg1, %mul3A_18 : i32
      %mul3A_20 = arith.constant 10000 : i32
      %mul3A_21 = arith.muli %arg0, %mul3A_20 : i32
      %mul3A_22 = arith.constant 1000 : i32
      %mul3A_23 = arith.muli %arg1, %mul3A_22 : i32
      %add3A_24 = arith.addi %mul3A_21, %mul3A_23 : i32
      "tpu.region"() ({
        %run_scoped3A = tpu.sem_alloc : memref<!tpu.dma_semaphore, #tpu.memory_space<semaphore_mem>>
        %dma_start3A = arith.constant 0 : i32
        %dma_start3A_25 = tpu.memref_slice %arg4[%add3A_24, %dma_start3A] : memref<20000x128xf32, #tpu.memory_space<hbm>> -> memref<1000x128xf32, #tpu.memory_space<hbm>>
        %dma_start3A_26 = arith.constant 0 : i32
        %dma_start3A_27 = tpu.memref_slice %arg7[%mul3A_19, %dma_start3A_26] : memref<10000x128xf32, #tpu.memory_space<vmem_shared>> -> memref<1000x128xf32, #tpu.memory_space<vmem_shared>>
        tpu.enqueue_dma source(%dma_start3A_27 : memref<1000x128xf32, #tpu.memory_space<vmem_shared>>) target(%dma_start3A_25 : memref<1000x128xf32, #tpu.memory_space<hbm>>) target_semaphore(%run_scoped3A : memref<!tpu.dma_semaphore, #tpu.memory_space<semaphore_mem>>)
        %dma_wait3A = arith.constant 0 : i32
        %dma_wait3A_28 = tpu.memref_slice %arg4[%add3A_24, %dma_wait3A] : memref<20000x128xf32, #tpu.memory_space<hbm>> -> memref<1000x128xf32, #tpu.memory_space<hbm>>
        %dma_wait3A_29 = arith.constant 0 : i32
        %dma_wait3A_30 = tpu.memref_slice %arg7[%mul3A_19, %dma_wait3A_29] : memref<10000x128xf32, #tpu.memory_space<vmem_shared>> -> memref<1000x128xf32, #tpu.memory_space<vmem_shared>>
        tpu.wait_dma2 semaphore(%run_scoped3A : memref<!tpu.dma_semaphore, #tpu.memory_space<semaphore_mem>>) src(%dma_wait3A_30 : memref<1000x128xf32, #tpu.memory_space<vmem_shared>>) dst(%dma_wait3A_28 : memref<1000x128xf32, #tpu.memory_space<hbm>>)
        tpu.yield
      }) : () -> ()
    } else {
    }
    return
  }
}

#map = affine_map<(d0, d1) -> (0, 0)>
#map1 = affine_map<(d0, d1) -> (0)>
module attributes {stable_mosaic.version = 14 : i64} {
  func.func @k(%arg0: i32, %arg1: i32, %arg2: memref<76800x128xf32, #tpu.memory_space<hbm>>, %arg3: memref<160000xi32, #tpu.memory_space<hbm>>, %arg4: memref<20000x128xf32, #tpu.memory_space<hbm>>, %arg5: memref<200xi32, #tpu.memory_space<vmem>>, %arg6: memref<200x128xf32, #tpu.memory_space<vmem>>, %arg7: memref<10000x128xf32, #tpu.memory_space<vmem_shared>>) attributes {dimension_semantics = [#tpu.dimension_semantics<core_parallel>, #tpu.dimension_semantics<subcore_parallel>], iteration_bounds = array<i64: 2, 16>, scalar_prefetch = 0 : i64, scratch_operands = 3 : i64, tpu.core_type = #tpu.core_type<sc_vector_subcore>, window_params = [{transform_indices = #map}, {transform_indices = #map1}, {transform_indices = #map}]} {
    %mul3A = arith.constant 2 : i32
    %mul3A_0 = arith.muli %arg1, %mul3A : i32
    %add3A = arith.addi %mul3A_0, %arg0 : i32
    %scan3A = arith.constant 0 : i32
    %scan3A_1 = arith.constant 200 : i32
    %scan3A_2 = arith.addi %scan3A, %scan3A_1 : i32
    %scan3A_3 = arith.constant 1 : i32
    scf.for %scan3A_18 = %scan3A to %scan3A_2 step %scan3A_3  : i32 {
      %mul3A_19 = arith.constant 1 : i32
      %mul3A_20 = arith.muli %scan3A_18, %mul3A_19 : i32
      %add3A_21 = arith.constant 0 : i32
      %add3A_22 = arith.addi %add3A_21, %mul3A_20 : i32
      %scan3A_23 = arith.constant 0 : i32
      %scan3A_24 = arith.constant 8 : i32
      %scan3A_25 = arith.addi %scan3A_23, %scan3A_24 : i32
      %scan3A_26 = arith.constant 1 : i32
      scf.for %scan3A_28 = %scan3A_23 to %scan3A_25 step %scan3A_26  : i32 {
        %mul3A_29 = arith.constant 16 : i32
        %mul3A_30 = arith.muli %scan3A_28, %mul3A_29 : i32
        %add3A_31 = arith.constant 0 : i32
        %add3A_32 = arith.addi %add3A_31, %mul3A_30 : i32
        %broadcast_in_dim3A = arith.constant 0.000000e+00 : f32
        %broadcast_in_dim3A_33 = vector.broadcast %broadcast_in_dim3A : f32 to vector<16xf32>
        %swap3A = arith.index_cast %add3A_22 : i32 to index
        %swap3A_34 = arith.index_cast %add3A_32 : i32 to index
        %swap3A_35 = tpu.vector_load %arg6[%swap3A, %swap3A_34] {strides = array<i32>} : memref<200x128xf32, #tpu.memory_space<vmem>>, vector<1x16xf32>,
        %swap3A_36 = vector.shape_cast %swap3A_35 : vector<1x16xf32> to vector<16xf32>
        %swap3A_37 = vector.shape_cast %broadcast_in_dim3A_33 : vector<16xf32> to vector<1x16xf32>
        tpu.vector_store %arg6[%swap3A, %swap3A_34], %swap3A_37 {strides = array<i32>} : memref<200x128xf32, #tpu.memory_space<vmem>>, vector<1x16xf32>,
      }
      %scan3A_27 = arith.constant 8 : i32
    }
    %scan3A_4 = arith.constant 200 : i32
    %lt3A = arith.constant 10 : i32
    %lt3A_5 = arith.cmpi slt, %arg1, %lt3A : i32
    %convert_element_type3A = arith.extui %lt3A_5 : i1 to i32
    %cond3A = arith.constant 0 : i32
    %cond3A_6 = arith.cmpi ne, %convert_element_type3A, %cond3A : i32
    scf.if %cond3A_6 {
      %scan3A_18 = arith.constant 0 : i32
      %scan3A_19 = arith.constant 5 : i32
      %scan3A_20 = arith.addi %scan3A_18, %scan3A_19 : i32
      %scan3A_21 = arith.constant 1 : i32
      scf.for %scan3A_23 = %scan3A_18 to %scan3A_20 step %scan3A_21  : i32 {
        %mul3A_24 = arith.constant 200 : i32
        %mul3A_25 = arith.muli %scan3A_23, %mul3A_24 : i32
        %add3A_26 = arith.constant 0 : i32
        %add3A_27 = arith.addi %add3A_26, %mul3A_25 : i32
        %mul3A_28 = arith.constant 1000 : i32
        %mul3A_29 = arith.muli %arg1, %mul3A_28 : i32
        %add3A_30 = arith.addi %mul3A_29, %add3A_27 : i32
        "tpu.region"() ({
          %run_scoped3A = tpu.sem_alloc : memref<!tpu.dma_semaphore, #tpu.memory_space<semaphore_mem>>
          %dma_start3A = arith.constant 0 : i32
          %dma_start3A_31 = tpu.memref_slice %arg7[%add3A_30, %dma_start3A] : memref<10000x128xf32, #tpu.memory_space<vmem_shared>> -> memref<200x128xf32, #tpu.memory_space<vmem_shared>>
          %dma_start3A_32 = arith.constant 0 : i32
          %dma_start3A_33 = tpu.memref_slice %arg7[%add3A_30, %dma_start3A_32] : memref<10000x128xf32, #tpu.memory_space<vmem_shared>> -> memref<200x128xf32, #tpu.memory_space<vmem_shared>>
          tpu.enqueue_dma source(%arg6 : memref<200x128xf32, #tpu.memory_space<vmem>>) target(%dma_start3A_33 : memref<200x128xf32, #tpu.memory_space<vmem_shared>>) target_semaphore(%run_scoped3A : memref<!tpu.dma_semaphore, #tpu.memory_space<semaphore_mem>>)
          %dma_wait3A = arith.constant 0 : i32
          %dma_wait3A_34 = tpu.memref_slice %arg7[%add3A_30, %dma_wait3A] : memref<10000x128xf32, #tpu.memory_space<vmem_shared>> -> memref<200x128xf32, #tpu.memory_space<vmem_shared>>
          %dma_wait3A_35 = arith.constant 0 : i32
          %dma_wait3A_36 = tpu.memref_slice %arg7[%add3A_30, %dma_wait3A_35] : memref<10000x128xf32, #tpu.memory_space<vmem_shared>> -> memref<200x128xf32, #tpu.memory_space<vmem_shared>>
          tpu.wait_dma2 semaphore(%run_scoped3A : memref<!tpu.dma_semaphore, #tpu.memory_space<semaphore_mem>>) src(%arg6 : memref<200x128xf32, #tpu.memory_space<vmem>>) dst(%dma_wait3A_36 : memref<200x128xf32, #tpu.memory_space<vmem_shared>>)
          tpu.yield
        }) : () -> ()
      }
      %scan3A_22 = arith.constant 5 : i32
    } else {
    }
    %barrier3A = arith.constant 0 : index
    tpu.barrier barrier_id(%barrier3A)
    %scan3A_7 = arith.constant 0 : i32
    %scan3A_8 = arith.constant 12 : i32
    %scan3A_9 = arith.addi %scan3A_7, %scan3A_8 : i32
    %scan3A_10 = arith.constant 1 : i32
    scf.for %scan3A_18 = %scan3A_7 to %scan3A_9 step %scan3A_10  : i32 {
      %mul3A_19 = arith.constant 1 : i32
      %mul3A_20 = arith.muli %scan3A_18, %mul3A_19 : i32
      %add3A_21 = arith.constant 0 : i32
      %add3A_22 = arith.addi %add3A_21, %mul3A_20 : i32
      %mul3A_23 = arith.constant 2400 : i32
      %mul3A_24 = arith.muli %add3A, %mul3A_23 : i32
      %mul3A_25 = arith.constant 200 : i32
      %mul3A_26 = arith.muli %add3A_22, %mul3A_25 : i32
      %add3A_27 = arith.addi %mul3A_24, %mul3A_26 : i32
      %add3A_28 = arith.constant 0 : i32
      %add3A_29 = arith.addi %add3A_28, %add3A_27 : i32
      "tpu.region"() ({
        %run_scoped3A = tpu.sem_alloc : memref<!tpu.dma_semaphore, #tpu.memory_space<semaphore_mem>>
        %dma_start3A = tpu.memref_slice %arg3[%add3A_29] : memref<160000xi32, #tpu.memory_space<hbm>> -> memref<200xi32, #tpu.memory_space<hbm>>
        %dma_start3A_30 = tpu.memref_slice %arg3[%add3A_29] : memref<160000xi32, #tpu.memory_space<hbm>> -> memref<200xi32, #tpu.memory_space<hbm>>
        tpu.enqueue_dma source(%dma_start3A_30 : memref<200xi32, #tpu.memory_space<hbm>>) target(%arg5 : memref<200xi32, #tpu.memory_space<vmem>>) target_semaphore(%run_scoped3A : memref<!tpu.dma_semaphore, #tpu.memory_space<semaphore_mem>>)
        %dma_wait3A = tpu.memref_slice %arg3[%add3A_29] : memref<160000xi32, #tpu.memory_space<hbm>> -> memref<200xi32, #tpu.memory_space<hbm>>
        %dma_wait3A_31 = tpu.memref_slice %arg3[%add3A_29] : memref<160000xi32, #tpu.memory_space<hbm>> -> memref<200xi32, #tpu.memory_space<hbm>>
        tpu.wait_dma2 semaphore(%run_scoped3A : memref<!tpu.dma_semaphore, #tpu.memory_space<semaphore_mem>>) src(%dma_wait3A_31 : memref<200xi32, #tpu.memory_space<hbm>>) dst(%arg5 : memref<200xi32, #tpu.memory_space<vmem>>)
        tpu.yield
      }) : () -> ()
      "tpu.region"() ({
        %run_scoped3A = tpu.sem_alloc : memref<!tpu.dma_semaphore, #tpu.memory_space<semaphore_mem>>
        %dma_start3A = arith.constant 0 : i32
        %dma_start3A_30 = tpu.memref_slice %arg2[%add3A_27, %dma_start3A] : memref<76800x128xf32, #tpu.memory_space<hbm>> -> memref<200x128xf32, #tpu.memory_space<hbm>>
        %dma_start3A_31 = arith.constant 0 : i32
        %dma_start3A_32 = tpu.memref_slice %arg2[%add3A_27, %dma_start3A_31] : memref<76800x128xf32, #tpu.memory_space<hbm>> -> memref<200x128xf32, #tpu.memory_space<hbm>>
        tpu.enqueue_dma source(%dma_start3A_32 : memref<200x128xf32, #tpu.memory_space<hbm>>) target(%arg6 : memref<200x128xf32, #tpu.memory_space<vmem>>) target_semaphore(%run_scoped3A : memref<!tpu.dma_semaphore, #tpu.memory_space<semaphore_mem>>)
        %dma_wait3A = arith.constant 0 : i32
        %dma_wait3A_33 = tpu.memref_slice %arg2[%add3A_27, %dma_wait3A] : memref<76800x128xf32, #tpu.memory_space<hbm>> -> memref<200x128xf32, #tpu.memory_space<hbm>>
        %dma_wait3A_34 = arith.constant 0 : i32
        %dma_wait3A_35 = tpu.memref_slice %arg2[%add3A_27, %dma_wait3A_34] : memref<76800x128xf32, #tpu.memory_space<hbm>> -> memref<200x128xf32, #tpu.memory_space<hbm>>
        tpu.wait_dma2 semaphore(%run_scoped3A : memref<!tpu.dma_semaphore, #tpu.memory_space<semaphore_mem>>) src(%dma_wait3A_35 : memref<200x128xf32, #tpu.memory_space<hbm>>) dst(%arg6 : memref<200x128xf32, #tpu.memory_space<vmem>>)
        tpu.yield
      }) : () -> ()
      "tpu.region"() ({
        %run_scoped3A = tpu.sem_alloc : memref<!tpu.dma_semaphore, #tpu.memory_space<semaphore_mem>>
        %dma_start3A = arith.constant 0 : i32
        %dma_start3A_30 = arith.constant 0 : i32
        %dma_start3A_31 = tpu.memref_slice %arg7[%dma_start3A, %dma_start3A_30] : memref<10000x128xf32, #tpu.memory_space<vmem_shared>> -> memref<10000x128xf32, #tpu.memory_space<vmem_shared>>
        tpu.enqueue_indirect_dma source(%arg6 : memref<200x128xf32, #tpu.memory_space<vmem>>) target(%dma_start3A_31 : memref<10000x128xf32, #tpu.memory_space<vmem_shared>>) offsets(%arg5 : memref<200xi32, #tpu.memory_space<vmem>>) semaphore(%run_scoped3A : memref<!tpu.dma_semaphore, #tpu.memory_space<semaphore_mem>>) {add = true}
        %dma_wait3A = arith.constant 0 : i32
        %dma_wait3A_32 = arith.constant 0 : i32
        %dma_wait3A_33 = tpu.memref_slice %arg7[%dma_wait3A, %dma_wait3A_32] : memref<10000x128xf32, #tpu.memory_space<vmem_shared>> -> memref<10000x128xf32, #tpu.memory_space<vmem_shared>>
        tpu.wait_indirect_dma semaphore(%run_scoped3A : memref<!tpu.dma_semaphore, #tpu.memory_space<semaphore_mem>>) src(%arg6 : memref<200x128xf32, #tpu.memory_space<vmem>>) dst(%dma_wait3A_33 : memref<10000x128xf32, #tpu.memory_space<vmem_shared>>)
        tpu.yield
      }) : () -> ()
    }
    %scan3A_11 = arith.constant 12 : i32
    %barrier3A_12 = arith.constant 0 : index
    tpu.barrier barrier_id(%barrier3A_12)
    %lt3A_13 = arith.constant 10 : i32
    %lt3A_14 = arith.cmpi slt, %arg1, %lt3A_13 : i32
    %convert_element_type3A_15 = arith.extui %lt3A_14 : i1 to i32
    %cond3A_16 = arith.constant 0 : i32
    %cond3A_17 = arith.cmpi ne, %convert_element_type3A_15, %cond3A_16 : i32
    scf.if %cond3A_17 {
      %mul3A_18 = arith.constant 1000 : i32
      %mul3A_19 = arith.muli %arg1, %mul3A_18 : i32
      %mul3A_20 = arith.constant 10000 : i32
      %mul3A_21 = arith.muli %arg0, %mul3A_20 : i32
      %mul3A_22 = arith.constant 1000 : i32
      %mul3A_23 = arith.muli %arg1, %mul3A_22 : i32
      %add3A_24 = arith.addi %mul3A_21, %mul3A_23 : i32
      "tpu.region"() ({
        %run_scoped3A = tpu.sem_alloc : memref<!tpu.dma_semaphore, #tpu.memory_space<semaphore_mem>>
        %dma_start3A = arith.constant 0 : i32
        %dma_start3A_25 = tpu.memref_slice %arg4[%add3A_24, %dma_start3A] : memref<20000x128xf32, #tpu.memory_space<hbm>> -> memref<1000x128xf32, #tpu.memory_space<hbm>>
        %dma_start3A_26 = arith.constant 0 : i32
        %dma_start3A_27 = tpu.memref_slice %arg7[%mul3A_19, %dma_start3A_26] : memref<10000x128xf32, #tpu.memory_space<vmem_shared>> -> memref<1000x128xf32, #tpu.memory_space<vmem_shared>>
        tpu.enqueue_dma source(%dma_start3A_27 : memref<1000x128xf32, #tpu.memory_space<vmem_shared>>) target(%dma_start3A_25 : memref<1000x128xf32, #tpu.memory_space<hbm>>) target_semaphore(%run_scoped3A : memref<!tpu.dma_semaphore, #tpu.memory_space<semaphore_mem>>)
        %dma_wait3A = arith.constant 0 : i32
        %dma_wait3A_28 = tpu.memref_slice %arg4[%add3A_24, %dma_wait3A] : memref<20000x128xf32, #tpu.memory_space<hbm>> -> memref<1000x128xf32, #tpu.memory_space<hbm>>
        %dma_wait3A_29 = arith.constant 0 : i32
        %dma_wait3A_30 = tpu.memref_slice %arg7[%mul3A_19, %dma_wait3A_29] : memref<10000x128xf32, #tpu.memory_space<vmem_shared>> -> memref<1000x128xf32, #tpu.memory_space<vmem_shared>>
        tpu.wait_dma2 semaphore(%run_scoped3A : memref<!tpu.dma_semaphore, #tpu.memory_space<semaphore_mem>>) src(%dma_wait3A_30 : memref<1000x128xf32, #tpu.memory_space<vmem_shared>>) dst(%dma_wait3A_28 : memref<1000x128xf32, #tpu.memory_space<hbm>>)
        tpu.yield
      }) : () -> ()
    } else {
    }
    return
  }
}

#map = affine_map<(d0, d1) -> (0, 0)>
#map1 = affine_map<(d0, d1) -> (0)>
module attributes {stable_mosaic.version = 14 : i64} {
  func.func @k(%arg0: i32, %arg1: i32, %arg2: memref<30000x128xf32, #tpu.memory_space<hbm>>, %arg3: memref<160000xi32, #tpu.memory_space<hbm>>, %arg4: memref<160000xi32, #tpu.memory_space<hbm>>, %arg5: memref<160000xi32, #tpu.memory_space<hbm>>, %arg6: memref<76800x128xf32, #tpu.memory_space<hbm>>, %arg7: memref<76800x128xf32, #tpu.memory_space<hbm>>, %arg8: memref<76800x128xf32, #tpu.memory_space<hbm>>, %arg9: memref<480xi32, #tpu.memory_space<vmem>>, %arg10: memref<480x128xf32, #tpu.memory_space<vmem>>) attributes {dimension_semantics = [#tpu.dimension_semantics<core_parallel>, #tpu.dimension_semantics<subcore_parallel>], iteration_bounds = array<i64: 2, 16>, scalar_prefetch = 0 : i64, scratch_operands = 2 : i64, tpu.core_type = #tpu.core_type<sc_vector_subcore>, window_params = [{transform_indices = #map}, {transform_indices = #map1}, {transform_indices = #map1}, {transform_indices = #map1}, {transform_indices = #map}, {transform_indices = #map}, {transform_indices = #map}]} {
    %mul3A = arith.constant 2 : i32
    %mul3A_0 = arith.muli %arg1, %mul3A : i32
    %add3A = arith.addi %mul3A_0, %arg0 : i32
    %scan3A = arith.constant 0 : i32
    %scan3A_1 = arith.constant 5 : i32
    %scan3A_2 = arith.addi %scan3A, %scan3A_1 : i32
    %scan3A_3 = arith.constant 1 : i32
    scf.for %scan3A_5 = %scan3A to %scan3A_2 step %scan3A_3  : i32 {
      %mul3A_6 = arith.constant 1 : i32
      %mul3A_7 = arith.muli %scan3A_5, %mul3A_6 : i32
      %add3A_8 = arith.constant 0 : i32
      %add3A_9 = arith.addi %add3A_8, %mul3A_7 : i32
      %mul3A_10 = arith.constant 2400 : i32
      %mul3A_11 = arith.muli %add3A, %mul3A_10 : i32
      %mul3A_12 = arith.constant 480 : i32
      %mul3A_13 = arith.muli %add3A_9, %mul3A_12 : i32
      %add3A_14 = arith.addi %mul3A_11, %mul3A_13 : i32
      %add3A_15 = arith.constant 0 : i32
      %add3A_16 = arith.addi %add3A_15, %add3A_14 : i32
      "tpu.region"() ({
        %run_scoped3A = tpu.sem_alloc : memref<!tpu.dma_semaphore, #tpu.memory_space<semaphore_mem>>
        %dma_start3A = tpu.memref_slice %arg3[%add3A_16] : memref<160000xi32, #tpu.memory_space<hbm>> -> memref<480xi32, #tpu.memory_space<hbm>>
        %dma_start3A_31 = tpu.memref_slice %arg3[%add3A_16] : memref<160000xi32, #tpu.memory_space<hbm>> -> memref<480xi32, #tpu.memory_space<hbm>>
        tpu.enqueue_dma source(%dma_start3A_31 : memref<480xi32, #tpu.memory_space<hbm>>) target(%arg9 : memref<480xi32, #tpu.memory_space<vmem>>) target_semaphore(%run_scoped3A : memref<!tpu.dma_semaphore, #tpu.memory_space<semaphore_mem>>)
        %dma_wait3A = tpu.memref_slice %arg3[%add3A_16] : memref<160000xi32, #tpu.memory_space<hbm>> -> memref<480xi32, #tpu.memory_space<hbm>>
        %dma_wait3A_32 = tpu.memref_slice %arg3[%add3A_16] : memref<160000xi32, #tpu.memory_space<hbm>> -> memref<480xi32, #tpu.memory_space<hbm>>
        tpu.wait_dma2 semaphore(%run_scoped3A : memref<!tpu.dma_semaphore, #tpu.memory_space<semaphore_mem>>) src(%dma_wait3A_32 : memref<480xi32, #tpu.memory_space<hbm>>) dst(%arg9 : memref<480xi32, #tpu.memory_space<vmem>>)
        tpu.yield
      }) : () -> ()
      "tpu.region"() ({
        %run_scoped3A = tpu.sem_alloc : memref<!tpu.dma_semaphore, #tpu.memory_space<semaphore_mem>>
        %dma_start3A = arith.constant 0 : i32
        %dma_start3A_31 = arith.constant 0 : i32
        %dma_start3A_32 = tpu.memref_slice %arg2[%dma_start3A, %dma_start3A_31] : memref<30000x128xf32, #tpu.memory_space<hbm>> -> memref<30000x128xf32, #tpu.memory_space<hbm>>
        tpu.enqueue_indirect_dma source(%dma_start3A_32 : memref<30000x128xf32, #tpu.memory_space<hbm>>) target(%arg10 : memref<480x128xf32, #tpu.memory_space<vmem>>) offsets(%arg9 : memref<480xi32, #tpu.memory_space<vmem>>) semaphore(%run_scoped3A : memref<!tpu.dma_semaphore, #tpu.memory_space<semaphore_mem>>)
        %dma_wait3A = arith.constant 0 : i32
        %dma_wait3A_33 = arith.constant 0 : i32
        %dma_wait3A_34 = tpu.memref_slice %arg2[%dma_wait3A, %dma_wait3A_33] : memref<30000x128xf32, #tpu.memory_space<hbm>> -> memref<30000x128xf32, #tpu.memory_space<hbm>>
        tpu.wait_indirect_dma semaphore(%run_scoped3A : memref<!tpu.dma_semaphore, #tpu.memory_space<semaphore_mem>>) src(%dma_wait3A_34 : memref<30000x128xf32, #tpu.memory_space<hbm>>) dst(%arg10 : memref<480x128xf32, #tpu.memory_space<vmem>>)
        tpu.yield
      }) : () -> ()
      "tpu.region"() ({
        %run_scoped3A = tpu.sem_alloc : memref<!tpu.dma_semaphore, #tpu.memory_space<semaphore_mem>>
        %dma_start3A = arith.constant 0 : i32
        %dma_start3A_31 = tpu.memref_slice %arg6[%add3A_14, %dma_start3A] : memref<76800x128xf32, #tpu.memory_space<hbm>> -> memref<480x128xf32, #tpu.memory_space<hbm>>
        %dma_start3A_32 = arith.constant 0 : i32
        %dma_start3A_33 = tpu.memref_slice %arg6[%add3A_14, %dma_start3A_32] : memref<76800x128xf32, #tpu.memory_space<hbm>> -> memref<480x128xf32, #tpu.memory_space<hbm>>
        tpu.enqueue_dma source(%arg10 : memref<480x128xf32, #tpu.memory_space<vmem>>) target(%dma_start3A_33 : memref<480x128xf32, #tpu.memory_space<hbm>>) target_semaphore(%run_scoped3A : memref<!tpu.dma_semaphore, #tpu.memory_space<semaphore_mem>>)
        %dma_wait3A = arith.constant 0 : i32
        %dma_wait3A_34 = tpu.memref_slice %arg6[%add3A_14, %dma_wait3A] : memref<76800x128xf32, #tpu.memory_space<hbm>> -> memref<480x128xf32, #tpu.memory_space<hbm>>
        %dma_wait3A_35 = arith.constant 0 : i32
        %dma_wait3A_36 = tpu.memref_slice %arg6[%add3A_14, %dma_wait3A_35] : memref<76800x128xf32, #tpu.memory_space<hbm>> -> memref<480x128xf32, #tpu.memory_space<hbm>>
        tpu.wait_dma2 semaphore(%run_scoped3A : memref<!tpu.dma_semaphore, #tpu.memory_space<semaphore_mem>>) src(%arg10 : memref<480x128xf32, #tpu.memory_space<vmem>>) dst(%dma_wait3A_36 : memref<480x128xf32, #tpu.memory_space<hbm>>)
        tpu.yield
      }) : () -> ()
      %add3A_17 = arith.constant 0 : i32
      %add3A_18 = arith.addi %add3A_17, %add3A_14 : i32
      "tpu.region"() ({
        %run_scoped3A = tpu.sem_alloc : memref<!tpu.dma_semaphore, #tpu.memory_space<semaphore_mem>>
        %dma_start3A = tpu.memref_slice %arg4[%add3A_18] : memref<160000xi32, #tpu.memory_space<hbm>> -> memref<480xi32, #tpu.memory_space<hbm>>
        %dma_start3A_31 = tpu.memref_slice %arg4[%add3A_18] : memref<160000xi32, #tpu.memory_space<hbm>> -> memref<480xi32, #tpu.memory_space<hbm>>
        tpu.enqueue_dma source(%dma_start3A_31 : memref<480xi32, #tpu.memory_space<hbm>>) target(%arg9 : memref<480xi32, #tpu.memory_space<vmem>>) target_semaphore(%run_scoped3A : memref<!tpu.dma_semaphore, #tpu.memory_space<semaphore_mem>>)
        %dma_wait3A = tpu.memref_slice %arg4[%add3A_18] : memref<160000xi32, #tpu.memory_space<hbm>> -> memref<480xi32, #tpu.memory_space<hbm>>
        %dma_wait3A_32 = tpu.memref_slice %arg4[%add3A_18] : memref<160000xi32, #tpu.memory_space<hbm>> -> memref<480xi32, #tpu.memory_space<hbm>>
        tpu.wait_dma2 semaphore(%run_scoped3A : memref<!tpu.dma_semaphore, #tpu.memory_space<semaphore_mem>>) src(%dma_wait3A_32 : memref<480xi32, #tpu.memory_space<hbm>>) dst(%arg9 : memref<480xi32, #tpu.memory_space<vmem>>)
        tpu.yield
      }) : () -> ()
      %scan3A_19 = arith.constant 0 : i32
      %scan3A_20 = arith.constant 30 : i32
      %scan3A_21 = arith.addi %scan3A_19, %scan3A_20 : i32
      %scan3A_22 = arith.constant 1 : i32
      scf.for %scan3A_31 = %scan3A_19 to %scan3A_21 step %scan3A_22  : i32 {
        %mul3A_32 = arith.constant 16 : i32
        %mul3A_33 = arith.muli %scan3A_31, %mul3A_32 : i32
        %add3A_34 = arith.constant 0 : i32
        %add3A_35 = arith.addi %add3A_34, %mul3A_33 : i32
        %get3A = arith.index_cast %add3A_35 : i32 to index
        %get3A_36 = tpu.vector_load %arg9[%get3A] {strides = array<i32>} : memref<480xi32, #tpu.memory_space<vmem>>, vector<16xi32>,
        %get3A_37 = vector.shape_cast %get3A_36 : vector<16xi32> to vector<16xi32>
        %add3A_38 = arith.constant 10000 : i32
        %add3A_39 = vector.broadcast %add3A_38 : i32 to vector<16xi32>
        %add3A_40 = arith.addi %get3A_37, %add3A_39 : vector<16xi32>
        %swap3A = arith.index_cast %add3A_35 : i32 to index
        %swap3A_41 = tpu.vector_load %arg9[%swap3A] {strides = array<i32>} : memref<480xi32, #tpu.memory_space<vmem>>, vector<16xi32>,
        %swap3A_42 = vector.shape_cast %swap3A_41 : vector<16xi32> to vector<16xi32>
        %swap3A_43 = vector.shape_cast %add3A_40 : vector<16xi32> to vector<16xi32>
        tpu.vector_store %arg9[%swap3A], %swap3A_43 {strides = array<i32>} : memref<480xi32, #tpu.memory_space<vmem>>, vector<16xi32>,
      }
      %scan3A_23 = arith.constant 30 : i32
      "tpu.region"() ({
        %run_scoped3A = tpu.sem_alloc : memref<!tpu.dma_semaphore, #tpu.memory_space<semaphore_mem>>
        %dma_start3A = arith.constant 0 : i32
        %dma_start3A_31 = arith.constant 0 : i32
        %dma_start3A_32 = tpu.memref_slice %arg2[%dma_start3A, %dma_start3A_31] : memref<30000x128xf32, #tpu.memory_space<hbm>> -> memref<30000x128xf32, #tpu.memory_space<hbm>>
        tpu.enqueue_indirect_dma source(%dma_start3A_32 : memref<30000x128xf32, #tpu.memory_space<hbm>>) target(%arg10 : memref<480x128xf32, #tpu.memory_space<vmem>>) offsets(%arg9 : memref<480xi32, #tpu.memory_space<vmem>>) semaphore(%run_scoped3A : memref<!tpu.dma_semaphore, #tpu.memory_space<semaphore_mem>>)
        %dma_wait3A = arith.constant 0 : i32
        %dma_wait3A_33 = arith.constant 0 : i32
        %dma_wait3A_34 = tpu.memref_slice %arg2[%dma_wait3A, %dma_wait3A_33] : memref<30000x128xf32, #tpu.memory_space<hbm>> -> memref<30000x128xf32, #tpu.memory_space<hbm>>
        tpu.wait_indirect_dma semaphore(%run_scoped3A : memref<!tpu.dma_semaphore, #tpu.memory_space<semaphore_mem>>) src(%dma_wait3A_34 : memref<30000x128xf32, #tpu.memory_space<hbm>>) dst(%arg10 : memref<480x128xf32, #tpu.memory_space<vmem>>)
        tpu.yield
      }) : () -> ()
      "tpu.region"() ({
        %run_scoped3A = tpu.sem_alloc : memref<!tpu.dma_semaphore, #tpu.memory_space<semaphore_mem>>
        %dma_start3A = arith.constant 0 : i32
        %dma_start3A_31 = tpu.memref_slice %arg7[%add3A_14, %dma_start3A] : memref<76800x128xf32, #tpu.memory_space<hbm>> -> memref<480x128xf32, #tpu.memory_space<hbm>>
        %dma_start3A_32 = arith.constant 0 : i32
        %dma_start3A_33 = tpu.memref_slice %arg7[%add3A_14, %dma_start3A_32] : memref<76800x128xf32, #tpu.memory_space<hbm>> -> memref<480x128xf32, #tpu.memory_space<hbm>>
        tpu.enqueue_dma source(%arg10 : memref<480x128xf32, #tpu.memory_space<vmem>>) target(%dma_start3A_33 : memref<480x128xf32, #tpu.memory_space<hbm>>) target_semaphore(%run_scoped3A : memref<!tpu.dma_semaphore, #tpu.memory_space<semaphore_mem>>)
        %dma_wait3A = arith.constant 0 : i32
        %dma_wait3A_34 = tpu.memref_slice %arg7[%add3A_14, %dma_wait3A] : memref<76800x128xf32, #tpu.memory_space<hbm>> -> memref<480x128xf32, #tpu.memory_space<hbm>>
        %dma_wait3A_35 = arith.constant 0 : i32
        %dma_wait3A_36 = tpu.memref_slice %arg7[%add3A_14, %dma_wait3A_35] : memref<76800x128xf32, #tpu.memory_space<hbm>> -> memref<480x128xf32, #tpu.memory_space<hbm>>
        tpu.wait_dma2 semaphore(%run_scoped3A : memref<!tpu.dma_semaphore, #tpu.memory_space<semaphore_mem>>) src(%arg10 : memref<480x128xf32, #tpu.memory_space<vmem>>) dst(%dma_wait3A_36 : memref<480x128xf32, #tpu.memory_space<hbm>>)
        tpu.yield
      }) : () -> ()
      %add3A_24 = arith.constant 0 : i32
      %add3A_25 = arith.addi %add3A_24, %add3A_14 : i32
      "tpu.region"() ({
        %run_scoped3A = tpu.sem_alloc : memref<!tpu.dma_semaphore, #tpu.memory_space<semaphore_mem>>
        %dma_start3A = tpu.memref_slice %arg5[%add3A_25] : memref<160000xi32, #tpu.memory_space<hbm>> -> memref<480xi32, #tpu.memory_space<hbm>>
        %dma_start3A_31 = tpu.memref_slice %arg5[%add3A_25] : memref<160000xi32, #tpu.memory_space<hbm>> -> memref<480xi32, #tpu.memory_space<hbm>>
        tpu.enqueue_dma source(%dma_start3A_31 : memref<480xi32, #tpu.memory_space<hbm>>) target(%arg9 : memref<480xi32, #tpu.memory_space<vmem>>) target_semaphore(%run_scoped3A : memref<!tpu.dma_semaphore, #tpu.memory_space<semaphore_mem>>)
        %dma_wait3A = tpu.memref_slice %arg5[%add3A_25] : memref<160000xi32, #tpu.memory_space<hbm>> -> memref<480xi32, #tpu.memory_space<hbm>>
        %dma_wait3A_32 = tpu.memref_slice %arg5[%add3A_25] : memref<160000xi32, #tpu.memory_space<hbm>> -> memref<480xi32, #tpu.memory_space<hbm>>
        tpu.wait_dma2 semaphore(%run_scoped3A : memref<!tpu.dma_semaphore, #tpu.memory_space<semaphore_mem>>) src(%dma_wait3A_32 : memref<480xi32, #tpu.memory_space<hbm>>) dst(%arg9 : memref<480xi32, #tpu.memory_space<vmem>>)
        tpu.yield
      }) : () -> ()
      %scan3A_26 = arith.constant 0 : i32
      %scan3A_27 = arith.constant 30 : i32
      %scan3A_28 = arith.addi %scan3A_26, %scan3A_27 : i32
      %scan3A_29 = arith.constant 1 : i32
      scf.for %scan3A_31 = %scan3A_26 to %scan3A_28 step %scan3A_29  : i32 {
        %mul3A_32 = arith.constant 16 : i32
        %mul3A_33 = arith.muli %scan3A_31, %mul3A_32 : i32
        %add3A_34 = arith.constant 0 : i32
        %add3A_35 = arith.addi %add3A_34, %mul3A_33 : i32
        %get3A = arith.index_cast %add3A_35 : i32 to index
        %get3A_36 = tpu.vector_load %arg9[%get3A] {strides = array<i32>} : memref<480xi32, #tpu.memory_space<vmem>>, vector<16xi32>,
        %get3A_37 = vector.shape_cast %get3A_36 : vector<16xi32> to vector<16xi32>
        %add3A_38 = arith.constant 20000 : i32
        %add3A_39 = vector.broadcast %add3A_38 : i32 to vector<16xi32>
        %add3A_40 = arith.addi %get3A_37, %add3A_39 : vector<16xi32>
        %swap3A = arith.index_cast %add3A_35 : i32 to index
        %swap3A_41 = tpu.vector_load %arg9[%swap3A] {strides = array<i32>} : memref<480xi32, #tpu.memory_space<vmem>>, vector<16xi32>,
        %swap3A_42 = vector.shape_cast %swap3A_41 : vector<16xi32> to vector<16xi32>
        %swap3A_43 = vector.shape_cast %add3A_40 : vector<16xi32> to vector<16xi32>
        tpu.vector_store %arg9[%swap3A], %swap3A_43 {strides = array<i32>} : memref<480xi32, #tpu.memory_space<vmem>>, vector<16xi32>,
      }
      %scan3A_30 = arith.constant 30 : i32
      "tpu.region"() ({
        %run_scoped3A = tpu.sem_alloc : memref<!tpu.dma_semaphore, #tpu.memory_space<semaphore_mem>>
        %dma_start3A = arith.constant 0 : i32
        %dma_start3A_31 = arith.constant 0 : i32
        %dma_start3A_32 = tpu.memref_slice %arg2[%dma_start3A, %dma_start3A_31] : memref<30000x128xf32, #tpu.memory_space<hbm>> -> memref<30000x128xf32, #tpu.memory_space<hbm>>
        tpu.enqueue_indirect_dma source(%dma_start3A_32 : memref<30000x128xf32, #tpu.memory_space<hbm>>) target(%arg10 : memref<480x128xf32, #tpu.memory_space<vmem>>) offsets(%arg9 : memref<480xi32, #tpu.memory_space<vmem>>) semaphore(%run_scoped3A : memref<!tpu.dma_semaphore, #tpu.memory_space<semaphore_mem>>)
        %dma_wait3A = arith.constant 0 : i32
        %dma_wait3A_33 = arith.constant 0 : i32
        %dma_wait3A_34 = tpu.memref_slice %arg2[%dma_wait3A, %dma_wait3A_33] : memref<30000x128xf32, #tpu.memory_space<hbm>> -> memref<30000x128xf32, #tpu.memory_space<hbm>>
        tpu.wait_indirect_dma semaphore(%run_scoped3A : memref<!tpu.dma_semaphore, #tpu.memory_space<semaphore_mem>>) src(%dma_wait3A_34 : memref<30000x128xf32, #tpu.memory_space<hbm>>) dst(%arg10 : memref<480x128xf32, #tpu.memory_space<vmem>>)
        tpu.yield
      }) : () -> ()
      "tpu.region"() ({
        %run_scoped3A = tpu.sem_alloc : memref<!tpu.dma_semaphore, #tpu.memory_space<semaphore_mem>>
        %dma_start3A = arith.constant 0 : i32
        %dma_start3A_31 = tpu.memref_slice %arg8[%add3A_14, %dma_start3A] : memref<76800x128xf32, #tpu.memory_space<hbm>> -> memref<480x128xf32, #tpu.memory_space<hbm>>
        %dma_start3A_32 = arith.constant 0 : i32
        %dma_start3A_33 = tpu.memref_slice %arg8[%add3A_14, %dma_start3A_32] : memref<76800x128xf32, #tpu.memory_space<hbm>> -> memref<480x128xf32, #tpu.memory_space<hbm>>
        tpu.enqueue_dma source(%arg10 : memref<480x128xf32, #tpu.memory_space<vmem>>) target(%dma_start3A_33 : memref<480x128xf32, #tpu.memory_space<hbm>>) target_semaphore(%run_scoped3A : memref<!tpu.dma_semaphore, #tpu.memory_space<semaphore_mem>>)
        %dma_wait3A = arith.constant 0 : i32
        %dma_wait3A_34 = tpu.memref_slice %arg8[%add3A_14, %dma_wait3A] : memref<76800x128xf32, #tpu.memory_space<hbm>> -> memref<480x128xf32, #tpu.memory_space<hbm>>
        %dma_wait3A_35 = arith.constant 0 : i32
        %dma_wait3A_36 = tpu.memref_slice %arg8[%add3A_14, %dma_wait3A_35] : memref<76800x128xf32, #tpu.memory_space<hbm>> -> memref<480x128xf32, #tpu.memory_space<hbm>>
        tpu.wait_dma2 semaphore(%run_scoped3A : memref<!tpu.dma_semaphore, #tpu.memory_space<semaphore_mem>>) src(%arg10 : memref<480x128xf32, #tpu.memory_space<vmem>>) dst(%dma_wait3A_36 : memref<480x128xf32, #tpu.memory_space<hbm>>)
        tpu.yield
      }) : () -> ()
    }
    %scan3A_4 = arith.constant 5 : i32
    return
  }
}

#map = affine_map<(d0, d1) -> (0, 0)>
#map1 = affine_map<(d0, d1) -> (0)>
module attributes {stable_mosaic.version = 14 : i64} {
  func.func @k(%arg0: i32, %arg1: i32, %arg2: memref<20000x128xf32, #tpu.memory_space<hbm>>, %arg3: memref<160000xi32, #tpu.memory_space<hbm>>, %arg4: memref<160000xi32, #tpu.memory_space<hbm>>, %arg5: memref<160000x128xf32, #tpu.memory_space<hbm>>, %arg6: memref<160000x128xf32, #tpu.memory_space<hbm>>, %arg7: memref<1000xi32, #tpu.memory_space<vmem>>, %arg8: memref<1000x128xf32, #tpu.memory_space<vmem>>) attributes {dimension_semantics = [#tpu.dimension_semantics<core_parallel>, #tpu.dimension_semantics<subcore_parallel>], iteration_bounds = array<i64: 2, 16>, scalar_prefetch = 0 : i64, scratch_operands = 2 : i64, tpu.core_type = #tpu.core_type<sc_vector_subcore>, window_params = [{transform_indices = #map}, {transform_indices = #map1}, {transform_indices = #map1}, {transform_indices = #map}, {transform_indices = #map}]} {
    %mul3A = arith.constant 2 : i32
    %mul3A_0 = arith.muli %arg1, %mul3A : i32
    %add3A = arith.addi %mul3A_0, %arg0 : i32
    %scan3A = arith.constant 0 : i32
    %scan3A_1 = arith.constant 5 : i32
    %scan3A_2 = arith.addi %scan3A, %scan3A_1 : i32
    %scan3A_3 = arith.constant 1 : i32
    scf.for %scan3A_5 = %scan3A to %scan3A_2 step %scan3A_3  : i32 {
      %mul3A_6 = arith.constant 1 : i32
      %mul3A_7 = arith.muli %scan3A_5, %mul3A_6 : i32
      %add3A_8 = arith.constant 0 : i32
      %add3A_9 = arith.addi %add3A_8, %mul3A_7 : i32
      %mul3A_10 = arith.constant 5000 : i32
      %mul3A_11 = arith.muli %add3A, %mul3A_10 : i32
      %mul3A_12 = arith.constant 1000 : i32
      %mul3A_13 = arith.muli %add3A_9, %mul3A_12 : i32
      %add3A_14 = arith.addi %mul3A_11, %mul3A_13 : i32
      %add3A_15 = arith.constant 0 : i32
      %add3A_16 = arith.addi %add3A_15, %add3A_14 : i32
      "tpu.region"() ({
        %run_scoped3A = tpu.sem_alloc : memref<!tpu.dma_semaphore, #tpu.memory_space<semaphore_mem>>
        %dma_start3A = tpu.memref_slice %arg3[%add3A_16] : memref<160000xi32, #tpu.memory_space<hbm>> -> memref<1000xi32, #tpu.memory_space<hbm>>
        %dma_start3A_24 = tpu.memref_slice %arg3[%add3A_16] : memref<160000xi32, #tpu.memory_space<hbm>> -> memref<1000xi32, #tpu.memory_space<hbm>>
        tpu.enqueue_dma source(%dma_start3A_24 : memref<1000xi32, #tpu.memory_space<hbm>>) target(%arg7 : memref<1000xi32, #tpu.memory_space<vmem>>) target_semaphore(%run_scoped3A : memref<!tpu.dma_semaphore, #tpu.memory_space<semaphore_mem>>)
        %dma_wait3A = tpu.memref_slice %arg3[%add3A_16] : memref<160000xi32, #tpu.memory_space<hbm>> -> memref<1000xi32, #tpu.memory_space<hbm>>
        %dma_wait3A_25 = tpu.memref_slice %arg3[%add3A_16] : memref<160000xi32, #tpu.memory_space<hbm>> -> memref<1000xi32, #tpu.memory_space<hbm>>
        tpu.wait_dma2 semaphore(%run_scoped3A : memref<!tpu.dma_semaphore, #tpu.memory_space<semaphore_mem>>) src(%dma_wait3A_25 : memref<1000xi32, #tpu.memory_space<hbm>>) dst(%arg7 : memref<1000xi32, #tpu.memory_space<vmem>>)
        tpu.yield
      }) : () -> ()
      "tpu.region"() ({
        %run_scoped3A = tpu.sem_alloc : memref<!tpu.dma_semaphore, #tpu.memory_space<semaphore_mem>>
        %dma_start3A = arith.constant 0 : i32
        %dma_start3A_24 = arith.constant 0 : i32
        %dma_start3A_25 = tpu.memref_slice %arg2[%dma_start3A, %dma_start3A_24] : memref<20000x128xf32, #tpu.memory_space<hbm>> -> memref<20000x128xf32, #tpu.memory_space<hbm>>
        tpu.enqueue_indirect_dma source(%dma_start3A_25 : memref<20000x128xf32, #tpu.memory_space<hbm>>) target(%arg8 : memref<1000x128xf32, #tpu.memory_space<vmem>>) offsets(%arg7 : memref<1000xi32, #tpu.memory_space<vmem>>) semaphore(%run_scoped3A : memref<!tpu.dma_semaphore, #tpu.memory_space<semaphore_mem>>)
        %dma_wait3A = arith.constant 0 : i32
        %dma_wait3A_26 = arith.constant 0 : i32
        %dma_wait3A_27 = tpu.memref_slice %arg2[%dma_wait3A, %dma_wait3A_26] : memref<20000x128xf32, #tpu.memory_space<hbm>> -> memref<20000x128xf32, #tpu.memory_space<hbm>>
        tpu.wait_indirect_dma semaphore(%run_scoped3A : memref<!tpu.dma_semaphore, #tpu.memory_space<semaphore_mem>>) src(%dma_wait3A_27 : memref<20000x128xf32, #tpu.memory_space<hbm>>) dst(%arg8 : memref<1000x128xf32, #tpu.memory_space<vmem>>)
        tpu.yield
      }) : () -> ()
      "tpu.region"() ({
        %run_scoped3A = tpu.sem_alloc : memref<!tpu.dma_semaphore, #tpu.memory_space<semaphore_mem>>
        %dma_start3A = arith.constant 0 : i32
        %dma_start3A_24 = tpu.memref_slice %arg5[%add3A_14, %dma_start3A] : memref<160000x128xf32, #tpu.memory_space<hbm>> -> memref<1000x128xf32, #tpu.memory_space<hbm>>
        %dma_start3A_25 = arith.constant 0 : i32
        %dma_start3A_26 = tpu.memref_slice %arg5[%add3A_14, %dma_start3A_25] : memref<160000x128xf32, #tpu.memory_space<hbm>> -> memref<1000x128xf32, #tpu.memory_space<hbm>>
        tpu.enqueue_dma source(%arg8 : memref<1000x128xf32, #tpu.memory_space<vmem>>) target(%dma_start3A_26 : memref<1000x128xf32, #tpu.memory_space<hbm>>) target_semaphore(%run_scoped3A : memref<!tpu.dma_semaphore, #tpu.memory_space<semaphore_mem>>)
        %dma_wait3A = arith.constant 0 : i32
        %dma_wait3A_27 = tpu.memref_slice %arg5[%add3A_14, %dma_wait3A] : memref<160000x128xf32, #tpu.memory_space<hbm>> -> memref<1000x128xf32, #tpu.memory_space<hbm>>
        %dma_wait3A_28 = arith.constant 0 : i32
        %dma_wait3A_29 = tpu.memref_slice %arg5[%add3A_14, %dma_wait3A_28] : memref<160000x128xf32, #tpu.memory_space<hbm>> -> memref<1000x128xf32, #tpu.memory_space<hbm>>
        tpu.wait_dma2 semaphore(%run_scoped3A : memref<!tpu.dma_semaphore, #tpu.memory_space<semaphore_mem>>) src(%arg8 : memref<1000x128xf32, #tpu.memory_space<vmem>>) dst(%dma_wait3A_29 : memref<1000x128xf32, #tpu.memory_space<hbm>>)
        tpu.yield
      }) : () -> ()
      %add3A_17 = arith.constant 0 : i32
      %add3A_18 = arith.addi %add3A_17, %add3A_14 : i32
      "tpu.region"() ({
        %run_scoped3A = tpu.sem_alloc : memref<!tpu.dma_semaphore, #tpu.memory_space<semaphore_mem>>
        %dma_start3A = tpu.memref_slice %arg4[%add3A_18] : memref<160000xi32, #tpu.memory_space<hbm>> -> memref<1000xi32, #tpu.memory_space<hbm>>
        %dma_start3A_24 = tpu.memref_slice %arg4[%add3A_18] : memref<160000xi32, #tpu.memory_space<hbm>> -> memref<1000xi32, #tpu.memory_space<hbm>>
        tpu.enqueue_dma source(%dma_start3A_24 : memref<1000xi32, #tpu.memory_space<hbm>>) target(%arg7 : memref<1000xi32, #tpu.memory_space<vmem>>) target_semaphore(%run_scoped3A : memref<!tpu.dma_semaphore, #tpu.memory_space<semaphore_mem>>)
        %dma_wait3A = tpu.memref_slice %arg4[%add3A_18] : memref<160000xi32, #tpu.memory_space<hbm>> -> memref<1000xi32, #tpu.memory_space<hbm>>
        %dma_wait3A_25 = tpu.memref_slice %arg4[%add3A_18] : memref<160000xi32, #tpu.memory_space<hbm>> -> memref<1000xi32, #tpu.memory_space<hbm>>
        tpu.wait_dma2 semaphore(%run_scoped3A : memref<!tpu.dma_semaphore, #tpu.memory_space<semaphore_mem>>) src(%dma_wait3A_25 : memref<1000xi32, #tpu.memory_space<hbm>>) dst(%arg7 : memref<1000xi32, #tpu.memory_space<vmem>>)
        tpu.yield
      }) : () -> ()
      %scan3A_19 = arith.constant 0 : i32
      %scan3A_20 = arith.constant 63 : i32
      %scan3A_21 = arith.addi %scan3A_19, %scan3A_20 : i32
      %scan3A_22 = arith.constant 1 : i32
      scf.for %scan3A_24 = %scan3A_19 to %scan3A_21 step %scan3A_22  : i32 {
        %mul3A_25 = arith.constant 16 : i32
        %mul3A_26 = arith.muli %scan3A_24, %mul3A_25 : i32
        %add3A_27 = arith.constant 0 : i32
        %add3A_28 = arith.addi %add3A_27, %mul3A_26 : i32
        %get3A = arith.index_cast %add3A_28 : i32 to index
        %get3A_29 = tpu.vector_load %arg7[%get3A] {strides = array<i32>} : memref<1000xi32, #tpu.memory_space<vmem>>, vector<16xi32>,
        %get3A_30 = vector.shape_cast %get3A_29 : vector<16xi32> to vector<16xi32>
        %add3A_31 = arith.constant 10000 : i32
        %add3A_32 = vector.broadcast %add3A_31 : i32 to vector<16xi32>
        %add3A_33 = arith.addi %get3A_30, %add3A_32 : vector<16xi32>
        %swap3A = arith.index_cast %add3A_28 : i32 to index
        %swap3A_34 = tpu.vector_load %arg7[%swap3A] {strides = array<i32>} : memref<1000xi32, #tpu.memory_space<vmem>>, vector<16xi32>,
        %swap3A_35 = vector.shape_cast %swap3A_34 : vector<16xi32> to vector<16xi32>
        %swap3A_36 = vector.shape_cast %add3A_33 : vector<16xi32> to vector<16xi32>
        tpu.vector_store %arg7[%swap3A], %swap3A_36 {strides = array<i32>} : memref<1000xi32, #tpu.memory_space<vmem>>, vector<16xi32>,
      }
      %scan3A_23 = arith.constant 63 : i32
      "tpu.region"() ({
        %run_scoped3A = tpu.sem_alloc : memref<!tpu.dma_semaphore, #tpu.memory_space<semaphore_mem>>
        %dma_start3A = arith.constant 0 : i32
        %dma_start3A_24 = arith.constant 0 : i32
        %dma_start3A_25 = tpu.memref_slice %arg2[%dma_start3A, %dma_start3A_24] : memref<20000x128xf32, #tpu.memory_space<hbm>> -> memref<20000x128xf32, #tpu.memory_space<hbm>>
        tpu.enqueue_indirect_dma source(%dma_start3A_25 : memref<20000x128xf32, #tpu.memory_space<hbm>>) target(%arg8 : memref<1000x128xf32, #tpu.memory_space<vmem>>) offsets(%arg7 : memref<1000xi32, #tpu.memory_space<vmem>>) semaphore(%run_scoped3A : memref<!tpu.dma_semaphore, #tpu.memory_space<semaphore_mem>>)
        %dma_wait3A = arith.constant 0 : i32
        %dma_wait3A_26 = arith.constant 0 : i32
        %dma_wait3A_27 = tpu.memref_slice %arg2[%dma_wait3A, %dma_wait3A_26] : memref<20000x128xf32, #tpu.memory_space<hbm>> -> memref<20000x128xf32, #tpu.memory_space<hbm>>
        tpu.wait_indirect_dma semaphore(%run_scoped3A : memref<!tpu.dma_semaphore, #tpu.memory_space<semaphore_mem>>) src(%dma_wait3A_27 : memref<20000x128xf32, #tpu.memory_space<hbm>>) dst(%arg8 : memref<1000x128xf32, #tpu.memory_space<vmem>>)
        tpu.yield
      }) : () -> ()
      "tpu.region"() ({
        %run_scoped3A = tpu.sem_alloc : memref<!tpu.dma_semaphore, #tpu.memory_space<semaphore_mem>>
        %dma_start3A = arith.constant 0 : i32
        %dma_start3A_24 = tpu.memref_slice %arg6[%add3A_14, %dma_start3A] : memref<160000x128xf32, #tpu.memory_space<hbm>> -> memref<1000x128xf32, #tpu.memory_space<hbm>>
        %dma_start3A_25 = arith.constant 0 : i32
        %dma_start3A_26 = tpu.memref_slice %arg6[%add3A_14, %dma_start3A_25] : memref<160000x128xf32, #tpu.memory_space<hbm>> -> memref<1000x128xf32, #tpu.memory_space<hbm>>
        tpu.enqueue_dma source(%arg8 : memref<1000x128xf32, #tpu.memory_space<vmem>>) target(%dma_start3A_26 : memref<1000x128xf32, #tpu.memory_space<hbm>>) target_semaphore(%run_scoped3A : memref<!tpu.dma_semaphore, #tpu.memory_space<semaphore_mem>>)
        %dma_wait3A = arith.constant 0 : i32
        %dma_wait3A_27 = tpu.memref_slice %arg6[%add3A_14, %dma_wait3A] : memref<160000x128xf32, #tpu.memory_space<hbm>> -> memref<1000x128xf32, #tpu.memory_space<hbm>>
        %dma_wait3A_28 = arith.constant 0 : i32
        %dma_wait3A_29 = tpu.memref_slice %arg6[%add3A_14, %dma_wait3A_28] : memref<160000x128xf32, #tpu.memory_space<hbm>> -> memref<1000x128xf32, #tpu.memory_space<hbm>>
        tpu.wait_dma2 semaphore(%run_scoped3A : memref<!tpu.dma_semaphore, #tpu.memory_space<semaphore_mem>>) src(%arg8 : memref<1000x128xf32, #tpu.memory_space<vmem>>) dst(%dma_wait3A_29 : memref<1000x128xf32, #tpu.memory_space<hbm>>)
        tpu.yield
      }) : () -> ()
    }
    %scan3A_4 = arith.constant 5 : i32
    return
  }
}

module attributes {stable_mosaic.version = 14 : i64} {
  func.func @body(%arg0: i32, %arg1: memref<1600x128xf32, #tpu.memory_space<vmem>>, %arg2: memref<1600x128xf32, #tpu.memory_space<vmem>>, %arg3: memref<1600x128xf32, #tpu.memory_space<vmem>>, %arg4: memref<1600x128xf32, #tpu.memory_space<vmem>>, %arg5: memref<128x8xf32, #tpu.memory_space<vmem>>, %arg6: memref<1x8xf32, #tpu.memory_space<vmem>>, %arg7: memref<1600x128xf32, #tpu.memory_space<vmem>>, %arg8: memref<1x1x8xf32, #tpu.memory_space<vmem>>) attributes {dimension_semantics = [#tpu.dimension_semantics<parallel>], iteration_bounds = array<i64: 48>, scalar_prefetch = 0 : i64, scratch_operands = 0 : i64, tpu.core_type = #tpu.core_type<tc>, window_params = [{transform_indices = @transform_0, window_bounds = array<i64: 1600, 128>}, {transform_indices = @transform_1, window_bounds = array<i64: 1600, 128>}, {transform_indices = @transform_2, window_bounds = array<i64: 1600, 128>}, {transform_indices = @transform_3, window_bounds = array<i64: 1600, 128>}, {pipeline_mode = #tpu.pipeline_mode<synchronous>, transform_indices = @transform_4, window_bounds = array<i64: 128, 8>}, {pipeline_mode = #tpu.pipeline_mode<synchronous>, transform_indices = @transform_5, window_bounds = array<i64: 1, 8>}, {transform_indices = @transform_6, window_bounds = array<i64: 1600, 128>}, {transform_indices = @transform_7, window_bounds = array<i64: 1, 1, 8>}]} {
    %get3A = arith.constant 0 : index
    %get3A_0 = arith.constant 0 : index
    %get3A_1 = vector.load %arg1[%get3A, %get3A_0] : memref<1600x128xf32, #tpu.memory_space<vmem>>, vector<1600x128xf32>
    %get3A_2 = arith.constant 0 : index
    %get3A_3 = arith.constant 0 : index
    %get3A_4 = vector.load %arg2[%get3A_2, %get3A_3] : memref<1600x128xf32, #tpu.memory_space<vmem>>, vector<1600x128xf32>
    %mul3A = arith.mulf %get3A_1, %get3A_4 : vector<1600x128xf32>
    %iota3A = tpu.iota {dimensions = array<i32: 0>} : vector<128x8xi32>
    %iota3A_5 = tpu.iota {dimensions = array<i32: 1>} : vector<128x8xi32>
    %jit3A = arith.constant 16 : i32
    %div3A = vector.broadcast %jit3A : i32 to vector<128x8xi32>
    %div3A_6 = arith.divsi %iota3A, %div3A : vector<128x8xi32>
    %sign3A = arith.constant 0 : i32
    %sign3A_7 = vector.broadcast %sign3A : i32 to vector<128x8xi32>
    %sign3A_8 = arith.cmpi sgt, %iota3A, %sign3A_7 : vector<128x8xi32>
    %sign3A_9 = arith.extui %sign3A_8 : vector<128x8xi1> to vector<128x8xi32>
    %sign3A_10 = arith.constant 0 : i32
    %sign3A_11 = vector.broadcast %sign3A_10 : i32 to vector<128x8xi32>
    %sign3A_12 = arith.cmpi slt, %iota3A, %sign3A_11 : vector<128x8xi32>
    %sign3A_13 = arith.extui %sign3A_12 : vector<128x8xi1> to vector<128x8xi32>
    %sign3A_14 = arith.subi %sign3A_9, %sign3A_13 : vector<128x8xi32>
    %sign3A_15 = arith.constant 0 : i32
    %sign3A_16 = arith.cmpi sgt, %jit3A, %sign3A_15 : i32
    %sign3A_17 = arith.extui %sign3A_16 : i1 to i32
    %sign3A_18 = arith.constant 0 : i32
    %sign3A_19 = arith.cmpi slt, %jit3A, %sign3A_18 : i32
    %sign3A_20 = arith.extui %sign3A_19 : i1 to i32
    %sign3A_21 = arith.subi %sign3A_17, %sign3A_20 : i32
    %ne3A = vector.broadcast %sign3A_21 : i32 to vector<128x8xi32>
    %ne3A_22 = arith.cmpi ne, %sign3A_14, %ne3A : vector<128x8xi32>
    %rem3A = vector.broadcast %jit3A : i32 to vector<128x8xi32>
    %rem3A_23 = arith.remsi %iota3A, %rem3A : vector<128x8xi32>
    %ne3A_24 = arith.constant 0 : i32
    %ne3A_25 = vector.broadcast %ne3A_24 : i32 to vector<128x8xi32>
    %ne3A_26 = arith.cmpi ne, %rem3A_23, %ne3A_25 : vector<128x8xi32>
    %and3A = arith.andi %ne3A_22, %ne3A_26 : vector<128x8xi1>
    %sub3A = arith.constant 1 : i32
    %sub3A_27 = vector.broadcast %sub3A : i32 to vector<128x8xi32>
    %sub3A_28 = arith.subi %div3A_6, %sub3A_27 : vector<128x8xi32>
    %select_n3A = arith.select %and3A, %sub3A_28, %div3A_6 : vector<128x8xi1>, vector<128x8xi32>
    %eq3A = arith.cmpi eq, %select_n3A, %iota3A_5 : vector<128x8xi32>
    %convert_element_type3A = arith.extui %eq3A : vector<128x8xi1> to vector<128x8xi32>
    %convert_element_type3A_29 = arith.sitofp %convert_element_type3A : vector<128x8xi32> to vector<128x8xf32>
    %convert_element_type3A_30 = arith.truncf %convert_element_type3A_29 : vector<128x8xf32> to vector<128x8xbf16>
    %convert_element_type3A_31 = arith.truncf %mul3A : vector<1600x128xf32> to vector<1600x128xbf16>
    %dot_general3A = arith.constant dense<0.000000e+00> : vector<1600x8xf32>
    %dot_general3A_32 = tpu.matmul %convert_element_type3A_31, %convert_element_type3A_30, %dot_general3A {dimension_numbers = #tpu.dot_dimension_numbers<[1], [0], [0], [1], [0, 0, 1, 1], [], []>, transpose_lhs_hint = false} : vector<1600x128xbf16>, vector<128x8xbf16>, vector<1600x8xf32> -> vector<1600x8xf32>
    %mul3A_33 = arith.constant 2.500000e-01 : f32
    %mul3A_34 = vector.broadcast %mul3A_33 : f32 to vector<1600x8xf32>
    %mul3A_35 = arith.mulf %dot_general3A_32, %mul3A_34 : vector<1600x8xf32>
    %get3A_36 = arith.constant 0 : index
    %get3A_37 = arith.constant 0 : index
    %get3A_38 = vector.load %arg4[%get3A_36, %get3A_37] : memref<1600x128xf32, #tpu.memory_space<vmem>>, vector<1600x128xf32>
    %get3A_39 = arith.constant 0 : index
    %get3A_40 = arith.constant 0 : index
    %get3A_41 = vector.load %arg5[%get3A_39, %get3A_40] : memref<128x8xf32, #tpu.memory_space<vmem>>, vector<128x8xf32>
    %convert_element_type3A_42 = arith.truncf %get3A_38 : vector<1600x128xf32> to vector<1600x128xbf16>
    %convert_element_type3A_43 = arith.truncf %get3A_41 : vector<128x8xf32> to vector<128x8xbf16>
    %dot_general3A_44 = arith.constant dense<0.000000e+00> : vector<1600x8xf32>
    %dot_general3A_45 = tpu.matmul %convert_element_type3A_42, %convert_element_type3A_43, %dot_general3A_44 {dimension_numbers = #tpu.dot_dimension_numbers<[1], [0], [0], [1], [0, 0, 1, 1], [], []>, transpose_lhs_hint = false} : vector<1600x128xbf16>, vector<128x8xbf16>, vector<1600x8xf32> -> vector<1600x8xf32>
    %add3A = arith.addf %mul3A_35, %dot_general3A_45 : vector<1600x8xf32>
    %get3A_46 = arith.constant 0 : index
    %get3A_47 = arith.constant 0 : index
    %get3A_48 = vector.load %arg6[%get3A_46, %get3A_47] : memref<1x8xf32, #tpu.memory_space<vmem>>, vector<1x8xf32>
    %add3A_49 = vector.broadcast %get3A_48 : vector<1x8xf32> to vector<1600x8xf32>
    %add3A_50 = arith.addf %add3A, %add3A_49 : vector<1600x8xf32>
    %exp3A = math.exp %add3A_50 : vector<1600x8xf32>
    %reduce_sum3A = arith.constant dense<0.000000e+00> : vector<8xf32>
    %reduce_sum3A_51 = vector.multi_reduction <add>, %exp3A, %reduce_sum3A [0] : vector<1600x8xf32> to vector<8xf32>
    %broadcast_in_dim3A = vector.shape_cast %reduce_sum3A_51 : vector<8xf32> to vector<1x8xf32>
    %swap3A = arith.constant 0 : index
    %swap3A_52 = arith.constant 0 : index
    %swap3A_53 = arith.constant 0 : index
    %swap3A_54 = vector.load %arg8[%swap3A, %swap3A_52, %swap3A_53] : memref<1x1x8xf32, #tpu.memory_space<vmem>>, vector<1x1x8xf32>
    %swap3A_55 = vector.shape_cast %swap3A_54 : vector<1x1x8xf32> to vector<1x8xf32>
    %swap3A_56 = vector.shape_cast %broadcast_in_dim3A : vector<1x8xf32> to vector<1x1x8xf32>
    tpu.vector_store %arg8[%swap3A, %swap3A_52, %swap3A_53], %swap3A_56 {strides = array<i32>} : memref<1x1x8xf32, #tpu.memory_space<vmem>>, vector<1x1x8xf32>,
    %convert_element_type3A_57 = arith.truncf %exp3A : vector<1600x8xf32> to vector<1600x8xbf16>
    %transpose3A = tpu.transpose %convert_element_type3A_30, [1, 0] : vector<128x8xbf16> -> vector<8x128xbf16>
    %dot_general3A_58 = arith.constant dense<0.000000e+00> : vector<1600x128xf32>
    %dot_general3A_59 = tpu.matmul %convert_element_type3A_57, %transpose3A, %dot_general3A_58 {dimension_numbers = #tpu.dot_dimension_numbers<[1], [0], [0], [1], [0, 0, 1, 1], [], []>, transpose_lhs_hint = false} : vector<1600x8xbf16>, vector<8x128xbf16>, vector<1600x128xf32> -> vector<1600x128xf32>
    %get3A_60 = arith.constant 0 : index
    %get3A_61 = arith.constant 0 : index
    %get3A_62 = vector.load %arg3[%get3A_60, %get3A_61] : memref<1600x128xf32, #tpu.memory_space<vmem>>, vector<1600x128xf32>
    %mul3A_63 = arith.mulf %dot_general3A_59, %get3A_62 : vector<1600x128xf32>
    %swap3A_64 = arith.constant 0 : index
    %swap3A_65 = arith.constant 0 : index
    %swap3A_66 = vector.load %arg7[%swap3A_64, %swap3A_65] : memref<1600x128xf32, #tpu.memory_space<vmem>>, vector<1600x128xf32>
    tpu.vector_store %arg7[%swap3A_64, %swap3A_65], %mul3A_63 {strides = array<i32>} : memref<1600x128xf32, #tpu.memory_space<vmem>>, vector<1600x128xf32>,
    return
  }
  func.func @transform_0(%arg0: i32) -> (i32, i32) {
    %c0_i32 = arith.constant 0 : i32
    %c0_i32_0 = arith.constant 0 : i32
    return %arg0, %c0_i32 : i32, i32
  }
  func.func @transform_1(%arg0: i32) -> (i32, i32) {
    %c0_i32 = arith.constant 0 : i32
    %c0_i32_0 = arith.constant 0 : i32
    return %arg0, %c0_i32 : i32, i32
  }
  func.func @transform_2(%arg0: i32) -> (i32, i32) {
    %c0_i32 = arith.constant 0 : i32
    %c0_i32_0 = arith.constant 0 : i32
    return %arg0, %c0_i32 : i32, i32
  }
  func.func @transform_3(%arg0: i32) -> (i32, i32) {
    %add3A = arith.constant 0 : i32
    %add3A_0 = arith.addi %arg0, %add3A : i32
    %c0_i32 = arith.constant 0 : i32
    %c0_i32_1 = arith.constant 0 : i32
    return %add3A_0, %c0_i32 : i32, i32
  }
  func.func @transform_4(%arg0: i32) -> (i32, i32) {
    %c0_i32 = arith.constant 0 : i32
    %c0_i32_0 = arith.constant 0 : i32
    %c0_i32_1 = arith.constant 0 : i32
    return %c0_i32, %c0_i32_0 : i32, i32
  }
  func.func @transform_5(%arg0: i32) -> (i32, i32) {
    %c0_i32 = arith.constant 0 : i32
    %c0_i32_0 = arith.constant 0 : i32
    %c0_i32_1 = arith.constant 0 : i32
    return %c0_i32, %c0_i32_0 : i32, i32
  }
  func.func @transform_6(%arg0: i32) -> (i32, i32) {
    %c0_i32 = arith.constant 0 : i32
    %c0_i32_0 = arith.constant 0 : i32
    return %arg0, %c0_i32 : i32, i32
  }
  func.func @transform_7(%arg0: i32) -> (i32, i32, i32) {
    %c0_i32 = arith.constant 0 : i32
    %c0_i32_0 = arith.constant 0 : i32
    %c0_i32_1 = arith.constant 0 : i32
    return %arg0, %c0_i32, %c0_i32_0 : i32, i32, i32
  }
}

module attributes {stable_mosaic.version = 14 : i64} {
  func.func @body(%arg0: i32, %arg1: memref<2000x128xf32, #tpu.memory_space<vmem>>, %arg2: memref<128x128xf32, #tpu.memory_space<vmem>>, %arg3: memref<1x128xf32, #tpu.memory_space<vmem>>, %arg4: memref<128x128xf32, #tpu.memory_space<vmem>>, %arg5: memref<1x128xf32, #tpu.memory_space<vmem>>, %arg6: memref<128x128xf32, #tpu.memory_space<vmem>>, %arg7: memref<1x128xf32, #tpu.memory_space<vmem>>, %arg8: memref<3x2000x128xf32, #tpu.memory_space<vmem>>) attributes {dimension_semantics = [#tpu.dimension_semantics<parallel>], iteration_bounds = array<i64: 5>, scalar_prefetch = 0 : i64, scratch_operands = 0 : i64, tpu.core_type = #tpu.core_type<tc>, window_params = [{transform_indices = @transform_0, window_bounds = array<i64: 2000, 128>}, {pipeline_mode = #tpu.pipeline_mode<synchronous>, transform_indices = @transform_1, window_bounds = array<i64: 128, 128>}, {pipeline_mode = #tpu.pipeline_mode<synchronous>, transform_indices = @transform_2, window_bounds = array<i64: 1, 128>}, {pipeline_mode = #tpu.pipeline_mode<synchronous>, transform_indices = @transform_3, window_bounds = array<i64: 128, 128>}, {pipeline_mode = #tpu.pipeline_mode<synchronous>, transform_indices = @transform_4, window_bounds = array<i64: 1, 128>}, {pipeline_mode = #tpu.pipeline_mode<synchronous>, transform_indices = @transform_5, window_bounds = array<i64: 128, 128>}, {pipeline_mode = #tpu.pipeline_mode<synchronous>, transform_indices = @transform_6, window_bounds = array<i64: 1, 128>}, {transform_indices = @transform_7, window_bounds = array<i64: 3, 2000, 128>}]} {
    %get3A = arith.constant 0 : index
    %get3A_0 = arith.constant 0 : index
    %get3A_1 = vector.load %arg1[%get3A, %get3A_0] : memref<2000x128xf32, #tpu.memory_space<vmem>>, vector<2000x128xf32>
    %get3A_2 = arith.constant 0 : index
    %get3A_3 = arith.constant 0 : index
    %get3A_4 = vector.load %arg2[%get3A_2, %get3A_3] : memref<128x128xf32, #tpu.memory_space<vmem>>, vector<128x128xf32>
    %convert_element_type3A = arith.truncf %get3A_1 : vector<2000x128xf32> to vector<2000x128xbf16>
    %convert_element_type3A_5 = arith.truncf %get3A_4 : vector<128x128xf32> to vector<128x128xbf16>
    %dot_general3A = arith.constant dense<0.000000e+00> : vector<2000x128xf32>
    %dot_general3A_6 = tpu.matmul %convert_element_type3A, %convert_element_type3A_5, %dot_general3A {dimension_numbers = #tpu.dot_dimension_numbers<[1], [0], [0], [1], [0, 0, 1, 1], [], []>, transpose_lhs_hint = false} : vector<2000x128xbf16>, vector<128x128xbf16>, vector<2000x128xf32> -> vector<2000x128xf32>
    %get3A_7 = arith.constant 0 : index
    %get3A_8 = arith.constant 0 : index
    %get3A_9 = vector.load %arg3[%get3A_7, %get3A_8] : memref<1x128xf32, #tpu.memory_space<vmem>>, vector<1x128xf32>
    %add3A = vector.broadcast %get3A_9 : vector<1x128xf32> to vector<2000x128xf32>
    %add3A_10 = arith.addf %dot_general3A_6, %add3A : vector<2000x128xf32>
    %swap3A = arith.constant 0 : index
    %swap3A_11 = arith.constant 0 : index
    %swap3A_12 = arith.constant 0 : index
    %swap3A_13 = vector.load %arg8[%swap3A, %swap3A_11, %swap3A_12] : memref<3x2000x128xf32, #tpu.memory_space<vmem>>, vector<1x2000x128xf32>
    %swap3A_14 = vector.shape_cast %swap3A_13 : vector<1x2000x128xf32> to vector<2000x128xf32>
    %swap3A_15 = vector.shape_cast %add3A_10 : vector<2000x128xf32> to vector<1x2000x128xf32>
    tpu.vector_store %arg8[%swap3A, %swap3A_11, %swap3A_12], %swap3A_15 {strides = array<i32>} : memref<3x2000x128xf32, #tpu.memory_space<vmem>>, vector<1x2000x128xf32>,
    %get3A_16 = arith.constant 0 : index
    %get3A_17 = arith.constant 0 : index
    %get3A_18 = vector.load %arg4[%get3A_16, %get3A_17] : memref<128x128xf32, #tpu.memory_space<vmem>>, vector<128x128xf32>
    %convert_element_type3A_19 = arith.truncf %get3A_1 : vector<2000x128xf32> to vector<2000x128xbf16>
    %convert_element_type3A_20 = arith.truncf %get3A_18 : vector<128x128xf32> to vector<128x128xbf16>
    %dot_general3A_21 = arith.constant dense<0.000000e+00> : vector<2000x128xf32>
    %dot_general3A_22 = tpu.matmul %convert_element_type3A_19, %convert_element_type3A_20, %dot_general3A_21 {dimension_numbers = #tpu.dot_dimension_numbers<[1], [0], [0], [1], [0, 0, 1, 1], [], []>, transpose_lhs_hint = false} : vector<2000x128xbf16>, vector<128x128xbf16>, vector<2000x128xf32> -> vector<2000x128xf32>
    %get3A_23 = arith.constant 0 : index
    %get3A_24 = arith.constant 0 : index
    %get3A_25 = vector.load %arg5[%get3A_23, %get3A_24] : memref<1x128xf32, #tpu.memory_space<vmem>>, vector<1x128xf32>
    %add3A_26 = vector.broadcast %get3A_25 : vector<1x128xf32> to vector<2000x128xf32>
    %add3A_27 = arith.addf %dot_general3A_22, %add3A_26 : vector<2000x128xf32>
    %swap3A_28 = arith.constant 1 : index
    %swap3A_29 = arith.constant 0 : index
    %swap3A_30 = arith.constant 0 : index
    %swap3A_31 = vector.load %arg8[%swap3A_28, %swap3A_29, %swap3A_30] : memref<3x2000x128xf32, #tpu.memory_space<vmem>>, vector<1x2000x128xf32>
    %swap3A_32 = vector.shape_cast %swap3A_31 : vector<1x2000x128xf32> to vector<2000x128xf32>
    %swap3A_33 = vector.shape_cast %add3A_27 : vector<2000x128xf32> to vector<1x2000x128xf32>
    tpu.vector_store %arg8[%swap3A_28, %swap3A_29, %swap3A_30], %swap3A_33 {strides = array<i32>} : memref<3x2000x128xf32, #tpu.memory_space<vmem>>, vector<1x2000x128xf32>,
    %get3A_34 = arith.constant 0 : index
    %get3A_35 = arith.constant 0 : index
    %get3A_36 = vector.load %arg6[%get3A_34, %get3A_35] : memref<128x128xf32, #tpu.memory_space<vmem>>, vector<128x128xf32>
    %convert_element_type3A_37 = arith.truncf %get3A_1 : vector<2000x128xf32> to vector<2000x128xbf16>
    %convert_element_type3A_38 = arith.truncf %get3A_36 : vector<128x128xf32> to vector<128x128xbf16>
    %dot_general3A_39 = arith.constant dense<0.000000e+00> : vector<2000x128xf32>
    %dot_general3A_40 = tpu.matmul %convert_element_type3A_37, %convert_element_type3A_38, %dot_general3A_39 {dimension_numbers = #tpu.dot_dimension_numbers<[1], [0], [0], [1], [0, 0, 1, 1], [], []>, transpose_lhs_hint = false} : vector<2000x128xbf16>, vector<128x128xbf16>, vector<2000x128xf32> -> vector<2000x128xf32>
    %get3A_41 = arith.constant 0 : index
    %get3A_42 = arith.constant 0 : index
    %get3A_43 = vector.load %arg7[%get3A_41, %get3A_42] : memref<1x128xf32, #tpu.memory_space<vmem>>, vector<1x128xf32>
    %add3A_44 = vector.broadcast %get3A_43 : vector<1x128xf32> to vector<2000x128xf32>
    %add3A_45 = arith.addf %dot_general3A_40, %add3A_44 : vector<2000x128xf32>
    %swap3A_46 = arith.constant 2 : index
    %swap3A_47 = arith.constant 0 : index
    %swap3A_48 = arith.constant 0 : index
    %swap3A_49 = vector.load %arg8[%swap3A_46, %swap3A_47, %swap3A_48] : memref<3x2000x128xf32, #tpu.memory_space<vmem>>, vector<1x2000x128xf32>
    %swap3A_50 = vector.shape_cast %swap3A_49 : vector<1x2000x128xf32> to vector<2000x128xf32>
    %swap3A_51 = vector.shape_cast %add3A_45 : vector<2000x128xf32> to vector<1x2000x128xf32>
    tpu.vector_store %arg8[%swap3A_46, %swap3A_47, %swap3A_48], %swap3A_51 {strides = array<i32>} : memref<3x2000x128xf32, #tpu.memory_space<vmem>>, vector<1x2000x128xf32>,
    return
  }
  func.func @transform_0(%arg0: i32) -> (i32, i32) {
    %c0_i32 = arith.constant 0 : i32
    %c0_i32_0 = arith.constant 0 : i32
    return %arg0, %c0_i32 : i32, i32
  }
  func.func @transform_1(%arg0: i32) -> (i32, i32) {
    %c0_i32 = arith.constant 0 : i32
    %c0_i32_0 = arith.constant 0 : i32
    %c0_i32_1 = arith.constant 0 : i32
    return %c0_i32, %c0_i32_0 : i32, i32
  }
  func.func @transform_2(%arg0: i32) -> (i32, i32) {
    %c0_i32 = arith.constant 0 : i32
    %c0_i32_0 = arith.constant 0 : i32
    %c0_i32_1 = arith.constant 0 : i32
    return %c0_i32, %c0_i32_0 : i32, i32
  }
  func.func @transform_3(%arg0: i32) -> (i32, i32) {
    %c0_i32 = arith.constant 0 : i32
    %c0_i32_0 = arith.constant 0 : i32
    %c0_i32_1 = arith.constant 0 : i32
    return %c0_i32, %c0_i32_0 : i32, i32
  }
  func.func @transform_4(%arg0: i32) -> (i32, i32) {
    %c0_i32 = arith.constant 0 : i32
    %c0_i32_0 = arith.constant 0 : i32
    %c0_i32_1 = arith.constant 0 : i32
    return %c0_i32, %c0_i32_0 : i32, i32
  }
  func.func @transform_5(%arg0: i32) -> (i32, i32) {
    %c0_i32 = arith.constant 0 : i32
    %c0_i32_0 = arith.constant 0 : i32
    %c0_i32_1 = arith.constant 0 : i32
    return %c0_i32, %c0_i32_0 : i32, i32
  }
  func.func @transform_6(%arg0: i32) -> (i32, i32) {
    %c0_i32 = arith.constant 0 : i32
    %c0_i32_0 = arith.constant 0 : i32
    %c0_i32_1 = arith.constant 0 : i32
    return %c0_i32, %c0_i32_0 : i32, i32
  }
  func.func @transform_7(%arg0: i32) -> (i32, i32, i32) {
    %c0_i32 = arith.constant 0 : i32
    %c0_i32_0 = arith.constant 0 : i32
    %c0_i32_1 = arith.constant 0 : i32
    return %c0_i32, %arg0, %c0_i32_0 : i32, i32, i32
  }
}

module attributes {stable_mosaic.version = 14 : i64} {
  func.func @body(%arg0: i32, %arg1: memref<1600x128xf32, #tpu.memory_space<vmem>>, %arg2: memref<1600x128xf32, #tpu.memory_space<vmem>>, %arg3: memref<1600x128xf32, #tpu.memory_space<vmem>>, %arg4: memref<1600x128xf32, #tpu.memory_space<vmem>>, %arg5: memref<128x8xf32, #tpu.memory_space<vmem>>, %arg6: memref<1x8xf32, #tpu.memory_space<vmem>>, %arg7: memref<1600x128xf32, #tpu.memory_space<vmem>>, %arg8: memref<1x1x8xf32, #tpu.memory_space<vmem>>) attributes {dimension_semantics = [#tpu.dimension_semantics<parallel>], iteration_bounds = array<i64: 52>, scalar_prefetch = 0 : i64, scratch_operands = 0 : i64, tpu.core_type = #tpu.core_type<tc>, window_params = [{transform_indices = @transform_0, window_bounds = array<i64: 1600, 128>}, {transform_indices = @transform_1, window_bounds = array<i64: 1600, 128>}, {transform_indices = @transform_2, window_bounds = array<i64: 1600, 128>}, {transform_indices = @transform_3, window_bounds = array<i64: 1600, 128>}, {pipeline_mode = #tpu.pipeline_mode<synchronous>, transform_indices = @transform_4, window_bounds = array<i64: 128, 8>}, {pipeline_mode = #tpu.pipeline_mode<synchronous>, transform_indices = @transform_5, window_bounds = array<i64: 1, 8>}, {transform_indices = @transform_6, window_bounds = array<i64: 1600, 128>}, {transform_indices = @transform_7, window_bounds = array<i64: 1, 1, 8>}]} {
    %get3A = arith.constant 0 : index
    %get3A_0 = arith.constant 0 : index
    %get3A_1 = vector.load %arg1[%get3A, %get3A_0] : memref<1600x128xf32, #tpu.memory_space<vmem>>, vector<1600x128xf32>
    %get3A_2 = arith.constant 0 : index
    %get3A_3 = arith.constant 0 : index
    %get3A_4 = vector.load %arg2[%get3A_2, %get3A_3] : memref<1600x128xf32, #tpu.memory_space<vmem>>, vector<1600x128xf32>
    %mul3A = arith.mulf %get3A_1, %get3A_4 : vector<1600x128xf32>
    %iota3A = tpu.iota {dimensions = array<i32: 0>} : vector<128x8xi32>
    %iota3A_5 = tpu.iota {dimensions = array<i32: 1>} : vector<128x8xi32>
    %jit3A = arith.constant 16 : i32
    %div3A = vector.broadcast %jit3A : i32 to vector<128x8xi32>
    %div3A_6 = arith.divsi %iota3A, %div3A : vector<128x8xi32>
    %sign3A = arith.constant 0 : i32
    %sign3A_7 = vector.broadcast %sign3A : i32 to vector<128x8xi32>
    %sign3A_8 = arith.cmpi sgt, %iota3A, %sign3A_7 : vector<128x8xi32>
    %sign3A_9 = arith.extui %sign3A_8 : vector<128x8xi1> to vector<128x8xi32>
    %sign3A_10 = arith.constant 0 : i32
    %sign3A_11 = vector.broadcast %sign3A_10 : i32 to vector<128x8xi32>
    %sign3A_12 = arith.cmpi slt, %iota3A, %sign3A_11 : vector<128x8xi32>
    %sign3A_13 = arith.extui %sign3A_12 : vector<128x8xi1> to vector<128x8xi32>
    %sign3A_14 = arith.subi %sign3A_9, %sign3A_13 : vector<128x8xi32>
    %sign3A_15 = arith.constant 0 : i32
    %sign3A_16 = arith.cmpi sgt, %jit3A, %sign3A_15 : i32
    %sign3A_17 = arith.extui %sign3A_16 : i1 to i32
    %sign3A_18 = arith.constant 0 : i32
    %sign3A_19 = arith.cmpi slt, %jit3A, %sign3A_18 : i32
    %sign3A_20 = arith.extui %sign3A_19 : i1 to i32
    %sign3A_21 = arith.subi %sign3A_17, %sign3A_20 : i32
    %ne3A = vector.broadcast %sign3A_21 : i32 to vector<128x8xi32>
    %ne3A_22 = arith.cmpi ne, %sign3A_14, %ne3A : vector<128x8xi32>
    %rem3A = vector.broadcast %jit3A : i32 to vector<128x8xi32>
    %rem3A_23 = arith.remsi %iota3A, %rem3A : vector<128x8xi32>
    %ne3A_24 = arith.constant 0 : i32
    %ne3A_25 = vector.broadcast %ne3A_24 : i32 to vector<128x8xi32>
    %ne3A_26 = arith.cmpi ne, %rem3A_23, %ne3A_25 : vector<128x8xi32>
    %and3A = arith.andi %ne3A_22, %ne3A_26 : vector<128x8xi1>
    %sub3A = arith.constant 1 : i32
    %sub3A_27 = vector.broadcast %sub3A : i32 to vector<128x8xi32>
    %sub3A_28 = arith.subi %div3A_6, %sub3A_27 : vector<128x8xi32>
    %select_n3A = arith.select %and3A, %sub3A_28, %div3A_6 : vector<128x8xi1>, vector<128x8xi32>
    %eq3A = arith.cmpi eq, %select_n3A, %iota3A_5 : vector<128x8xi32>
    %convert_element_type3A = arith.extui %eq3A : vector<128x8xi1> to vector<128x8xi32>
    %convert_element_type3A_29 = arith.sitofp %convert_element_type3A : vector<128x8xi32> to vector<128x8xf32>
    %convert_element_type3A_30 = arith.truncf %convert_element_type3A_29 : vector<128x8xf32> to vector<128x8xbf16>
    %convert_element_type3A_31 = arith.truncf %mul3A : vector<1600x128xf32> to vector<1600x128xbf16>
    %dot_general3A = arith.constant dense<0.000000e+00> : vector<1600x8xf32>
    %dot_general3A_32 = tpu.matmul %convert_element_type3A_31, %convert_element_type3A_30, %dot_general3A {dimension_numbers = #tpu.dot_dimension_numbers<[1], [0], [0], [1], [0, 0, 1, 1], [], []>, transpose_lhs_hint = false} : vector<1600x128xbf16>, vector<128x8xbf16>, vector<1600x8xf32> -> vector<1600x8xf32>
    %mul3A_33 = arith.constant 2.500000e-01 : f32
    %mul3A_34 = vector.broadcast %mul3A_33 : f32 to vector<1600x8xf32>
    %mul3A_35 = arith.mulf %dot_general3A_32, %mul3A_34 : vector<1600x8xf32>
    %get3A_36 = arith.constant 0 : index
    %get3A_37 = arith.constant 0 : index
    %get3A_38 = vector.load %arg4[%get3A_36, %get3A_37] : memref<1600x128xf32, #tpu.memory_space<vmem>>, vector<1600x128xf32>
    %get3A_39 = arith.constant 0 : index
    %get3A_40 = arith.constant 0 : index
    %get3A_41 = vector.load %arg5[%get3A_39, %get3A_40] : memref<128x8xf32, #tpu.memory_space<vmem>>, vector<128x8xf32>
    %convert_element_type3A_42 = arith.truncf %get3A_38 : vector<1600x128xf32> to vector<1600x128xbf16>
    %convert_element_type3A_43 = arith.truncf %get3A_41 : vector<128x8xf32> to vector<128x8xbf16>
    %dot_general3A_44 = arith.constant dense<0.000000e+00> : vector<1600x8xf32>
    %dot_general3A_45 = tpu.matmul %convert_element_type3A_42, %convert_element_type3A_43, %dot_general3A_44 {dimension_numbers = #tpu.dot_dimension_numbers<[1], [0], [0], [1], [0, 0, 1, 1], [], []>, transpose_lhs_hint = false} : vector<1600x128xbf16>, vector<128x8xbf16>, vector<1600x8xf32> -> vector<1600x8xf32>
    %add3A = arith.addf %mul3A_35, %dot_general3A_45 : vector<1600x8xf32>
    %get3A_46 = arith.constant 0 : index
    %get3A_47 = arith.constant 0 : index
    %get3A_48 = vector.load %arg6[%get3A_46, %get3A_47] : memref<1x8xf32, #tpu.memory_space<vmem>>, vector<1x8xf32>
    %add3A_49 = vector.broadcast %get3A_48 : vector<1x8xf32> to vector<1600x8xf32>
    %add3A_50 = arith.addf %add3A, %add3A_49 : vector<1600x8xf32>
    %exp3A = math.exp %add3A_50 : vector<1600x8xf32>
    %reduce_sum3A = arith.constant dense<0.000000e+00> : vector<8xf32>
    %reduce_sum3A_51 = vector.multi_reduction <add>, %exp3A, %reduce_sum3A [0] : vector<1600x8xf32> to vector<8xf32>
    %broadcast_in_dim3A = vector.shape_cast %reduce_sum3A_51 : vector<8xf32> to vector<1x8xf32>
    %swap3A = arith.constant 0 : index
    %swap3A_52 = arith.constant 0 : index
    %swap3A_53 = arith.constant 0 : index
    %swap3A_54 = vector.load %arg8[%swap3A, %swap3A_52, %swap3A_53] : memref<1x1x8xf32, #tpu.memory_space<vmem>>, vector<1x1x8xf32>
    %swap3A_55 = vector.shape_cast %swap3A_54 : vector<1x1x8xf32> to vector<1x8xf32>
    %swap3A_56 = vector.shape_cast %broadcast_in_dim3A : vector<1x8xf32> to vector<1x1x8xf32>
    tpu.vector_store %arg8[%swap3A, %swap3A_52, %swap3A_53], %swap3A_56 {strides = array<i32>} : memref<1x1x8xf32, #tpu.memory_space<vmem>>, vector<1x1x8xf32>,
    %convert_element_type3A_57 = arith.truncf %exp3A : vector<1600x8xf32> to vector<1600x8xbf16>
    %transpose3A = tpu.transpose %convert_element_type3A_30, [1, 0] : vector<128x8xbf16> -> vector<8x128xbf16>
    %dot_general3A_58 = arith.constant dense<0.000000e+00> : vector<1600x128xf32>
    %dot_general3A_59 = tpu.matmul %convert_element_type3A_57, %transpose3A, %dot_general3A_58 {dimension_numbers = #tpu.dot_dimension_numbers<[1], [0], [0], [1], [0, 0, 1, 1], [], []>, transpose_lhs_hint = false} : vector<1600x8xbf16>, vector<8x128xbf16>, vector<1600x128xf32> -> vector<1600x128xf32>
    %get3A_60 = arith.constant 0 : index
    %get3A_61 = arith.constant 0 : index
    %get3A_62 = vector.load %arg3[%get3A_60, %get3A_61] : memref<1600x128xf32, #tpu.memory_space<vmem>>, vector<1600x128xf32>
    %mul3A_63 = arith.mulf %dot_general3A_59, %get3A_62 : vector<1600x128xf32>
    %swap3A_64 = arith.constant 0 : index
    %swap3A_65 = arith.constant 0 : index
    %swap3A_66 = vector.load %arg7[%swap3A_64, %swap3A_65] : memref<1600x128xf32, #tpu.memory_space<vmem>>, vector<1600x128xf32>
    tpu.vector_store %arg7[%swap3A_64, %swap3A_65], %mul3A_63 {strides = array<i32>} : memref<1600x128xf32, #tpu.memory_space<vmem>>, vector<1600x128xf32>,
    return
  }
  func.func @transform_0(%arg0: i32) -> (i32, i32) {
    %c0_i32 = arith.constant 0 : i32
    %c0_i32_0 = arith.constant 0 : i32
    return %arg0, %c0_i32 : i32, i32
  }
  func.func @transform_1(%arg0: i32) -> (i32, i32) {
    %c0_i32 = arith.constant 0 : i32
    %c0_i32_0 = arith.constant 0 : i32
    return %arg0, %c0_i32 : i32, i32
  }
  func.func @transform_2(%arg0: i32) -> (i32, i32) {
    %c0_i32 = arith.constant 0 : i32
    %c0_i32_0 = arith.constant 0 : i32
    return %arg0, %c0_i32 : i32, i32
  }
  func.func @transform_3(%arg0: i32) -> (i32, i32) {
    %add3A = arith.constant 48 : i32
    %add3A_0 = arith.addi %arg0, %add3A : i32
    %c0_i32 = arith.constant 0 : i32
    %c0_i32_1 = arith.constant 0 : i32
    return %add3A_0, %c0_i32 : i32, i32
  }
  func.func @transform_4(%arg0: i32) -> (i32, i32) {
    %c0_i32 = arith.constant 0 : i32
    %c0_i32_0 = arith.constant 0 : i32
    %c0_i32_1 = arith.constant 0 : i32
    return %c0_i32, %c0_i32_0 : i32, i32
  }
  func.func @transform_5(%arg0: i32) -> (i32, i32) {
    %c0_i32 = arith.constant 0 : i32
    %c0_i32_0 = arith.constant 0 : i32
    %c0_i32_1 = arith.constant 0 : i32
    return %c0_i32, %c0_i32_0 : i32, i32
  }
  func.func @transform_6(%arg0: i32) -> (i32, i32) {
    %c0_i32 = arith.constant 0 : i32
    %c0_i32_0 = arith.constant 0 : i32
    return %arg0, %c0_i32 : i32, i32
  }
  func.func @transform_7(%arg0: i32) -> (i32, i32, i32) {
    %c0_i32 = arith.constant 0 : i32
    %c0_i32_0 = arith.constant 0 : i32
    %c0_i32_1 = arith.constant 0 : i32
    return %arg0, %c0_i32, %c0_i32_0 : i32, i32, i32
  }
}

module attributes {stable_mosaic.version = 14 : i64} {
  func.func @body(%arg0: i32, %arg1: memref<2000x128xf32, #tpu.memory_space<vmem>>, %arg2: memref<2000x128xf32, #tpu.memory_space<vmem>>, %arg3: memref<2000x128xf32, #tpu.memory_space<vmem>>, %arg4: memref<2000x128xf32, #tpu.memory_space<vmem>>, %arg5: memref<48x1x8xf32, #tpu.memory_space<vmem>>, %arg6: memref<52x1x8xf32, #tpu.memory_space<vmem>>, %arg7: memref<2000x128xf32, #tpu.memory_space<vmem>>, %arg8: memref<128x128xf32, #tpu.memory_space<vmem>>, %arg9: memref<1x128xf32, #tpu.memory_space<vmem>>, %arg10: memref<2x128x128xf32, #tpu.memory_space<vmem>>, %arg11: memref<2000x128xf32, #tpu.memory_space<vmem>>, %arg12: memref<2x2000x128xf32, #tpu.memory_space<vmem>>) attributes {dimension_semantics = [#tpu.dimension_semantics<parallel>], iteration_bounds = array<i64: 5>, scalar_prefetch = 0 : i64, scratch_operands = 0 : i64, tpu.core_type = #tpu.core_type<tc>, window_params = [{transform_indices = @transform_0, window_bounds = array<i64: 2000, 128>}, {transform_indices = @transform_1, window_bounds = array<i64: 2000, 128>}, {transform_indices = @transform_2, window_bounds = array<i64: 2000, 128>}, {transform_indices = @transform_3, window_bounds = array<i64: 2000, 128>}, {pipeline_mode = #tpu.pipeline_mode<synchronous>, transform_indices = @transform_4, window_bounds = array<i64: 48, 1, 8>}, {pipeline_mode = #tpu.pipeline_mode<synchronous>, transform_indices = @transform_5, window_bounds = array<i64: 52, 1, 8>}, {transform_indices = @transform_6, window_bounds = array<i64: 2000, 128>}, {pipeline_mode = #tpu.pipeline_mode<synchronous>, transform_indices = @transform_7, window_bounds = array<i64: 128, 128>}, {pipeline_mode = #tpu.pipeline_mode<synchronous>, transform_indices = @transform_8, window_bounds = array<i64: 1, 128>}, {pipeline_mode = #tpu.pipeline_mode<synchronous>, transform_indices = @transform_9, window_bounds = array<i64: 2, 128, 128>}, {transform_indices = @transform_10, window_bounds = array<i64: 2000, 128>}, {transform_indices = @transform_11, window_bounds = array<i64: 2, 2000, 128>}]} {
    %iota3A = tpu.iota {dimensions = array<i32: 0>} : vector<128x8xi32>
    %iota3A_0 = tpu.iota {dimensions = array<i32: 1>} : vector<128x8xi32>
    %jit3A = arith.constant 16 : i32
    %div3A = vector.broadcast %jit3A : i32 to vector<128x8xi32>
    %div3A_1 = arith.divsi %iota3A, %div3A : vector<128x8xi32>
    %sign3A = arith.constant 0 : i32
    %sign3A_2 = vector.broadcast %sign3A : i32 to vector<128x8xi32>
    %sign3A_3 = arith.cmpi sgt, %iota3A, %sign3A_2 : vector<128x8xi32>
    %sign3A_4 = arith.extui %sign3A_3 : vector<128x8xi1> to vector<128x8xi32>
    %sign3A_5 = arith.constant 0 : i32
    %sign3A_6 = vector.broadcast %sign3A_5 : i32 to vector<128x8xi32>
    %sign3A_7 = arith.cmpi slt, %iota3A, %sign3A_6 : vector<128x8xi32>
    %sign3A_8 = arith.extui %sign3A_7 : vector<128x8xi1> to vector<128x8xi32>
    %sign3A_9 = arith.subi %sign3A_4, %sign3A_8 : vector<128x8xi32>
    %sign3A_10 = arith.constant 0 : i32
    %sign3A_11 = arith.cmpi sgt, %jit3A, %sign3A_10 : i32
    %sign3A_12 = arith.extui %sign3A_11 : i1 to i32
    %sign3A_13 = arith.constant 0 : i32
    %sign3A_14 = arith.cmpi slt, %jit3A, %sign3A_13 : i32
    %sign3A_15 = arith.extui %sign3A_14 : i1 to i32
    %sign3A_16 = arith.subi %sign3A_12, %sign3A_15 : i32
    %ne3A = vector.broadcast %sign3A_16 : i32 to vector<128x8xi32>
    %ne3A_17 = arith.cmpi ne, %sign3A_9, %ne3A : vector<128x8xi32>
    %rem3A = vector.broadcast %jit3A : i32 to vector<128x8xi32>
    %rem3A_18 = arith.remsi %iota3A, %rem3A : vector<128x8xi32>
    %ne3A_19 = arith.constant 0 : i32
    %ne3A_20 = vector.broadcast %ne3A_19 : i32 to vector<128x8xi32>
    %ne3A_21 = arith.cmpi ne, %rem3A_18, %ne3A_20 : vector<128x8xi32>
    %and3A = arith.andi %ne3A_17, %ne3A_21 : vector<128x8xi1>
    %sub3A = arith.constant 1 : i32
    %sub3A_22 = vector.broadcast %sub3A : i32 to vector<128x8xi32>
    %sub3A_23 = arith.subi %div3A_1, %sub3A_22 : vector<128x8xi32>
    %select_n3A = arith.select %and3A, %sub3A_23, %div3A_1 : vector<128x8xi1>, vector<128x8xi32>
    %eq3A = arith.cmpi eq, %select_n3A, %iota3A_0 : vector<128x8xi32>
    %convert_element_type3A = arith.extui %eq3A : vector<128x8xi1> to vector<128x8xi32>
    %convert_element_type3A_24 = arith.sitofp %convert_element_type3A : vector<128x8xi32> to vector<128x8xf32>
    %convert_element_type3A_25 = arith.truncf %convert_element_type3A_24 : vector<128x8xf32> to vector<128x8xbf16>
    %transpose3A = tpu.transpose %convert_element_type3A_25, [1, 0] : vector<128x8xbf16> -> vector<8x128xbf16>
    %get3A = arith.constant 0 : index
    %get3A_26 = arith.constant 0 : index
    %get3A_27 = arith.constant 0 : index
    %get3A_28 = vector.load %arg5[%get3A, %get3A_26, %get3A_27] : memref<48x1x8xf32, #tpu.memory_space<vmem>>, vector<48x1x8xf32>
    %reduce_sum3A = arith.constant dense<0.000000e+00> : vector<1x8xf32>
    %reduce_sum3A_29 = vector.multi_reduction <add>, %get3A_28, %reduce_sum3A [0] : vector<48x1x8xf32> to vector<1x8xf32>
    %add3A = arith.constant 0.000000e+00 : f32
    %add3A_30 = vector.broadcast %add3A : f32 to vector<1x8xf32>
    %add3A_31 = arith.addf %add3A_30, %reduce_sum3A_29 : vector<1x8xf32>
    %get3A_32 = arith.constant 0 : index
    %get3A_33 = arith.constant 0 : index
    %get3A_34 = arith.constant 0 : index
    %get3A_35 = vector.load %arg6[%get3A_32, %get3A_33, %get3A_34] : memref<52x1x8xf32, #tpu.memory_space<vmem>>, vector<52x1x8xf32>
    %reduce_sum3A_36 = arith.constant dense<0.000000e+00> : vector<1x8xf32>
    %reduce_sum3A_37 = vector.multi_reduction <add>, %get3A_35, %reduce_sum3A_36 [0] : vector<52x1x8xf32> to vector<1x8xf32>
    %add3A_38 = arith.addf %add3A_31, %reduce_sum3A_37 : vector<1x8xf32>
    %div3A_39 = arith.constant 1.000000e+00 : f32
    %div3A_40 = vector.broadcast %div3A_39 : f32 to vector<1x8xf32>
    %div3A_41 = arith.divf %div3A_40, %add3A_38 : vector<1x8xf32>
    %convert_element_type3A_42 = arith.truncf %div3A_41 : vector<1x8xf32> to vector<1x8xbf16>
    %dot_general3A = arith.constant dense<0.000000e+00> : vector<1x128xf32>
    %dot_general3A_43 = tpu.matmul %convert_element_type3A_42, %transpose3A, %dot_general3A {dimension_numbers = #tpu.dot_dimension_numbers<[1], [0], [0], [1], [0, 0, 1, 1], [], []>, transpose_lhs_hint = false} : vector<1x8xbf16>, vector<8x128xbf16>, vector<1x128xf32> -> vector<1x128xf32>
    %get3A_44 = arith.constant 0 : index
    %get3A_45 = arith.constant 0 : index
    %get3A_46 = vector.load %arg1[%get3A_44, %get3A_45] : memref<2000x128xf32, #tpu.memory_space<vmem>>, vector<2000x128xf32>
    %add3A_47 = arith.constant 0.000000e+00 : f32
    %add3A_48 = vector.broadcast %add3A_47 : f32 to vector<2000x128xf32>
    %add3A_49 = arith.addf %add3A_48, %get3A_46 : vector<2000x128xf32>
    %get3A_50 = arith.constant 0 : index
    %get3A_51 = arith.constant 0 : index
    %get3A_52 = vector.load %arg2[%get3A_50, %get3A_51] : memref<2000x128xf32, #tpu.memory_space<vmem>>, vector<2000x128xf32>
    %add3A_53 = arith.addf %add3A_49, %get3A_52 : vector<2000x128xf32>
    %get3A_54 = arith.constant 0 : index
    %get3A_55 = arith.constant 0 : index
    %get3A_56 = vector.load %arg3[%get3A_54, %get3A_55] : memref<2000x128xf32, #tpu.memory_space<vmem>>, vector<2000x128xf32>
    %add3A_57 = arith.addf %add3A_53, %get3A_56 : vector<2000x128xf32>
    %get3A_58 = arith.constant 0 : index
    %get3A_59 = arith.constant 0 : index
    %get3A_60 = vector.load %arg4[%get3A_58, %get3A_59] : memref<2000x128xf32, #tpu.memory_space<vmem>>, vector<2000x128xf32>
    %add3A_61 = arith.addf %add3A_57, %get3A_60 : vector<2000x128xf32>
    %mul3A = vector.broadcast %dot_general3A_43 : vector<1x128xf32> to vector<2000x128xf32>
    %mul3A_62 = arith.mulf %add3A_61, %mul3A : vector<2000x128xf32>
    %get3A_63 = arith.constant 0 : index
    %get3A_64 = arith.constant 0 : index
    %get3A_65 = vector.load %arg7[%get3A_63, %get3A_64] : memref<2000x128xf32, #tpu.memory_space<vmem>>, vector<2000x128xf32>
    %get3A_66 = arith.constant 0 : index
    %get3A_67 = arith.constant 0 : index
    %get3A_68 = vector.load %arg8[%get3A_66, %get3A_67] : memref<128x128xf32, #tpu.memory_space<vmem>>, vector<128x128xf32>
    %convert_element_type3A_69 = arith.truncf %mul3A_62 : vector<2000x128xf32> to vector<2000x128xbf16>
    %convert_element_type3A_70 = arith.truncf %get3A_68 : vector<128x128xf32> to vector<128x128xbf16>
    %dot_general3A_71 = arith.constant dense<0.000000e+00> : vector<2000x128xf32>
    %dot_general3A_72 = tpu.matmul %convert_element_type3A_69, %convert_element_type3A_70, %dot_general3A_71 {dimension_numbers = #tpu.dot_dimension_numbers<[1], [0], [0], [1], [0, 0, 1, 1], [], []>, transpose_lhs_hint = false} : vector<2000x128xbf16>, vector<128x128xbf16>, vector<2000x128xf32> -> vector<2000x128xf32>
    %add3A_73 = arith.addf %get3A_65, %dot_general3A_72 : vector<2000x128xf32>
    %get3A_74 = arith.constant 0 : index
    %get3A_75 = arith.constant 0 : index
    %get3A_76 = vector.load %arg9[%get3A_74, %get3A_75] : memref<1x128xf32, #tpu.memory_space<vmem>>, vector<1x128xf32>
    %add3A_77 = vector.broadcast %get3A_76 : vector<1x128xf32> to vector<2000x128xf32>
    %add3A_78 = arith.addf %add3A_73, %add3A_77 : vector<2000x128xf32>
    %swap3A = arith.constant 0 : index
    %swap3A_79 = arith.constant 0 : index
    %swap3A_80 = vector.load %arg11[%swap3A, %swap3A_79] : memref<2000x128xf32, #tpu.memory_space<vmem>>, vector<2000x128xf32>
    tpu.vector_store %arg11[%swap3A, %swap3A_79], %add3A_78 {strides = array<i32>} : memref<2000x128xf32, #tpu.memory_space<vmem>>, vector<2000x128xf32>,
    %get3A_81 = arith.constant 0 : index
    %get3A_82 = arith.constant 0 : index
    %get3A_83 = arith.constant 0 : index
    %get3A_84 = vector.load %arg10[%get3A_81, %get3A_82, %get3A_83] : memref<2x128x128xf32, #tpu.memory_space<vmem>>, vector<1x128x128xf32>
    %get3A_85 = vector.shape_cast %get3A_84 : vector<1x128x128xf32> to vector<128x128xf32>
    %convert_element_type3A_86 = arith.truncf %add3A_78 : vector<2000x128xf32> to vector<2000x128xbf16>
    %convert_element_type3A_87 = arith.truncf %get3A_85 : vector<128x128xf32> to vector<128x128xbf16>
    %dot_general3A_88 = arith.constant dense<0.000000e+00> : vector<2000x128xf32>
    %dot_general3A_89 = tpu.matmul %convert_element_type3A_86, %convert_element_type3A_87, %dot_general3A_88 {dimension_numbers = #tpu.dot_dimension_numbers<[1], [0], [0], [1], [0, 0, 1, 1], [], []>, transpose_lhs_hint = false} : vector<2000x128xbf16>, vector<128x128xbf16>, vector<2000x128xf32> -> vector<2000x128xf32>
    %swap3A_90 = arith.constant 0 : index
    %swap3A_91 = arith.constant 0 : index
    %swap3A_92 = arith.constant 0 : index
    %swap3A_93 = vector.load %arg12[%swap3A_90, %swap3A_91, %swap3A_92] : memref<2x2000x128xf32, #tpu.memory_space<vmem>>, vector<1x2000x128xf32>
    %swap3A_94 = vector.shape_cast %swap3A_93 : vector<1x2000x128xf32> to vector<2000x128xf32>
    %swap3A_95 = vector.shape_cast %dot_general3A_89 : vector<2000x128xf32> to vector<1x2000x128xf32>
    tpu.vector_store %arg12[%swap3A_90, %swap3A_91, %swap3A_92], %swap3A_95 {strides = array<i32>} : memref<2x2000x128xf32, #tpu.memory_space<vmem>>, vector<1x2000x128xf32>,
    %get3A_96 = arith.constant 1 : index
    %get3A_97 = arith.constant 0 : index
    %get3A_98 = arith.constant 0 : index
    %get3A_99 = vector.load %arg10[%get3A_96, %get3A_97, %get3A_98] : memref<2x128x128xf32, #tpu.memory_space<vmem>>, vector<1x128x128xf32>
    %get3A_100 = vector.shape_cast %get3A_99 : vector<1x128x128xf32> to vector<128x128xf32>
    %convert_element_type3A_101 = arith.truncf %add3A_78 : vector<2000x128xf32> to vector<2000x128xbf16>
    %convert_element_type3A_102 = arith.truncf %get3A_100 : vector<128x128xf32> to vector<128x128xbf16>
    %dot_general3A_103 = arith.constant dense<0.000000e+00> : vector<2000x128xf32>
    %dot_general3A_104 = tpu.matmul %convert_element_type3A_101, %convert_element_type3A_102, %dot_general3A_103 {dimension_numbers = #tpu.dot_dimension_numbers<[1], [0], [0], [1], [0, 0, 1, 1], [], []>, transpose_lhs_hint = false} : vector<2000x128xbf16>, vector<128x128xbf16>, vector<2000x128xf32> -> vector<2000x128xf32>
    %swap3A_105 = arith.constant 1 : index
    %swap3A_106 = arith.constant 0 : index
    %swap3A_107 = arith.constant 0 : index
    %swap3A_108 = vector.load %arg12[%swap3A_105, %swap3A_106, %swap3A_107] : memref<2x2000x128xf32, #tpu.memory_space<vmem>>, vector<1x2000x128xf32>
    %swap3A_109 = vector.shape_cast %swap3A_108 : vector<1x2000x128xf32> to vector<2000x128xf32>
    %swap3A_110 = vector.shape_cast %dot_general3A_104 : vector<2000x128xf32> to vector<1x2000x128xf32>
    tpu.vector_store %arg12[%swap3A_105, %swap3A_106, %swap3A_107], %swap3A_110 {strides = array<i32>} : memref<2x2000x128xf32, #tpu.memory_space<vmem>>, vector<1x2000x128xf32>,
    return
  }
  func.func @transform_0(%arg0: i32) -> (i32, i32) {
    %c0_i32 = arith.constant 0 : i32
    %c0_i32_0 = arith.constant 0 : i32
    return %arg0, %c0_i32 : i32, i32
  }
  func.func @transform_1(%arg0: i32) -> (i32, i32) {
    %add3A = arith.constant 5 : i32
    %add3A_0 = arith.addi %arg0, %add3A : i32
    %c0_i32 = arith.constant 0 : i32
    %c0_i32_1 = arith.constant 0 : i32
    return %add3A_0, %c0_i32 : i32, i32
  }
  func.func @transform_2(%arg0: i32) -> (i32, i32) {
    %c0_i32 = arith.constant 0 : i32
    %c0_i32_0 = arith.constant 0 : i32
    return %arg0, %c0_i32 : i32, i32
  }
  func.func @transform_3(%arg0: i32) -> (i32, i32) {
    %add3A = arith.constant 5 : i32
    %add3A_0 = arith.addi %arg0, %add3A : i32
    %c0_i32 = arith.constant 0 : i32
    %c0_i32_1 = arith.constant 0 : i32
    return %add3A_0, %c0_i32 : i32, i32
  }
  func.func @transform_4(%arg0: i32) -> (i32, i32, i32) {
    %c0_i32 = arith.constant 0 : i32
    %c0_i32_0 = arith.constant 0 : i32
    %c0_i32_1 = arith.constant 0 : i32
    %c0_i32_2 = arith.constant 0 : i32
    return %c0_i32, %c0_i32_0, %c0_i32_1 : i32, i32, i32
  }
  func.func @transform_5(%arg0: i32) -> (i32, i32, i32) {
    %c0_i32 = arith.constant 0 : i32
    %c0_i32_0 = arith.constant 0 : i32
    %c0_i32_1 = arith.constant 0 : i32
    %c0_i32_2 = arith.constant 0 : i32
    return %c0_i32, %c0_i32_0, %c0_i32_1 : i32, i32, i32
  }
  func.func @transform_6(%arg0: i32) -> (i32, i32) {
    %c0_i32 = arith.constant 0 : i32
    %c0_i32_0 = arith.constant 0 : i32
    return %arg0, %c0_i32 : i32, i32
  }
  func.func @transform_7(%arg0: i32) -> (i32, i32) {
    %c0_i32 = arith.constant 0 : i32
    %c0_i32_0 = arith.constant 0 : i32
    %c0_i32_1 = arith.constant 0 : i32
    return %c0_i32, %c0_i32_0 : i32, i32
  }
  func.func @transform_8(%arg0: i32) -> (i32, i32) {
    %c0_i32 = arith.constant 0 : i32
    %c0_i32_0 = arith.constant 0 : i32
    %c0_i32_1 = arith.constant 0 : i32
    return %c0_i32, %c0_i32_0 : i32, i32
  }
  func.func @transform_9(%arg0: i32) -> (i32, i32, i32) {
    %c0_i32 = arith.constant 0 : i32
    %c0_i32_0 = arith.constant 0 : i32
    %c0_i32_1 = arith.constant 0 : i32
    %c0_i32_2 = arith.constant 0 : i32
    return %c0_i32, %c0_i32_0, %c0_i32_1 : i32, i32, i32
  }
  func.func @transform_10(%arg0: i32) -> (i32, i32) {
    %c0_i32 = arith.constant 0 : i32
    %c0_i32_0 = arith.constant 0 : i32
    return %arg0, %c0_i32 : i32, i32
  }
  func.func @transform_11(%arg0: i32) -> (i32, i32, i32) {
    %c0_i32 = arith.constant 0 : i32
    %c0_i32_0 = arith.constant 0 : i32
    %c0_i32_1 = arith.constant 0 : i32
    return %c0_i32, %arg0, %c0_i32_0 : i32, i32, i32
  }
}

module attributes {stable_mosaic.version = 14 : i64} {
  func.func @body(%arg0: i32, %arg1: memref<2000x128xf32, #tpu.memory_space<vmem>>, %arg2: memref<2000x128xf32, #tpu.memory_space<vmem>>, %arg3: memref<2000x128xf32, #tpu.memory_space<vmem>>, %arg4: memref<128x128xf32, #tpu.memory_space<vmem>>, %arg5: memref<1x128xf32, #tpu.memory_space<vmem>>, %arg6: memref<128x128xf32, #tpu.memory_space<vmem>>, %arg7: memref<1x128xf32, #tpu.memory_space<vmem>>, %arg8: memref<2000x128xf32, #tpu.memory_space<vmem>>) attributes {dimension_semantics = [#tpu.dimension_semantics<parallel>], iteration_bounds = array<i64: 80>, scalar_prefetch = 0 : i64, scratch_operands = 0 : i64, tpu.core_type = #tpu.core_type<tc>, window_params = [{transform_indices = @transform_0, window_bounds = array<i64: 2000, 128>}, {transform_indices = @transform_1, window_bounds = array<i64: 2000, 128>}, {transform_indices = @transform_2, window_bounds = array<i64: 2000, 128>}, {pipeline_mode = #tpu.pipeline_mode<synchronous>, transform_indices = @transform_3, window_bounds = array<i64: 128, 128>}, {pipeline_mode = #tpu.pipeline_mode<synchronous>, transform_indices = @transform_4, window_bounds = array<i64: 1, 128>}, {pipeline_mode = #tpu.pipeline_mode<synchronous>, transform_indices = @transform_5, window_bounds = array<i64: 128, 128>}, {pipeline_mode = #tpu.pipeline_mode<synchronous>, transform_indices = @transform_6, window_bounds = array<i64: 1, 128>}, {transform_indices = @transform_7, window_bounds = array<i64: 2000, 128>}]} {
    %get3A = arith.constant 0 : index
    %get3A_0 = arith.constant 0 : index
    %get3A_1 = vector.load %arg1[%get3A, %get3A_0] : memref<2000x128xf32, #tpu.memory_space<vmem>>, vector<2000x128xf32>
    %get3A_2 = arith.constant 0 : index
    %get3A_3 = arith.constant 0 : index
    %get3A_4 = vector.load %arg2[%get3A_2, %get3A_3] : memref<2000x128xf32, #tpu.memory_space<vmem>>, vector<2000x128xf32>
    %add3A = arith.addf %get3A_1, %get3A_4 : vector<2000x128xf32>
    %get3A_5 = arith.constant 0 : index
    %get3A_6 = arith.constant 0 : index
    %get3A_7 = vector.load %arg3[%get3A_5, %get3A_6] : memref<2000x128xf32, #tpu.memory_space<vmem>>, vector<2000x128xf32>
    %get3A_8 = arith.constant 0 : index
    %get3A_9 = arith.constant 0 : index
    %get3A_10 = vector.load %arg4[%get3A_8, %get3A_9] : memref<128x128xf32, #tpu.memory_space<vmem>>, vector<128x128xf32>
    %convert_element_type3A = arith.truncf %get3A_7 : vector<2000x128xf32> to vector<2000x128xbf16>
    %convert_element_type3A_11 = arith.truncf %get3A_10 : vector<128x128xf32> to vector<128x128xbf16>
    %dot_general3A = arith.constant dense<0.000000e+00> : vector<2000x128xf32>
    %dot_general3A_12 = tpu.matmul %convert_element_type3A, %convert_element_type3A_11, %dot_general3A {dimension_numbers = #tpu.dot_dimension_numbers<[1], [0], [0], [1], [0, 0, 1, 1], [], []>, transpose_lhs_hint = false} : vector<2000x128xbf16>, vector<128x128xbf16>, vector<2000x128xf32> -> vector<2000x128xf32>
    %add3A_13 = arith.addf %add3A, %dot_general3A_12 : vector<2000x128xf32>
    %get3A_14 = arith.constant 0 : index
    %get3A_15 = arith.constant 0 : index
    %get3A_16 = vector.load %arg5[%get3A_14, %get3A_15] : memref<1x128xf32, #tpu.memory_space<vmem>>, vector<1x128xf32>
    %add3A_17 = vector.broadcast %get3A_16 : vector<1x128xf32> to vector<2000x128xf32>
    %add3A_18 = arith.addf %add3A_13, %add3A_17 : vector<2000x128xf32>
    %logistic3A = arith.negf %add3A_18 : vector<2000x128xf32>
    %logistic3A_19 = math.exp %logistic3A : vector<2000x128xf32>
    %logistic3A_20 = arith.constant 1.000000e+00 : f32
    %logistic3A_21 = vector.broadcast %logistic3A_20 : f32 to vector<2000x128xf32>
    %logistic3A_22 = arith.addf %logistic3A_21, %logistic3A_19 : vector<2000x128xf32>
    %logistic3A_23 = arith.divf %logistic3A_21, %logistic3A_22 : vector<2000x128xf32>
    %mul3A = arith.mulf %add3A_18, %logistic3A_23 : vector<2000x128xf32>
    %get3A_24 = arith.constant 0 : index
    %get3A_25 = arith.constant 0 : index
    %get3A_26 = vector.load %arg3[%get3A_24, %get3A_25] : memref<2000x128xf32, #tpu.memory_space<vmem>>, vector<2000x128xf32>
    %get3A_27 = arith.constant 0 : index
    %get3A_28 = arith.constant 0 : index
    %get3A_29 = vector.load %arg6[%get3A_27, %get3A_28] : memref<128x128xf32, #tpu.memory_space<vmem>>, vector<128x128xf32>
    %convert_element_type3A_30 = arith.truncf %mul3A : vector<2000x128xf32> to vector<2000x128xbf16>
    %convert_element_type3A_31 = arith.truncf %get3A_29 : vector<128x128xf32> to vector<128x128xbf16>
    %dot_general3A_32 = arith.constant dense<0.000000e+00> : vector<2000x128xf32>
    %dot_general3A_33 = tpu.matmul %convert_element_type3A_30, %convert_element_type3A_31, %dot_general3A_32 {dimension_numbers = #tpu.dot_dimension_numbers<[1], [0], [0], [1], [0, 0, 1, 1], [], []>, transpose_lhs_hint = false} : vector<2000x128xbf16>, vector<128x128xbf16>, vector<2000x128xf32> -> vector<2000x128xf32>
    %add3A_34 = arith.addf %get3A_26, %dot_general3A_33 : vector<2000x128xf32>
    %get3A_35 = arith.constant 0 : index
    %get3A_36 = arith.constant 0 : index
    %get3A_37 = vector.load %arg7[%get3A_35, %get3A_36] : memref<1x128xf32, #tpu.memory_space<vmem>>, vector<1x128xf32>
    %add3A_38 = vector.broadcast %get3A_37 : vector<1x128xf32> to vector<2000x128xf32>
    %add3A_39 = arith.addf %add3A_34, %add3A_38 : vector<2000x128xf32>
    %swap3A = arith.constant 0 : index
    %swap3A_40 = arith.constant 0 : index
    %swap3A_41 = vector.load %arg8[%swap3A, %swap3A_40] : memref<2000x128xf32, #tpu.memory_space<vmem>>, vector<2000x128xf32>
    tpu.vector_store %arg8[%swap3A, %swap3A_40], %add3A_39 {strides = array<i32>} : memref<2000x128xf32, #tpu.memory_space<vmem>>, vector<2000x128xf32>,
    return
  }
  func.func @transform_0(%arg0: i32) -> (i32, i32) {
    %c0_i32 = arith.constant 0 : i32
    %c0_i32_0 = arith.constant 0 : i32
    return %arg0, %c0_i32 : i32, i32
  }
  func.func @transform_1(%arg0: i32) -> (i32, i32) {
    %c0_i32 = arith.constant 0 : i32
    %c0_i32_0 = arith.constant 0 : i32
    return %arg0, %c0_i32 : i32, i32
  }
  func.func @transform_2(%arg0: i32) -> (i32, i32) {
    %add3A = arith.constant 0 : i32
    %add3A_0 = arith.addi %arg0, %add3A : i32
    %c0_i32 = arith.constant 0 : i32
    %c0_i32_1 = arith.constant 0 : i32
    return %add3A_0, %c0_i32 : i32, i32
  }
  func.func @transform_3(%arg0: i32) -> (i32, i32) {
    %c0_i32 = arith.constant 0 : i32
    %c0_i32_0 = arith.constant 0 : i32
    %c0_i32_1 = arith.constant 0 : i32
    return %c0_i32, %c0_i32_0 : i32, i32
  }
  func.func @transform_4(%arg0: i32) -> (i32, i32) {
    %c0_i32 = arith.constant 0 : i32
    %c0_i32_0 = arith.constant 0 : i32
    %c0_i32_1 = arith.constant 0 : i32
    return %c0_i32, %c0_i32_0 : i32, i32
  }
  func.func @transform_5(%arg0: i32) -> (i32, i32) {
    %c0_i32 = arith.constant 0 : i32
    %c0_i32_0 = arith.constant 0 : i32
    %c0_i32_1 = arith.constant 0 : i32
    return %c0_i32, %c0_i32_0 : i32, i32
  }
  func.func @transform_6(%arg0: i32) -> (i32, i32) {
    %c0_i32 = arith.constant 0 : i32
    %c0_i32_0 = arith.constant 0 : i32
    %c0_i32_1 = arith.constant 0 : i32
    return %c0_i32, %c0_i32_0 : i32, i32
  }
  func.func @transform_7(%arg0: i32) -> (i32, i32) {
    %add3A = arith.constant 0 : i32
    %add3A_0 = arith.addi %arg0, %add3A : i32
    %c0_i32 = arith.constant 0 : i32
    %c0_i32_1 = arith.constant 0 : i32
    return %add3A_0, %c0_i32 : i32, i32
  }
}

</mosaic_0001>

<sc_bundles>
// kernel: kernel.12.cloned.1.call-start
scs
__scs_entry_jumppad:
0x0: {  	(pc) =	sbr.rel $0x88, $3  }
0x1: {  	(tag) =	ssettag $0x0;
	lr =	simm.s32 $0x1  }
0x2: {  	[smem:$0x3F90] =	sst lr;
	_ =	strace $0xD0000000  }
0x3: {  	_ = 	snop  }
0x4: {  	_ = 	snop  }
0x5: {  	_ = 	snop  }
0x6: {  	_ = 	snop  }
0x7: {  	_ = 	snop  }
__scs_overlays_trampoline_lowered:
0x8: {  	[smem:$0x3F9F] =	sst s0  }
0x9: {  	[smem:$0x3FA0] =	sst s1  }
0xa: {  	[smem:$0x3FA1] =	sst s2  }
0xb: {  	[smem:$0x3FA2] =	sst s3  }
0xc: {  	[smem:$0x3FA3] =	sst s4  }
0xd: {  	[smem:$0x3FA4] =	sst s5  }
0xe: {  	[smem:$0x3FA5] =	sst s6  }
0xf: {  	[smem:$0x3FA6] =	sst s7  }
0x10: {  	[smem:$0x3FA7] =	sst s8  }
0x11: {  	[smem:$0x3FA8] =	sst s9;
	s0 =	simm.s32 @!p0 $0x0  }
0x12: {  	s1 =	sld [smem:$0x3F8E];
	s0 =	simm.s32 @p0 $0x1  }
0x13: {  	[smem:$0x3FA9] =	sst s0;
	s0 =	simm.s32 @!p1 $0x0  }
0x14: {  	s2 =	sld [smem:$0x3F8D];
	s0 =	simm.s32 @p1 $0x1  }
0x15: {  	[smem:$0x3FAA] =	sst s0;
	s0 =	simm.s32 @!p2 $0x0  }
0x16: {  	s3 =	sld [smem:$0x3FDB];
	s0 =	simm.s32 @p2 $0x1  }
0x17: {  	s4 =	simm.s32 $0x1BF5;
	[smem:$0x3FAC] =	sst s0  }
0x18: {  	s0 =	sld [smem:$0x3F8F];
	_ =	swait.ge [sflag:s4], $0x0  }
0x19: {  	s7 =	sld [smem:$0x3F90]  }
0x1a: {  	s8 =	sadd.s32 $0xFFFFE003, lr  }
0x1b: {  	s9 =	sadd.s32 $0xFFFFFEF7, lr;
	s5 =	simm.s32 $0xFFFFFFFF;
	p2 =	slt.u32 s8, $0xFFFFF086  }
0x1c: {  	p1 =	slt.u32 s9, $0xF7A;
	s5 =	simm.s32 @!p2 $0x0  }
0x1d: {  	s5 =	simm.s32 @p1 $0x1;
	p0 =	seq.s32 s7, s2  }
0x1e: {  	s7 =	smul.u32 @!p0 $0xF7A, s2;
	p2 =	seq.s32 @!p0 s5, $0x0  }
0x1f: {  	s9 =	smul.u32 $0xF7A, s1;
	s8 =	simm.s32 @!p0 $0x1BF5;
	p2 =	por !p2, p0  }
0x20: {  	[sflag:s8] =	ssyncset.s32 @!p0 $0xFFFFF086;
	s6 =	sadd.s32 @!p0 s3, s7;
	s7 =	simm.s32 @!p0 $0x108  }
0x21: {  	s3 =	sadd.s32 s3, s9;
	s6 =	sadd.s32 @!p0 $0x88, s6;
	s7 =	simm.s32 @p2 $0x1082  }
0x22: {  	[simem:s7], [sflag:s8] =	dma.local @!p0 [hbm:s6], $0xF7A  }
0x23: {  	s9 =	sor.u32 $0xD0000000, s2;
	s6 =	simm.s32 $0x108;
	_ =	swait.ge @!p0 [sflag:s8], $0x0  }
0x24: {  	s3 =	sadd.s32 $0x88, s3;
	s6 =	simm.s32 @!p1 $0x1082;
	[sflag:s4] =	ssyncset.s32 $0xFFFFF086  }
0x25: {  	[simem:s6], [sflag:s4] =	dma.local [hbm:s3], $0xF7A  }
0x26: {  	[smem:$0x3F90] =	sst s1;
	(tag) =	ssettag s2;
	_ =	strace s9  }
0x27: {  	s1 =	sld [smem:$0x3FA0]  }
0x28: {  	s2 =	sld [smem:$0x3FA1]  }
0x29: {  	s4 =	sld [smem:$0x3FA3]  }
0x2a: {  	p0 =	seq.s32 s5, $0x0;
	s5 =	sld [smem:$0x3FA4]  }
0x2b: {  	s6 =	sld [smem:$0x3FA5]  }
0x2c: {  	s7 =	sld [smem:$0x3FA6]  }
0x2d: {  	s3 =	simm.s32 $0x108;
	s8 =	sld [smem:$0x3FA7]  }
0x2e: {  	s3 =	simm.s32 @!p0 $0x1082;
	s9 =	sld [smem:$0x3FA8]  }
0x2f: {  	lr =	sadd.s32 s0, s3;
	s0 =	sld [smem:$0x3F9F]  }
0x30: {  	s3 =	sld [smem:$0x3FA2]  }
0x31: {  	[smem:$0x3FAB] =	sst s10  }
0x32: {  	s10 =	sld [smem:$0x3FA9];
	_ =	sdelay $0x3  }
0x33: {  	p0 =	seq.s32 s10, $0x1;
	s10 =	sld [smem:$0x3FAB];
	_ =	sdelay $0x3  }
0x34: {  	[smem:$0x3FAB] =	sst s10  }
0x35: {  	s10 =	sld [smem:$0x3FAA];
	_ =	sdelay $0x3  }
0x36: {  	p1 =	seq.s32 s10, $0x1;
	s10 =	sld [smem:$0x3FAB];
	_ =	sdelay $0x3  }
0x37: {  	[smem:$0x3FAB] =	sst s10  }
0x38: {  	s10 =	sld [smem:$0x3FAC]  }
0x39: {  	_ = 	snop;
	(pc) =	sbr.ind lr, $3  }
0x3a: {  	_ = 	snop  }
0x3b: {  	_ = 	snop  }
0x3c: {  	p2 =	seq.s32 s10, $0x1;
	s10 =	sld [smem:$0x3FAB]  }
0x3d: {  	_ =	shalt  }
0x3e: {  	_ =	shalt  }
0x3f: {  	_ =	shalt  }
0x40: {  	_ =	shalt  }
0x41: {  	_ =	shalt  }
0x42: {  	_ =	shalt  }
0x43: {  	_ =	shalt  }
0x44: {  	_ =	shalt  }
0x45: {  	_ =	shalt  }
0x46: {  	_ =	shalt  }
0x47: {  	_ =	shalt  }
0x48: {  	_ =	shalt  }
0x49: {  	_ =	shalt  }
0x4a: {  	_ =	shalt  }
0x4b: {  	_ =	shalt  }
0x4c: {  	_ =	shalt  }
0x4d: {  	_ =	shalt  }
0x4e: {  	_ =	shalt  }
0x4f: {  	_ =	shalt  }
0x50: {  	_ =	shalt  }
0x51: {  	_ =	shalt  }
0x52: {  	_ =	shalt  }
0x53: {  	_ =	shalt  }
0x54: {  	_ =	shalt  }
0x55: {  	_ =	shalt  }
0x56: {  	_ =	shalt  }
0x57: {  	_ =	shalt  }
0x58: {  	_ =	shalt  }
0x59: {  	_ =	shalt  }
0x5a: {  	_ =	shalt  }
0x5b: {  	_ =	shalt  }
0x5c: {  	_ =	shalt  }
0x5d: {  	_ =	shalt  }
0x5e: {  	_ =	shalt  }
0x5f: {  	_ =	shalt  }
0x60: {  	_ =	shalt  }
0x61: {  	_ =	shalt  }
0x62: {  	_ =	shalt  }
0x63: {  	_ =	shalt  }
0x64: {  	_ =	shalt  }
0x65: {  	_ =	shalt  }
0x66: {  	_ =	shalt  }
0x67: {  	_ =	shalt  }
0x68: {  	_ =	shalt  }
0x69: {  	_ =	shalt  }
0x6a: {  	_ =	shalt  }
0x6b: {  	_ =	shalt  }
0x6c: {  	_ =	shalt  }
0x6d: {  	_ =	shalt  }
0x6e: {  	_ =	shalt  }
0x6f: {  	_ =	shalt  }
0x70: {  	_ =	shalt  }
0x71: {  	_ =	shalt  }
0x72: {  	_ =	shalt  }
0x73: {  	_ =	shalt  }
0x74: {  	_ =	shalt  }
0x75: {  	_ =	shalt  }
0x76: {  	_ =	shalt  }
0x77: {  	_ =	shalt  }
0x78: {  	_ =	shalt  }
0x79: {  	_ =	shalt  }
0x7a: {  	_ =	shalt  }
0x7b: {  	_ =	shalt  }
0x7c: {  	_ =	shalt  }
0x7d: {  	_ =	shalt  }
0x7e: {  	_ =	shalt  }
0x7f: {  	_ =	shalt  }
0x80: {  	_ =	shalt  }
0x81: {  	_ =	shalt  }
0x82: {  	_ =	shalt  }
0x83: {  	_ =	shalt  }
0x84: {  	_ =	shalt  }
0x85: {  	_ =	shalt  }
0x86: {  	_ =	shalt  }
0x87: {  	_ =	shalt  }
.Lfunc_end0:
.L_simem_size_0:
called_computation_lowered:
.L_overlay_start_0:
0x88: {  	s2 =	sld [smem:$0x3FD9]  }
0x89: {  	s3 =	sld [smem:$0x3FFE];
	_ =	sdelay $0x1  }
0x8a: {  	s1 =	srdreg.scid  }
0x8b: {  	s0 =	sand.u32 $0x1, s1  }
0x8c: {  	s14 =	sshll.u32 s0, $0xA;
	s2 =	sadd.s32 s3, s2  }
0x8d: {  	s2 =	sadd.s32 s2, s14  }
0x8e: {  	[smem:$0x3FB7] =	sst s2  }
0x8f: {  	_ = 	snop  }
0x90: {  	s2 =	sld [smem:$0x3FD0];
	_ =	sdelay $0x2  }
0x91: {  	s15 =	simm.s32 $0xB;
	s4 =	simm.s32 $0x10  }
0x92: {  	[smem:s4], [sflag:s15] =	dma.local [hbm:s2], $0x1  }
0x93: {  	_ =	swait.eq [sflag:s15], $0x1  }
0x94: {  	[sflag:s15] =	ssyncset.done $0x0  }
0x95: {  	[sflag:s15] =	ssyncadd.s32 $0xFFFFFFFF  }
0x96: {  	s16 =	sld [smem:$0x11];
	(tm) =	ssettm $0x1  }
0x97: {  	s17 =	sld [smem:$0x3FFB];
	_ =	sdelay $0x3  }
0x98: {  	_ =	strace s17  }
0x99: {  	s3 =	sld [smem:$0x3FFC];
	_ =	sdelay $0x3  }
0x9a: {  	_ =	strace s3  }
0x9b: {  	s3 =	sld [smem:$0x3FFD];
	_ =	sdelay $0x3  }
0x9c: {  	_ =	strace s3  }
0x9d: {  	_ =	strace $0x8FFFFFFF  }
0x9e: {  	s18 =	sld [smem:$0x3FDB];
	_ =	sdelay $0x1  }
0x9f: {  	s19 =	simm.s32 $_scs_section_size  }
0xa0: {  	s5 =	simm.s32 $_size__tile_overlayer_lowered;
	s6 =	simm.s32 $_tile_overlayer_lowered  }
0xa1: {  	s22 =	simm.s32 $0x1BFF;
	s21 =	sshll.u32 s6, $0x1;
	s3 =	sadd.s32 s19, s18  }
0xa2: {  	s7 =	simm.s32 $0x0;
	s20 =	sshll.u32 s5, $0x1;
	s5 =	sadd.s32 s21, s3  }
0xa3: {  	[timem:s7], [sflag:s22] =	dma.local [hbm:s5], s20  }
0xa4: {  	_ =	swait.ge [sflag:s22], s20  }
0xa5: {  	s4 =	ssub.s32 $0x0, s20;
	[sflag:s22] =	ssyncset.done $0x0  }
0xa6: {  	[sflag:s22] =	ssyncadd.s32 s4;
	_ =	sdelay $0x1  }
0xa7: {  	s23 =	simm.s32 $0x1B8B  }
0xa8: {  	_ =	swait.ge [sflag:s23], $0x1  }
0xa9: {  	[sflag:s23] =	ssyncset.done $0x0  }
0xaa: {  	s25 =	simm.s32 $0x1B8E;
	s24 =	sld [smem:$0x3FFE];
	[sflag:s23] =	ssyncadd.s32 $0xFFFFFFFF  }
0xab: {  	s26 =	simm.s32 $execute0_lowered;
	[smem:$0x3FD2] =	sst s25  }
0xac: {  	s5 =	sshll.u32 s26, $0x1;
	_ =	strace $0x80000046;
	[dreg:$0x1] =	wrdreg $0xFFFFFFFF  }
0xad: {  	s28 =	simm.s32 $_size_execute0_lowered;
	s3 =	sadd.s32 s3, s5;
	[dreg:$0x0] =	wrdreg $0x0  }
0xae: {  	s5 =	sshll.u32 s28, $0x1;
	[dreg:$0x2] =	wrdreg s3  }
0xaf: {  	[dreg:$0x3] =	wrdreg s5  }
0xb0: {  	[dreg:$0x4] =	wrdreg $0xC0  }
0xb1: {  	_ =	task [dreg:s7], $0x5FFFF  }
0xb2: {  	[dreg:$0x1] =	wrdreg $0xFFFFFFFF  }
0xb3: {  	[dreg:$0x0] =	wrdreg $0x60  }
0xb4: {  	[dreg:$0x2] =	wrdreg s24  }
0xb5: {  	[dreg:$0x3] =	wrdreg s16  }
0xb6: {  	[dreg:$0x4] =	wrdreg $0xA  }
0xb7: {  	_ =	task.clear_ibuf [dreg:s7], $0x5FFFF;
	_ =	strace $0x90000046  }
0xb8: {  	s29 =	simm.s32 $0xA;
	_ =	strace $0x80000048  }
0xb9: {  	_ =	swait.ge [sflag:s29], $0x1  }
0xba: {  	[sflag:s29] =	ssyncadd.s32 $0xFFFFFFFF  }
0xbb: {  	_ =	strace $0x90000048  }
0xbc: {  	_ =	sfence  }
0xbd: {  	s30 =	sld [smem:$0x0];
	_ =	sdelay $0x2  }
0xbe: {  	s31 =	sshll.u32 s1, $0xD;
	s1 =	sshrl.u32 s1, $0x2  }
0xbf: {  	s3 =	sand.u32 $0x4000, s31;
	s1 =	sadd.s32 s1, s30  }
0xc0: {  	s0 =	sor.u32 s3, s0;
	s1 =	sshll.u32 s1, $0x11  }
0xc1: {  	s0 =	sor.u32 s1, s0  }
0xc2: {  	s0 =	sadd.s32 $0x8F2B, s0  }
0xc3: {  	[sflag:s0] =	ssyncadd.remote.s32 $0x1  }
0xc4: {  	_ =	sfence.sel $0xFFFF  }
0xc5: {  	[dreg:$0x0] =	wrdreg $0xFFFFFFFF;
	(pc) =	sbr.abs _section_cstart, $3  }
0xc6: {  	[dreg:$0x1] =	wrdreg $0xFFFFFFFF  }
0xc7: {  	_ =	task.clear_ibuf [dreg:s7], $0x2FFFF;
	_ =	strace $0x9FFFFFFF  }
0xc8: {  	(tm) =	ssettm $0x7FFFFFFF  }
0xc9: {  	_ =	shalt  }
tec
execute0_lowered:
.L_overlay_start_1:
0x0: {  	(tag) =	ssettag $0x1  }
0x1: {  	s8 =	rddreg [dreg:$0x0]  }
0x2: {  	s1 =	rddreg [dreg:$0x1]  }
0x3: {  	s0 =	rddreg [dreg:$0x2];
	s2 =	simm.s32 $0x0  }
0x4: {  	s3 =	srdreg.scid;
	s13 =	simm.s32 $0x200;
	s14 =	simm.s32 $0x0  }
0x5: {  	[smem:$0x7FF] =	sst s2;
	s4 =	sadd.s32 $0xE800, s8;
	s5 =	sadd.s32 $0x9800, s8  }
0x6: {  	s9 =	sand.u32 $0x1, s3;
	s6 =	sadd.s32 $0x4800, s8;
	s3 =	stileid.u32  }
0x7: {  	s7 =	sadd.s32 $0x83C00, s8;
	s8 =	sadd.s32 $0x1AFC00, s8;
	s10 =	ssub.s32 $0x2, s9  }
0x8: {  	_ =	strace $0x80000047;
	s12 =	sshll.u32 s3, $0x1;
	s11 =	sshrl.u32 s10, $0x1  }
0x9: {  	s9 =	sor.u32 s9, s12;
	s12 =	simm.s32 $0x1E0;
	s10 =	ssub.s32 s10, s11  }
0xa: {  	s9 =	smul.u32 $0x960, s9;
	s11 =	simm.s32 $0x1;
	s10 =	smax.u32 s10, $0x1  }
.LBB2_1:
0xb: {  	s15 =	simm.s32 $0x0  }
.LBB2_2:
0xc: {  	s16 =	smul.u32 $0x1E0, s15;
	_ =	sdelay $0x1  }
0xd: {  	s16 =	sadd.s32 s9, s16  }
0xe: {  	s17 =	sshrl.u32 s16, $0x3  }
0xf: {  	s19 =	simm.s32 $0x0;
	s18 =	sadd.s32 s5, s17  }
0x10: {  	[tilespmem:s19], [sflag:$0x1] =	stream.linear.gather [hbm4b:s18+s19], $0x1E0, $0x38;
	[tilespmem:$0xF200] =	vst v63  }
0x11: {  	_ =	swait.ge [sflag:s11], $0x1E0  }
0x12: {  	[sflag:s11] =	ssyncset.done $0x0  }
0x13: {  	[sflag:s11] =	ssyncadd.s32 $0xFFFFFE20  }
0x14: {  	[tilespmem:s13], [sflag:$0x1] =	stream.indirect.gather [hbm4b:s4+s12], $0x80, s19, s12, $0xb8;
	[tilespmem:$0xF200] =	vst v63  }
0x15: {  	_ =	swait.ge [sflag:s11], $0xF000  }
0x16: {  	s16 =	sshll.u32 s16, $0x4;
	[sflag:s11] =	ssyncset.done $0x0  }
0x17: {  	s31 =	sadd.s32 s1, s16;
	[sflag:s11] =	ssyncadd.s32 $0xFFFF1000  }
0x18: {  	[hbm4b:s31+s19] =	stream.linear.scatter [tilespmem:s13], [sflag:$0x1], $0xF000, $0x38;
	[tilespmem:$0xF200] =	vst v63  }
0x19: {  	_ =	swait.ge [sflag:s11], $0xF000  }
0x1a: {  	[sflag:s11] =	ssyncset.done $0x0  }
0x1b: {  	s17 =	sadd.s32 s6, s17;
	[sflag:s11] =	ssyncadd.s32 $0xFFFF1000  }
0x1c: {  	[tilespmem:s19], [sflag:$0x1] =	stream.linear.gather [hbm4b:s17+s19], $0x1E0, $0x38;
	[tilespmem:$0xF200] =	vst v63  }
0x1d: {  	_ =	swait.ge [sflag:s11], $0x1E0  }
0x1e: {  	[sflag:s11] =	ssyncset.done $0x0  }
0x1f: {  	s18 =	simm.s32 $0x0;
	s19 =	simm.s32 $0x40;
	[sflag:s11] =	ssyncadd.s32 $0xFFFFFE20  }
.LBB2_3:
0x20: {  	p0 =	sne.s32 s19, $0x740;
	v0 =	vld [tilespmem:s18+$0x0];
	_ =	sdelay $0x1  }
.Ltmp0:
0x21: {  	(pc) =	sbr.rel @p0 .LBB2_3-.Ltmp0, $3  }
0x22: {  	_ =	sdelay $0x1  }
0x23: {  	v0 =	vadd.s32 $0x2710, v0  }
0x24: {  	[tilespmem:s18+$0x0] =	vst v0;
	s18 =	sshra.s32 s19, $0x2;
	s19 =	sadd.s32 $0x40, s19  }
0x25: {  	v0 =	vld [tilespmem:s18+$0x0];
	_ =	sdelay $0x4  }
0x26: {  	v0 =	vadd.s32 $0x2710, v0  }
0x27: {  	s31 =	simm.s32 $0x0;
	[tilespmem:s18+$0x0] =	vst v0  }
0x28: {  	[tilespmem:s13], [sflag:$0x1] =	stream.indirect.gather [hbm4b:s4+s12], $0x80, s31, s12, $0xb8;
	[tilespmem:$0xF200] =	vst v63  }
0x29: {  	_ =	swait.ge [sflag:s11], $0xF000  }
0x2a: {  	[sflag:s11] =	ssyncset.done $0x0  }
0x2b: {  	s19 =	sadd.s32 s7, s16;
	[sflag:s11] =	ssyncadd.s32 $0xFFFF1000  }
0x2c: {  	[hbm4b:s19+s31] =	stream.linear.scatter [tilespmem:s13], [sflag:$0x1], $0xF000, $0x38;
	[tilespmem:$0xF200] =	vst v63  }
0x2d: {  	_ =	swait.ge [sflag:s11], $0xF000  }
0x2e: {  	[sflag:s11] =	ssyncset.done $0x0  }
0x2f: {  	[sflag:s11] =	ssyncadd.s32 $0xFFFF1000  }
0x30: {  	[tilespmem:s31], [sflag:$0x1] =	stream.linear.gather [hbm4b:s17+s31], $0x1E0, $0x38;
	[tilespmem:$0xF200] =	vst v63  }
0x31: {  	_ =	swait.ge [sflag:s11], $0x1E0  }
0x32: {  	[sflag:s11] =	ssyncset.done $0x0  }
0x33: {  	s18 =	simm.s32 $0x40;
	s17 =	simm.s32 $0x0;
	[sflag:s11] =	ssyncadd.s32 $0xFFFFFE20  }
.LBB2_5:
0x34: {  	p0 =	sne.s32 s18, $0x740;
	v0 =	vld [tilespmem:s17+$0x0];
	_ =	sdelay $0x1  }
.Ltmp1:
0x35: {  	(pc) =	sbr.rel @p0 .LBB2_5-.Ltmp1, $3  }
0x36: {  	_ =	sdelay $0x1  }
0x37: {  	v0 =	vadd.s32 $0x4E20, v0  }
0x38: {  	[tilespmem:s17+$0x0] =	vst v0;
	s17 =	sshra.s32 s18, $0x2;
	s18 =	sadd.s32 $0x40, s18  }
0x39: {  	v0 =	vld [tilespmem:s17+$0x0];
	_ =	sdelay $0x4  }
0x3a: {  	v0 =	vadd.s32 $0x4E20, v0  }
0x3b: {  	[tilespmem:s17+$0x0] =	vst v0  }
0x3c: {  	[tilespmem:s13], [sflag:$0x1] =	stream.indirect.gather [hbm4b:s4+s12], $0x80, s2, s12, $0xb8;
	[tilespmem:$0xF200] =	vst v63  }
0x3d: {  	s15 =	sadd.s32 $0x1, s15;
	_ =	swait.ge [sflag:s11], $0xF000  }
0x3e: {  	p0 =	sne.s32 s15, $0x5;
	[sflag:s11] =	ssyncset.done $0x0  }
.Ltmp2:
0x3f: {  	s16 =	sadd.s32 s8, s16;
	[sflag:s11] =	ssyncadd.s32 $0xFFFF1000;
	(pc) =	sbr.rel @p0 .LBB2_2-.Ltmp2, $4  }
0x40: {  	[hbm4b:s16+s2] =	stream.linear.scatter [tilespmem:s13], [sflag:$0x1], $0xF000, $0x38;
	[tilespmem:$0xF200] =	vst v63  }
0x41: {  	_ =	swait.ge [sflag:s11], $0xF000  }
0x42: {  	[sflag:s11] =	ssyncset.done $0x0  }
0x43: {  	[sflag:s11] =	ssyncadd.s32 $0xFFFF1000  }
0x44: {  	s14 =	sadd.s32 $0x1, s14  }
0x45: {  	p0 =	sne.s32 s14, s10  }
.Ltmp3:
0x46: {  	_ = 	snop;
	(pc) =	sbr.rel @p0 .LBB2_1-.Ltmp3, $1  }
0x47: {  	_ =	sdelay $0x3  }
0x48: {  	_ =	sfence.sel $0x180000  }
0x49: {  	[bflag:$0x0] =	sbarrier.arrive $0xFFFF  }
0x4a: {  	p0 =	sne.s32 s3, $0x0;
	_ =	strace $0x90000047  }
0x4b: {  	s0 =	sadd.s32 @!p0 $0x100000, s0;
	[bflag:$0x2] =	sbarrier.arrive $0xFFFF  }
0x4c: {  	[sflag:s0] =	ssyncadd.tile.s32 @!p0 $0x1;
	_ =	shalt  }
.Lfunc_end2:
_tile_overlayer_lowered:
.L_overlay_start_2:
0x4d: {  	(tag) =	ssettag $0x2  }
0x4e: {  	s0 =	rddreg [dreg:$0x0];
	s2 =	stileid.u32  }
0x4f: {  	s1 =	rddreg [dreg:$0x1];
	p0 =	sne.s32 s2, $0x0  }
0x50: {  	s3 =	rddreg [dreg:$0x2];
	[bflag:$0x3] =	sbarrier.arrive $0xFFFF;
	s2 =	simm.s32 @!p0 $0x1C01  }
0x51: {  	[timem:s3], [sflag:s2] =	dma.local @!p0 [hbm:s0], s1  }
0x52: {  	s0 =	simm.s32 @!p0 $0x1  }
0x53: {  	_ =	swait.ge @!p0 [sflag:s0], s1  }
0x54: {  	s1 =	ssub.s32 @!p0 $0x0, s1;
	[sflag:s0] =	ssyncset.done @!p0 $0x0  }
0x55: {  	[sflag:s0] =	ssyncadd.s32 @!p0 s1  }
0x56: {  	[bflag:$0x3] =	sbarrier.arrive $0xFFFF  }
0x57: {  	_ =	shalt  }

// kernel: kernel.15.cloned.1.call-start
scs
__scs_entry_jumppad:
0x0: {  	(pc) =	sbr.rel $0x88, $3  }
0x1: {  	(tag) =	ssettag $0x0;
	lr =	simm.s32 $0x1  }
0x2: {  	[smem:$0x3F90] =	sst lr;
	_ =	strace $0xD0000000  }
0x3: {  	_ = 	snop  }
0x4: {  	_ = 	snop  }
0x5: {  	_ = 	snop  }
0x6: {  	_ = 	snop  }
0x7: {  	_ = 	snop  }
__scs_overlays_trampoline_lowered:
0x8: {  	[smem:$0x3F9F] =	sst s0  }
0x9: {  	[smem:$0x3FA0] =	sst s1  }
0xa: {  	[smem:$0x3FA1] =	sst s2  }
0xb: {  	[smem:$0x3FA2] =	sst s3  }
0xc: {  	[smem:$0x3FA3] =	sst s4  }
0xd: {  	[smem:$0x3FA4] =	sst s5  }
0xe: {  	[smem:$0x3FA5] =	sst s6  }
0xf: {  	[smem:$0x3FA6] =	sst s7  }
0x10: {  	[smem:$0x3FA7] =	sst s8  }
0x11: {  	[smem:$0x3FA8] =	sst s9;
	s0 =	simm.s32 @!p0 $0x0  }
0x12: {  	s1 =	sld [smem:$0x3F8E];
	s0 =	simm.s32 @p0 $0x1  }
0x13: {  	[smem:$0x3FA9] =	sst s0;
	s0 =	simm.s32 @!p1 $0x0  }
0x14: {  	s2 =	sld [smem:$0x3F8D];
	s0 =	simm.s32 @p1 $0x1  }
0x15: {  	[smem:$0x3FAA] =	sst s0;
	s0 =	simm.s32 @!p2 $0x0  }
0x16: {  	s3 =	sld [smem:$0x3FDB];
	s0 =	simm.s32 @p2 $0x1  }
0x17: {  	s4 =	simm.s32 $0x1BF5;
	[smem:$0x3FAC] =	sst s0  }
0x18: {  	s0 =	sld [smem:$0x3F8F];
	_ =	swait.ge [sflag:s4], $0x0  }
0x19: {  	s7 =	sld [smem:$0x3F90]  }
0x1a: {  	s8 =	sadd.s32 $0xFFFFE003, lr  }
0x1b: {  	s9 =	sadd.s32 $0xFFFFFEF7, lr;
	s5 =	simm.s32 $0xFFFFFFFF;
	p2 =	slt.u32 s8, $0xFFFFF086  }
0x1c: {  	p1 =	slt.u32 s9, $0xF7A;
	s5 =	simm.s32 @!p2 $0x0  }
0x1d: {  	s5 =	simm.s32 @p1 $0x1;
	p0 =	seq.s32 s7, s2  }
0x1e: {  	s7 =	smul.u32 @!p0 $0xF7A, s2;
	p2 =	seq.s32 @!p0 s5, $0x0  }
0x1f: {  	s9 =	smul.u32 $0xF7A, s1;
	s8 =	simm.s32 @!p0 $0x1BF5;
	p2 =	por !p2, p0  }
0x20: {  	[sflag:s8] =	ssyncset.s32 @!p0 $0xFFFFF086;
	s6 =	sadd.s32 @!p0 s3, s7;
	s7 =	simm.s32 @!p0 $0x108  }
0x21: {  	s3 =	sadd.s32 s3, s9;
	s6 =	sadd.s32 @!p0 $0x88, s6;
	s7 =	simm.s32 @p2 $0x1082  }
0x22: {  	[simem:s7], [sflag:s8] =	dma.local @!p0 [hbm:s6], $0xF7A  }
0x23: {  	s9 =	sor.u32 $0xD0000000, s2;
	s6 =	simm.s32 $0x108;
	_ =	swait.ge @!p0 [sflag:s8], $0x0  }
0x24: {  	s3 =	sadd.s32 $0x88, s3;
	s6 =	simm.s32 @!p1 $0x1082;
	[sflag:s4] =	ssyncset.s32 $0xFFFFF086  }
0x25: {  	[simem:s6], [sflag:s4] =	dma.local [hbm:s3], $0xF7A  }
0x26: {  	[smem:$0x3F90] =	sst s1;
	(tag) =	ssettag s2;
	_ =	strace s9  }
0x27: {  	s1 =	sld [smem:$0x3FA0]  }
0x28: {  	s2 =	sld [smem:$0x3FA1]  }
0x29: {  	s4 =	sld [smem:$0x3FA3]  }
0x2a: {  	p0 =	seq.s32 s5, $0x0;
	s5 =	sld [smem:$0x3FA4]  }
0x2b: {  	s6 =	sld [smem:$0x3FA5]  }
0x2c: {  	s7 =	sld [smem:$0x3FA6]  }
0x2d: {  	s3 =	simm.s32 $0x108;
	s8 =	sld [smem:$0x3FA7]  }
0x2e: {  	s3 =	simm.s32 @!p0 $0x1082;
	s9 =	sld [smem:$0x3FA8]  }
0x2f: {  	lr =	sadd.s32 s0, s3;
	s0 =	sld [smem:$0x3F9F]  }
0x30: {  	s3 =	sld [smem:$0x3FA2]  }
0x31: {  	[smem:$0x3FAB] =	sst s10  }
0x32: {  	s10 =	sld [smem:$0x3FA9];
	_ =	sdelay $0x3  }
0x33: {  	p0 =	seq.s32 s10, $0x1;
	s10 =	sld [smem:$0x3FAB];
	_ =	sdelay $0x3  }
0x34: {  	[smem:$0x3FAB] =	sst s10  }
0x35: {  	s10 =	sld [smem:$0x3FAA];
	_ =	sdelay $0x3  }
0x36: {  	p1 =	seq.s32 s10, $0x1;
	s10 =	sld [smem:$0x3FAB];
	_ =	sdelay $0x3  }
0x37: {  	[smem:$0x3FAB] =	sst s10  }
0x38: {  	s10 =	sld [smem:$0x3FAC]  }
0x39: {  	_ = 	snop;
	(pc) =	sbr.ind lr, $3  }
0x3a: {  	_ = 	snop  }
0x3b: {  	_ = 	snop  }
0x3c: {  	p2 =	seq.s32 s10, $0x1;
	s10 =	sld [smem:$0x3FAB]  }
0x3d: {  	_ =	shalt  }
0x3e: {  	_ =	shalt  }
0x3f: {  	_ =	shalt  }
0x40: {  	_ =	shalt  }
0x41: {  	_ =	shalt  }
0x42: {  	_ =	shalt  }
0x43: {  	_ =	shalt  }
0x44: {  	_ =	shalt  }
0x45: {  	_ =	shalt  }
0x46: {  	_ =	shalt  }
0x47: {  	_ =	shalt  }
0x48: {  	_ =	shalt  }
0x49: {  	_ =	shalt  }
0x4a: {  	_ =	shalt  }
0x4b: {  	_ =	shalt  }
0x4c: {  	_ =	shalt  }
0x4d: {  	_ =	shalt  }
0x4e: {  	_ =	shalt  }
0x4f: {  	_ =	shalt  }
0x50: {  	_ =	shalt  }
0x51: {  	_ =	shalt  }
0x52: {  	_ =	shalt  }
0x53: {  	_ =	shalt  }
0x54: {  	_ =	shalt  }
0x55: {  	_ =	shalt  }
0x56: {  	_ =	shalt  }
0x57: {  	_ =	shalt  }
0x58: {  	_ =	shalt  }
0x59: {  	_ =	shalt  }
0x5a: {  	_ =	shalt  }
0x5b: {  	_ =	shalt  }
0x5c: {  	_ =	shalt  }
0x5d: {  	_ =	shalt  }
0x5e: {  	_ =	shalt  }
0x5f: {  	_ =	shalt  }
0x60: {  	_ =	shalt  }
0x61: {  	_ =	shalt  }
0x62: {  	_ =	shalt  }
0x63: {  	_ =	shalt  }
0x64: {  	_ =	shalt  }
0x65: {  	_ =	shalt  }
0x66: {  	_ =	shalt  }
0x67: {  	_ =	shalt  }
0x68: {  	_ =	shalt  }
0x69: {  	_ =	shalt  }
0x6a: {  	_ =	shalt  }
0x6b: {  	_ =	shalt  }
0x6c: {  	_ =	shalt  }
0x6d: {  	_ =	shalt  }
0x6e: {  	_ =	shalt  }
0x6f: {  	_ =	shalt  }
0x70: {  	_ =	shalt  }
0x71: {  	_ =	shalt  }
0x72: {  	_ =	shalt  }
0x73: {  	_ =	shalt  }
0x74: {  	_ =	shalt  }
0x75: {  	_ =	shalt  }
0x76: {  	_ =	shalt  }
0x77: {  	_ =	shalt  }
0x78: {  	_ =	shalt  }
0x79: {  	_ =	shalt  }
0x7a: {  	_ =	shalt  }
0x7b: {  	_ =	shalt  }
0x7c: {  	_ =	shalt  }
0x7d: {  	_ =	shalt  }
0x7e: {  	_ =	shalt  }
0x7f: {  	_ =	shalt  }
0x80: {  	_ =	shalt  }
0x81: {  	_ =	shalt  }
0x82: {  	_ =	shalt  }
0x83: {  	_ =	shalt  }
0x84: {  	_ =	shalt  }
0x85: {  	_ =	shalt  }
0x86: {  	_ =	shalt  }
0x87: {  	_ =	shalt  }
.Lfunc_end0:
.L_simem_size_0:
called_computation.1_lowered:
.L_overlay_start_0:
0x88: {  	s2 =	sld [smem:$0x3FD9]  }
0x89: {  	s3 =	sld [smem:$0x3FFE];
	_ =	sdelay $0x1  }
0x8a: {  	s1 =	srdreg.scid  }
0x8b: {  	s0 =	sand.u32 $0x1, s1  }
0x8c: {  	s17 =	sshll.u32 s0, $0xA;
	s2 =	sadd.s32 s3, s2  }
0x8d: {  	s2 =	sadd.s32 s2, s17  }
0x8e: {  	[smem:$0x3FB7] =	sst s2  }
0x8f: {  	_ = 	snop  }
0x90: {  	(tm) =	ssettm $0x1  }
0x91: {  	s18 =	sld [smem:$0x3FFB];
	_ =	sdelay $0x3  }
0x92: {  	_ =	strace s18  }
0x93: {  	s2 =	sld [smem:$0x3FFC];
	_ =	sdelay $0x3  }
0x94: {  	_ =	strace s2  }
0x95: {  	s2 =	sld [smem:$0x3FFD];
	_ =	sdelay $0x3  }
0x96: {  	_ =	strace s2  }
0x97: {  	_ =	strace $0x8FFFFFFF  }
0x98: {  	s19 =	sld [smem:$0x3FDB];
	_ =	sdelay $0x1  }
0x99: {  	s20 =	simm.s32 $_scs_section_size  }
0x9a: {  	s4 =	simm.s32 $_size__tile_overlayer_lowered;
	s5 =	simm.s32 $_tile_overlayer_lowered  }
0x9b: {  	s6 =	simm.s32 $0x1BFF;
	s21 =	sshll.u32 s5, $0x1;
	s3 =	sadd.s32 s20, s19  }
0x9c: {  	s22 =	simm.s32 $0x0;
	s4 =	sshll.u32 s4, $0x1;
	s5 =	sadd.s32 s21, s3  }
0x9d: {  	[timem:s22], [sflag:s6] =	dma.local [hbm:s5], s4  }
0x9e: {  	_ =	swait.ge [sflag:s6], s4  }
0x9f: {  	s4 =	ssub.s32 $0x0, s4;
	[sflag:s6] =	ssyncset.done $0x0  }
0xa0: {  	[sflag:s6] =	ssyncadd.s32 s4;
	_ =	sdelay $0x1  }
0xa1: {  	s23 =	simm.s32 $0x1B8B  }
0xa2: {  	_ =	swait.ge [sflag:s23], $0x1  }
0xa3: {  	[sflag:s23] =	ssyncset.done $0x0  }
0xa4: {  	[sflag:s23] =	ssyncadd.s32 $0xFFFFFFFF  }
0xa5: {  	s4 =	sld [smem:$0x0]  }
0xa6: {  	s5 =	sand.u32 $0xFFFFFFFE, s1  }
0xa7: {  	p0 =	sne.s32 s1, s5  }
0xa8: {  	s5 =	sshll.u32 @p0 s5, $0xE  }
0xa9: {  	s5 =	sadd.s32 @p0 $0x11B8D, s5;
	s6 =	sshll.u32 @p0 s4, $0x11  }
0xaa: {  	s5 =	sor.u32 @p0 s6, s5  }
0xab: {  	[sflag:s5] =	ssyncadd.remote.s32 @p0 $0x1;
	_ =	sdelay $0x1  }
0xac: {  	s5 =	simm.s32 @p0 $0x1B8D  }
0xad: {  	_ =	swait.eq @p0 [sflag:s5], $0x1  }
0xae: {  	[sflag:s5] =	ssyncadd.s32 @p0 $0xFFFFFFFF  }
0xaf: {  	s6 =	sshll.u32 @!p0 s1, $0xE  }
0xb0: {  	s6 =	sor.u32 @!p0 $0x4000, s6;
	s5 =	simm.s32 @!p0 $0x1B8D  }
0xb1: {  	s4 =	sshll.u32 @!p0 s4, $0x11;
	s6 =	sadd.s32 @!p0 $0x11B8D, s6;
	_ =	swait.eq @!p0 [sflag:s5], $0x1  }
0xb2: {  	s4 =	sor.u32 @!p0 s4, s6;
	[sflag:s5] =	ssyncadd.s32 @!p0 $0xFFFFFFFF  }
0xb3: {  	s25 =	simm.s32 $0x1B8E;
	s24 =	sld [smem:$0x3FFE];
	[sflag:s4] =	ssyncadd.remote.s32 @!p0 $0x1  }
0xb4: {  	s26 =	simm.s32 $execute0_lowered;
	[smem:$0x3FD2] =	sst s25  }
0xb5: {  	s5 =	sshll.u32 s26, $0x1;
	_ =	strace $0x80000049;
	[dreg:$0x1] =	wrdreg $0xFFFFFFFF  }
0xb6: {  	s28 =	simm.s32 $_size_execute0_lowered;
	s3 =	sadd.s32 s3, s5;
	[dreg:$0x0] =	wrdreg $0x0  }
0xb7: {  	s5 =	sshll.u32 s28, $0x1;
	[dreg:$0x2] =	wrdreg s3  }
0xb8: {  	[dreg:$0x3] =	wrdreg s5  }
0xb9: {  	[dreg:$0x4] =	wrdreg $0xC0  }
0xba: {  	_ =	task [dreg:s22], $0x5FFFF  }
0xbb: {  	[dreg:$0x1] =	wrdreg $0xFFFFFFFF  }
0xbc: {  	[dreg:$0x0] =	wrdreg $0x60  }
0xbd: {  	[dreg:$0x2] =	wrdreg s24  }
0xbe: {  	[dreg:$0x3] =	wrdreg $0x9  }
0xbf: {  	_ =	task.clear_ibuf [dreg:s22], $0x4FFFF;
	_ =	strace $0x90000049  }
0xc0: {  	s29 =	simm.s32 $0x9;
	_ =	strace $0x8000004B  }
0xc1: {  	_ =	swait.ge [sflag:s29], $0x1  }
0xc2: {  	[sflag:s29] =	ssyncadd.s32 $0xFFFFFFFF  }
0xc3: {  	_ =	strace $0x9000004B  }
0xc4: {  	_ =	sfence  }
0xc5: {  	s30 =	sld [smem:$0x0];
	_ =	sdelay $0x2  }
0xc6: {  	s31 =	sshll.u32 s1, $0xD;
	s1 =	sshrl.u32 s1, $0x2  }
0xc7: {  	s4 =	sand.u32 $0x4000, s31;
	s1 =	sadd.s32 s1, s30  }
0xc8: {  	s0 =	sor.u32 s4, s0;
	s1 =	sshll.u32 s1, $0x11  }
0xc9: {  	s0 =	sor.u32 s1, s0  }
0xca: {  	s0 =	sadd.s32 $0x8F2B, s0  }
0xcb: {  	[sflag:s0] =	ssyncadd.remote.s32 $0x1  }
0xcc: {  	_ =	sfence.sel $0xFFFF  }
0xcd: {  	[dreg:$0x0] =	wrdreg $0xFFFFFFFF;
	(pc) =	sbr.abs _section_cstart, $3  }
0xce: {  	[dreg:$0x1] =	wrdreg $0xFFFFFFFF  }
0xcf: {  	_ =	task.clear_ibuf [dreg:s22], $0x2FFFF;
	_ =	strace $0x9FFFFFFF  }
0xd0: {  	(tm) =	ssettm $0x7FFFFFFF  }
0xd1: {  	_ =	shalt  }
tec
execute0_lowered:
.L_overlay_start_1:
0x0: {  	(tag) =	ssettag $0x1  }
0x1: {  	s8 =	rddreg [dreg:$0x0]  }
0x2: {  	s0 =	rddreg [dreg:$0x1];
	s1 =	simm.s32 $0x0;
	s3 =	srdreg.scid  }
0x3: {  	s13 =	simm.s32 $0x280;
	s14 =	simm.s32 $0x0;
	[smem:$0x7FF] =	sst s1  }
0x4: {  	s2 =	sadd.s32 $0xE800, s8;
	s4 =	sadd.s32 $0x9800, s8;
	s5 =	sadd.s32 $0x4800, s8  }
0x5: {  	s9 =	sand.u32 $0x1, s3;
	s6 =	sadd.s32 $0x2DBC00, s8;
	s3 =	stileid.u32  }
0x6: {  	s7 =	sadd.s32 $0x420C00, s8;
	s8 =	sadd.s32 $0x565C00, s8;
	s10 =	ssub.s32 $0x2, s9  }
0x7: {  	_ =	strace $0x8000004A;
	s12 =	sshll.u32 s3, $0x1;
	s11 =	sshrl.u32 s10, $0x1  }
0x8: {  	s9 =	sor.u32 s9, s12;
	s12 =	simm.s32 $0x208;
	s10 =	ssub.s32 s10, s11  }
0x9: {  	s9 =	smul.u32 $0xA28, s9;
	s11 =	simm.s32 $0x1;
	s10 =	smax.u32 s10, $0x1  }
.LBB2_1:
0xa: {  	s15 =	simm.s32 $0x0  }
.LBB2_2:
0xb: {  	s16 =	smul.u32 $0x208, s15;
	_ =	sdelay $0x1  }
0xc: {  	s16 =	sadd.s32 s9, s16  }
0xd: {  	s17 =	sshrl.u32 s16, $0x3  }
0xe: {  	s17 =	sadd.s32 $0x2580, s17  }
0xf: {  	s19 =	simm.s32 $0x0;
	s18 =	sadd.s32 s4, s17  }
0x10: {  	[tilespmem:s19], [sflag:$0x1] =	stream.linear.gather [hbm4b:s18+s19], $0x208, $0x38;
	[tilespmem:$0x10680] =	vst v63  }
0x11: {  	_ =	swait.ge [sflag:s11], $0x208  }
0x12: {  	[sflag:s11] =	ssyncset.done $0x0  }
0x13: {  	[sflag:s11] =	ssyncadd.s32 $0xFFFFFDF8  }
0x14: {  	[tilespmem:s13], [sflag:$0x1] =	stream.indirect.gather [hbm4b:s2+s12], $0x80, s19, s12, $0xb8;
	[tilespmem:$0x10680] =	vst v63  }
0x15: {  	_ =	swait.ge [sflag:s11], $0x10400  }
0x16: {  	s16 =	sshll.u32 s16, $0x4;
	[sflag:s11] =	ssyncset.done $0x0  }
0x17: {  	s31 =	sadd.s32 s6, s16;
	[sflag:s11] =	ssyncadd.s32 $0xFFFEFC00  }
0x18: {  	[hbm4b:s31+s19] =	stream.linear.scatter [tilespmem:s13], [sflag:$0x1], $0x10400, $0x38;
	[tilespmem:$0x10680] =	vst v63  }
0x19: {  	_ =	swait.ge [sflag:s11], $0x10400  }
0x1a: {  	[sflag:s11] =	ssyncset.done $0x0  }
0x1b: {  	s17 =	sadd.s32 s5, s17;
	[sflag:s11] =	ssyncadd.s32 $0xFFFEFC00  }
0x1c: {  	[tilespmem:s19], [sflag:$0x1] =	stream.linear.gather [hbm4b:s17+s19], $0x208, $0x38;
	[tilespmem:$0x10680] =	vst v63  }
0x1d: {  	_ =	swait.ge [sflag:s11], $0x208  }
0x1e: {  	[sflag:s11] =	ssyncset.done $0x0  }
0x1f: {  	s18 =	simm.s32 $0x0;
	s19 =	simm.s32 $0x40;
	[sflag:s11] =	ssyncadd.s32 $0xFFFFFDF8  }
.LBB2_3:
0x20: {  	p0 =	sne.s32 s19, $0x800;
	v0 =	vld [tilespmem:s18+$0x0];
	_ =	sdelay $0x1  }
.Ltmp0:
0x21: {  	(pc) =	sbr.rel @p0 .LBB2_3-.Ltmp0, $3  }
0x22: {  	_ =	sdelay $0x1  }
0x23: {  	v0 =	vadd.s32 $0x2710, v0  }
0x24: {  	[tilespmem:s18+$0x0] =	vst v0;
	s18 =	sshra.s32 s19, $0x2;
	s19 =	sadd.s32 $0x40, s19  }
0x25: {  	v0 =	vld [tilespmem:s18+$0x0];
	_ =	sdelay $0x4  }
0x26: {  	v0 =	vadd.s32 $0x2710, v0  }
0x27: {  	s31 =	simm.s32 $0x0;
	[tilespmem:s18+$0x0] =	vst v0  }
0x28: {  	[tilespmem:s13], [sflag:$0x1] =	stream.indirect.gather [hbm4b:s2+s12], $0x80, s31, s12, $0xb8;
	[tilespmem:$0x10680] =	vst v63  }
0x29: {  	_ =	swait.ge [sflag:s11], $0x10400  }
0x2a: {  	[sflag:s11] =	ssyncset.done $0x0  }
0x2b: {  	s19 =	sadd.s32 s7, s16;
	[sflag:s11] =	ssyncadd.s32 $0xFFFEFC00  }
0x2c: {  	[hbm4b:s19+s31] =	stream.linear.scatter [tilespmem:s13], [sflag:$0x1], $0x10400, $0x38;
	[tilespmem:$0x10680] =	vst v63  }
0x2d: {  	_ =	swait.ge [sflag:s11], $0x10400  }
0x2e: {  	[sflag:s11] =	ssyncset.done $0x0  }
0x2f: {  	[sflag:s11] =	ssyncadd.s32 $0xFFFEFC00  }
0x30: {  	[tilespmem:s31], [sflag:$0x1] =	stream.linear.gather [hbm4b:s17+s31], $0x208, $0x38;
	[tilespmem:$0x10680] =	vst v63  }
0x31: {  	_ =	swait.ge [sflag:s11], $0x208  }
0x32: {  	[sflag:s11] =	ssyncset.done $0x0  }
0x33: {  	s18 =	simm.s32 $0x40;
	s17 =	simm.s32 $0x0;
	[sflag:s11] =	ssyncadd.s32 $0xFFFFFDF8  }
.LBB2_5:
0x34: {  	p0 =	sne.s32 s18, $0x800;
	v0 =	vld [tilespmem:s17+$0x0];
	_ =	sdelay $0x1  }
.Ltmp1:
0x35: {  	(pc) =	sbr.rel @p0 .LBB2_5-.Ltmp1, $3  }
0x36: {  	_ =	sdelay $0x1  }
0x37: {  	v0 =	vadd.s32 $0x4E20, v0  }
0x38: {  	[tilespmem:s17+$0x0] =	vst v0;
	s17 =	sshra.s32 s18, $0x2;
	s18 =	sadd.s32 $0x40, s18  }
0x39: {  	v0 =	vld [tilespmem:s17+$0x0];
	_ =	sdelay $0x4  }
0x3a: {  	v0 =	vadd.s32 $0x4E20, v0  }
0x3b: {  	[tilespmem:s17+$0x0] =	vst v0  }
0x3c: {  	[tilespmem:s13], [sflag:$0x1] =	stream.indirect.gather [hbm4b:s2+s12], $0x80, s1, s12, $0xb8;
	[tilespmem:$0x10680] =	vst v63  }
0x3d: {  	s15 =	sadd.s32 $0x1, s15;
	_ =	swait.ge [sflag:s11], $0x10400  }
0x3e: {  	p0 =	sne.s32 s15, $0x5;
	[sflag:s11] =	ssyncset.done $0x0  }
.Ltmp2:
0x3f: {  	s16 =	sadd.s32 s8, s16;
	[sflag:s11] =	ssyncadd.s32 $0xFFFEFC00;
	(pc) =	sbr.rel @p0 .LBB2_2-.Ltmp2, $4  }
0x40: {  	[hbm4b:s16+s1] =	stream.linear.scatter [tilespmem:s13], [sflag:$0x1], $0x10400, $0x38;
	[tilespmem:$0x10680] =	vst v63  }
0x41: {  	_ =	swait.ge [sflag:s11], $0x10400  }
0x42: {  	[sflag:s11] =	ssyncset.done $0x0  }
0x43: {  	[sflag:s11] =	ssyncadd.s32 $0xFFFEFC00  }
0x44: {  	s14 =	sadd.s32 $0x1, s14  }
0x45: {  	p0 =	sne.s32 s14, s10  }
.Ltmp3:
0x46: {  	_ = 	snop;
	(pc) =	sbr.rel @p0 .LBB2_1-.Ltmp3, $1  }
0x47: {  	_ =	sdelay $0x3  }
0x48: {  	_ =	sfence.sel $0x180000  }
0x49: {  	[bflag:$0x0] =	sbarrier.arrive $0xFFFF  }
0x4a: {  	p0 =	sne.s32 s3, $0x0;
	_ =	strace $0x9000004A  }
0x4b: {  	s0 =	sadd.s32 @!p0 $0x100000, s0;
	[bflag:$0x2] =	sbarrier.arrive $0xFFFF  }
0x4c: {  	[sflag:s0] =	ssyncadd.tile.s32 @!p0 $0x1;
	_ =	shalt  }
.Lfunc_end2:
_tile_overlayer_lowered:
.L_overlay_start_2:
0x4d: {  	(tag) =	ssettag $0x2  }
0x4e: {  	s0 =	rddreg [dreg:$0x0];
	s2 =	stileid.u32  }
0x4f: {  	s1 =	rddreg [dreg:$0x1];
	p0 =	sne.s32 s2, $0x0  }
0x50: {  	s3 =	rddreg [dreg:$0x2];
	[bflag:$0x3] =	sbarrier.arrive $0xFFFF;
	s2 =	simm.s32 @!p0 $0x1C01  }
0x51: {  	[timem:s3], [sflag:s2] =	dma.local @!p0 [hbm:s0], s1  }
0x52: {  	s0 =	simm.s32 @!p0 $0x1  }
0x53: {  	_ =	swait.ge @!p0 [sflag:s0], s1  }
0x54: {  	s1 =	ssub.s32 @!p0 $0x0, s1;
	[sflag:s0] =	ssyncset.done @!p0 $0x0  }
0x55: {  	[sflag:s0] =	ssyncadd.s32 @!p0 s1  }
0x56: {  	[bflag:$0x3] =	sbarrier.arrive $0xFFFF  }
0x57: {  	_ =	shalt  }

// kernel: kernel.18.cloned.1.call-start
scs
__scs_entry_jumppad:
0x0: {  	(pc) =	sbr.rel $0x88, $3  }
0x1: {  	(tag) =	ssettag $0x0;
	lr =	simm.s32 $0x1  }
0x2: {  	[smem:$0x3F90] =	sst lr;
	_ =	strace $0xD0000000  }
0x3: {  	_ = 	snop  }
0x4: {  	_ = 	snop  }
0x5: {  	_ = 	snop  }
0x6: {  	_ = 	snop  }
0x7: {  	_ = 	snop  }
__scs_overlays_trampoline_lowered:
0x8: {  	[smem:$0x3F9F] =	sst s0  }
0x9: {  	[smem:$0x3FA0] =	sst s1  }
0xa: {  	[smem:$0x3FA1] =	sst s2  }
0xb: {  	[smem:$0x3FA2] =	sst s3  }
0xc: {  	[smem:$0x3FA3] =	sst s4  }
0xd: {  	[smem:$0x3FA4] =	sst s5  }
0xe: {  	[smem:$0x3FA5] =	sst s6  }
0xf: {  	[smem:$0x3FA6] =	sst s7  }
0x10: {  	[smem:$0x3FA7] =	sst s8  }
0x11: {  	[smem:$0x3FA8] =	sst s9;
	s0 =	simm.s32 @!p0 $0x0  }
0x12: {  	s1 =	sld [smem:$0x3F8E];
	s0 =	simm.s32 @p0 $0x1  }
0x13: {  	[smem:$0x3FA9] =	sst s0;
	s0 =	simm.s32 @!p1 $0x0  }
0x14: {  	s2 =	sld [smem:$0x3F8D];
	s0 =	simm.s32 @p1 $0x1  }
0x15: {  	[smem:$0x3FAA] =	sst s0;
	s0 =	simm.s32 @!p2 $0x0  }
0x16: {  	s3 =	sld [smem:$0x3FDB];
	s0 =	simm.s32 @p2 $0x1  }
0x17: {  	s4 =	simm.s32 $0x1BF5;
	[smem:$0x3FAC] =	sst s0  }
0x18: {  	s0 =	sld [smem:$0x3F8F];
	_ =	swait.ge [sflag:s4], $0x0  }
0x19: {  	s7 =	sld [smem:$0x3F90]  }
0x1a: {  	s8 =	sadd.s32 $0xFFFFE003, lr  }
0x1b: {  	s9 =	sadd.s32 $0xFFFFFEF7, lr;
	s5 =	simm.s32 $0xFFFFFFFF;
	p2 =	slt.u32 s8, $0xFFFFF086  }
0x1c: {  	p1 =	slt.u32 s9, $0xF7A;
	s5 =	simm.s32 @!p2 $0x0  }
0x1d: {  	s5 =	simm.s32 @p1 $0x1;
	p0 =	seq.s32 s7, s2  }
0x1e: {  	s7 =	smul.u32 @!p0 $0xF7A, s2;
	p2 =	seq.s32 @!p0 s5, $0x0  }
0x1f: {  	s9 =	smul.u32 $0xF7A, s1;
	s8 =	simm.s32 @!p0 $0x1BF5;
	p2 =	por !p2, p0  }
0x20: {  	[sflag:s8] =	ssyncset.s32 @!p0 $0xFFFFF086;
	s6 =	sadd.s32 @!p0 s3, s7;
	s7 =	simm.s32 @!p0 $0x108  }
0x21: {  	s3 =	sadd.s32 s3, s9;
	s6 =	sadd.s32 @!p0 $0x88, s6;
	s7 =	simm.s32 @p2 $0x1082  }
0x22: {  	[simem:s7], [sflag:s8] =	dma.local @!p0 [hbm:s6], $0xF7A  }
0x23: {  	s9 =	sor.u32 $0xD0000000, s2;
	s6 =	simm.s32 $0x108;
	_ =	swait.ge @!p0 [sflag:s8], $0x0  }
0x24: {  	s3 =	sadd.s32 $0x88, s3;
	s6 =	simm.s32 @!p1 $0x1082;
	[sflag:s4] =	ssyncset.s32 $0xFFFFF086  }
0x25: {  	[simem:s6], [sflag:s4] =	dma.local [hbm:s3], $0xF7A  }
0x26: {  	[smem:$0x3F90] =	sst s1;
	(tag) =	ssettag s2;
	_ =	strace s9  }
0x27: {  	s1 =	sld [smem:$0x3FA0]  }
0x28: {  	s2 =	sld [smem:$0x3FA1]  }
0x29: {  	s4 =	sld [smem:$0x3FA3]  }
0x2a: {  	p0 =	seq.s32 s5, $0x0;
	s5 =	sld [smem:$0x3FA4]  }
0x2b: {  	s6 =	sld [smem:$0x3FA5]  }
0x2c: {  	s7 =	sld [smem:$0x3FA6]  }
0x2d: {  	s3 =	simm.s32 $0x108;
	s8 =	sld [smem:$0x3FA7]  }
0x2e: {  	s3 =	simm.s32 @!p0 $0x1082;
	s9 =	sld [smem:$0x3FA8]  }
0x2f: {  	lr =	sadd.s32 s0, s3;
	s0 =	sld [smem:$0x3F9F]  }
0x30: {  	s3 =	sld [smem:$0x3FA2]  }
0x31: {  	[smem:$0x3FAB] =	sst s10  }
0x32: {  	s10 =	sld [smem:$0x3FA9];
	_ =	sdelay $0x3  }
0x33: {  	p0 =	seq.s32 s10, $0x1;
	s10 =	sld [smem:$0x3FAB];
	_ =	sdelay $0x3  }
0x34: {  	[smem:$0x3FAB] =	sst s10  }
0x35: {  	s10 =	sld [smem:$0x3FAA];
	_ =	sdelay $0x3  }
0x36: {  	p1 =	seq.s32 s10, $0x1;
	s10 =	sld [smem:$0x3FAB];
	_ =	sdelay $0x3  }
0x37: {  	[smem:$0x3FAB] =	sst s10  }
0x38: {  	s10 =	sld [smem:$0x3FAC]  }
0x39: {  	_ = 	snop;
	(pc) =	sbr.ind lr, $3  }
0x3a: {  	_ = 	snop  }
0x3b: {  	_ = 	snop  }
0x3c: {  	p2 =	seq.s32 s10, $0x1;
	s10 =	sld [smem:$0x3FAB]  }
0x3d: {  	_ =	shalt  }
0x3e: {  	_ =	shalt  }
0x3f: {  	_ =	shalt  }
0x40: {  	_ =	shalt  }
0x41: {  	_ =	shalt  }
0x42: {  	_ =	shalt  }
0x43: {  	_ =	shalt  }
0x44: {  	_ =	shalt  }
0x45: {  	_ =	shalt  }
0x46: {  	_ =	shalt  }
0x47: {  	_ =	shalt  }
0x48: {  	_ =	shalt  }
0x49: {  	_ =	shalt  }
0x4a: {  	_ =	shalt  }
0x4b: {  	_ =	shalt  }
0x4c: {  	_ =	shalt  }
0x4d: {  	_ =	shalt  }
0x4e: {  	_ =	shalt  }
0x4f: {  	_ =	shalt  }
0x50: {  	_ =	shalt  }
0x51: {  	_ =	shalt  }
0x52: {  	_ =	shalt  }
0x53: {  	_ =	shalt  }
0x54: {  	_ =	shalt  }
0x55: {  	_ =	shalt  }
0x56: {  	_ =	shalt  }
0x57: {  	_ =	shalt  }
0x58: {  	_ =	shalt  }
0x59: {  	_ =	shalt  }
0x5a: {  	_ =	shalt  }
0x5b: {  	_ =	shalt  }
0x5c: {  	_ =	shalt  }
0x5d: {  	_ =	shalt  }
0x5e: {  	_ =	shalt  }
0x5f: {  	_ =	shalt  }
0x60: {  	_ =	shalt  }
0x61: {  	_ =	shalt  }
0x62: {  	_ =	shalt  }
0x63: {  	_ =	shalt  }
0x64: {  	_ =	shalt  }
0x65: {  	_ =	shalt  }
0x66: {  	_ =	shalt  }
0x67: {  	_ =	shalt  }
0x68: {  	_ =	shalt  }
0x69: {  	_ =	shalt  }
0x6a: {  	_ =	shalt  }
0x6b: {  	_ =	shalt  }
0x6c: {  	_ =	shalt  }
0x6d: {  	_ =	shalt  }
0x6e: {  	_ =	shalt  }
0x6f: {  	_ =	shalt  }
0x70: {  	_ =	shalt  }
0x71: {  	_ =	shalt  }
0x72: {  	_ =	shalt  }
0x73: {  	_ =	shalt  }
0x74: {  	_ =	shalt  }
0x75: {  	_ =	shalt  }
0x76: {  	_ =	shalt  }
0x77: {  	_ =	shalt  }
0x78: {  	_ =	shalt  }
0x79: {  	_ =	shalt  }
0x7a: {  	_ =	shalt  }
0x7b: {  	_ =	shalt  }
0x7c: {  	_ =	shalt  }
0x7d: {  	_ =	shalt  }
0x7e: {  	_ =	shalt  }
0x7f: {  	_ =	shalt  }
0x80: {  	_ =	shalt  }
0x81: {  	_ =	shalt  }
0x82: {  	_ =	shalt  }
0x83: {  	_ =	shalt  }
0x84: {  	_ =	shalt  }
0x85: {  	_ =	shalt  }
0x86: {  	_ =	shalt  }
0x87: {  	_ =	shalt  }
.Lfunc_end0:
.L_simem_size_0:
called_computation.2_lowered:
.L_overlay_start_0:
0x88: {  	s2 =	sld [smem:$0x3FD9]  }
0x89: {  	s3 =	sld [smem:$0x3FFE];
	_ =	sdelay $0x1  }
0x8a: {  	s1 =	srdreg.scid  }
0x8b: {  	s0 =	sand.u32 $0x1, s1  }
0x8c: {  	s17 =	sshll.u32 s0, $0xA;
	s2 =	sadd.s32 s3, s2  }
0x8d: {  	s2 =	sadd.s32 s2, s17  }
0x8e: {  	[smem:$0x3FB7] =	sst s2  }
0x8f: {  	_ = 	snop  }
0x90: {  	(tm) =	ssettm $0x1  }
0x91: {  	s18 =	sld [smem:$0x3FFB];
	_ =	sdelay $0x3  }
0x92: {  	_ =	strace s18  }
0x93: {  	s2 =	sld [smem:$0x3FFC];
	_ =	sdelay $0x3  }
0x94: {  	_ =	strace s2  }
0x95: {  	s2 =	sld [smem:$0x3FFD];
	_ =	sdelay $0x3  }
0x96: {  	_ =	strace s2  }
0x97: {  	_ =	strace $0x8FFFFFFF  }
0x98: {  	s19 =	sld [smem:$0x3FDB];
	_ =	sdelay $0x1  }
0x99: {  	s20 =	simm.s32 $_scs_section_size  }
0x9a: {  	s4 =	simm.s32 $_size__tile_overlayer_lowered;
	s5 =	simm.s32 $_tile_overlayer_lowered  }
0x9b: {  	s6 =	simm.s32 $0x1BFF;
	s21 =	sshll.u32 s5, $0x1;
	s3 =	sadd.s32 s20, s19  }
0x9c: {  	s22 =	simm.s32 $0x0;
	s4 =	sshll.u32 s4, $0x1;
	s5 =	sadd.s32 s21, s3  }
0x9d: {  	[timem:s22], [sflag:s6] =	dma.local [hbm:s5], s4  }
0x9e: {  	_ =	swait.ge [sflag:s6], s4  }
0x9f: {  	s4 =	ssub.s32 $0x0, s4;
	[sflag:s6] =	ssyncset.done $0x0  }
0xa0: {  	[sflag:s6] =	ssyncadd.s32 s4;
	_ =	sdelay $0x1  }
0xa1: {  	s23 =	simm.s32 $0x1B8B  }
0xa2: {  	_ =	swait.ge [sflag:s23], $0x1  }
0xa3: {  	[sflag:s23] =	ssyncset.done $0x0  }
0xa4: {  	[sflag:s23] =	ssyncadd.s32 $0xFFFFFFFF  }
0xa5: {  	s4 =	sld [smem:$0x0]  }
0xa6: {  	s5 =	sand.u32 $0xFFFFFFFE, s1  }
0xa7: {  	p0 =	sne.s32 s1, s5  }
0xa8: {  	s5 =	sshll.u32 @p0 s5, $0xE  }
0xa9: {  	s5 =	sadd.s32 @p0 $0x11B8D, s5;
	s6 =	sshll.u32 @p0 s4, $0x11  }
0xaa: {  	s5 =	sor.u32 @p0 s6, s5  }
0xab: {  	[sflag:s5] =	ssyncadd.remote.s32 @p0 $0x1;
	_ =	sdelay $0x1  }
0xac: {  	s5 =	simm.s32 @p0 $0x1B8D  }
0xad: {  	_ =	swait.eq @p0 [sflag:s5], $0x1  }
0xae: {  	[sflag:s5] =	ssyncadd.s32 @p0 $0xFFFFFFFF  }
0xaf: {  	s6 =	sshll.u32 @!p0 s1, $0xE  }
0xb0: {  	s6 =	sor.u32 @!p0 $0x4000, s6;
	s5 =	simm.s32 @!p0 $0x1B8D  }
0xb1: {  	s4 =	sshll.u32 @!p0 s4, $0x11;
	s6 =	sadd.s32 @!p0 $0x11B8D, s6;
	_ =	swait.eq @!p0 [sflag:s5], $0x1  }
0xb2: {  	s4 =	sor.u32 @!p0 s4, s6;
	[sflag:s5] =	ssyncadd.s32 @!p0 $0xFFFFFFFF  }
0xb3: {  	s25 =	simm.s32 $0x1B8E;
	s24 =	sld [smem:$0x3FFE];
	[sflag:s4] =	ssyncadd.remote.s32 @!p0 $0x1  }
0xb4: {  	s26 =	simm.s32 $execute0_lowered;
	[smem:$0x3FD2] =	sst s25  }
0xb5: {  	s5 =	sshll.u32 s26, $0x1;
	_ =	strace $0x8000004C;
	[dreg:$0x1] =	wrdreg $0xFFFFFFFF  }
0xb6: {  	s28 =	simm.s32 $_size_execute0_lowered;
	s3 =	sadd.s32 s3, s5;
	[dreg:$0x0] =	wrdreg $0x0  }
0xb7: {  	s5 =	sshll.u32 s28, $0x1;
	[dreg:$0x2] =	wrdreg s3  }
0xb8: {  	[dreg:$0x3] =	wrdreg s5  }
0xb9: {  	[dreg:$0x4] =	wrdreg $0xC0  }
0xba: {  	_ =	task [dreg:s22], $0x5FFFF  }
0xbb: {  	[dreg:$0x1] =	wrdreg $0xFFFFFFFF  }
0xbc: {  	[dreg:$0x0] =	wrdreg $0x60  }
0xbd: {  	[dreg:$0x2] =	wrdreg s24  }
0xbe: {  	[dreg:$0x3] =	wrdreg $0x65000  }
0xbf: {  	[dreg:$0x4] =	wrdreg $0xA  }
0xc0: {  	_ =	task.clear_ibuf [dreg:s22], $0x5FFFF;
	_ =	strace $0x9000004C  }
0xc1: {  	s29 =	simm.s32 $0xA;
	_ =	strace $0x8000004E  }
0xc2: {  	_ =	swait.ge [sflag:s29], $0x1  }
0xc3: {  	[sflag:s29] =	ssyncadd.s32 $0xFFFFFFFF  }
0xc4: {  	_ =	strace $0x9000004E  }
0xc5: {  	_ =	sfence  }
0xc6: {  	s30 =	sld [smem:$0x0];
	_ =	sdelay $0x2  }
0xc7: {  	s31 =	sshll.u32 s1, $0xD;
	s1 =	sshrl.u32 s1, $0x2  }
0xc8: {  	s4 =	sand.u32 $0x4000, s31;
	s1 =	sadd.s32 s1, s30  }
0xc9: {  	s0 =	sor.u32 s4, s0;
	s1 =	sshll.u32 s1, $0x11  }
0xca: {  	s0 =	sor.u32 s1, s0  }
0xcb: {  	s0 =	sadd.s32 $0x8F2B, s0  }
0xcc: {  	[sflag:s0] =	ssyncadd.remote.s32 $0x1  }
0xcd: {  	_ =	sfence.sel $0xFFFF  }
0xce: {  	[dreg:$0x0] =	wrdreg $0xFFFFFFFF;
	(pc) =	sbr.abs _section_cstart, $3  }
0xcf: {  	[dreg:$0x1] =	wrdreg $0xFFFFFFFF  }
0xd0: {  	_ =	task.clear_ibuf [dreg:s22], $0x2FFFF;
	_ =	strace $0x9FFFFFFF  }
0xd1: {  	(tm) =	ssettm $0x7FFFFFFF  }
tec
execute0_lowered:
.L_overlay_start_1:
0x0: {  	(tag) =	ssettag $0x1  }
0x1: {  	s0 =	stileid.u32  }
0x2: {  	s1 =	srdreg.scid;
	s5 =	rddreg [dreg:$0x0]  }
0x3: {  	s2 =	rddreg [dreg:$0x1];
	s4 =	smul.u32 $0x12C00, s0  }
0x4: {  	s3 =	simm.s32 $0x0;
	s13 =	simm.s32 $0x1;
	s7 =	smul.u32 $0x12C0, s0  }
0x5: {  	s14 =	simm.s32 $0x100;
	s15 =	simm.s32 $0xC8;
	s22 =	smul.u32 $0x3E80, s0  }
0x6: {  	s6 =	sand.u32 $0x1, s1;
	s1 =	rddreg [dreg:$0x2];
	s26 =	smul.u32 $0x7D000, s0  }
0x7: {  	s18 =	simm.s32 $0x0;
	[smem:$0x7FF] =	sst s3;
	s8 =	smul.u32 $0x960, s6  }
0x8: {  	p0 =	sgt.u32 s0, $0x9;
	s9 =	smul.u32 $0x27100, s6;
	_ =	strace $0x8000004D  }
0x9: {  	s25 =	ssub.s32 $0x2, s6;
	s31 =	smul.u32 $0x9600, s6;
	s16 =	sshll.u32 @!p0 s0, $0x6  }
0xa: {  	s10 =	sadd.s32 s4, s5;
	s28 =	sshrl.u32 s25, $0x1;
	s30 =	sshrl.u32 s26, $0x2  }
0xb: {  	s16 =	sor.u32 @!p0 $0x1C01, s16;
	s7 =	sadd.s32 s8, s7;
	s24 =	sadd.s32 s22, s9  }
0xc: {  	s29 =	ssub.s32 s25, s28;
	s4 =	sadd.s32 s30, s2;
	s11 =	sadd.s32 s31, s10  }
0xd: {  	s23 =	sshrl.u32 s7, $0x3;
	s6 =	smax.u32 s29, $0x1;
	s7 =	sadd.s32 $0x6400, s4  }
0xe: {  	s8 =	sadd.s32 $0xC800, s4;
	s9 =	sadd.s32 $0x12C00, s4;
	s10 =	sadd.s32 $0x19000, s4  }
0xf: {  	s11 =	sadd.s32 $0x6AAC00, s11;
	s12 =	sadd.s32 s23, s5;
	s5 =	sadd.s32 s24, s5  }
0x10: {  	v0 =	vimm.f32 $0.0e+00;
	s17 =	sshrl.u32 @!p0 s4, $0x3;
	s5 =	sadd.s32 $0x83C00, s5;
	s12 =	sadd.s32 $0x9800, s12  }
.LBB2_1:
0x11: {  	s19 =	simm.s32 $0x70;
	s20 =	simm.s32 $0x3C0  }
.LBB2_2:
0x12: {  	p1 =	sne.s32 s20, $0x18FC0;
	[tilespmem:s19+$0x100] =	vst v0  }
0x13: {  	[tilespmem:s19+$0x90] =	vst v0  }
0x14: {  	[tilespmem:s19+$0xA0] =	vst v0  }
.Ltmp0:
0x15: {  	[tilespmem:s19+$0xB0] =	vst v0;
	(pc) =	sbr.rel @p1 .LBB2_2-.Ltmp0, $4  }
0x16: {  	[tilespmem:s19+$0xC0] =	vst v0  }
0x17: {  	[tilespmem:s19+$0xD0] =	vst v0  }
0x18: {  	[tilespmem:s19+$0xE0] =	vst v0  }
0x19: {  	[tilespmem:s19+$0xF0] =	vst v0;
	s19 =	sshra.s32 s20, $0x2;
	s20 =	sadd.s32 $0x200, s20  }
0x1a: {  	[tilespmem:s19+$0x100] =	vst v0  }
0x1b: {  	[tilespmem:s19+$0x90] =	vst v0  }
0x1c: {  	[tilespmem:s19+$0xA0] =	vst v0  }
0x1d: {  	[tilespmem:s19+$0xB0] =	vst v0  }
0x1e: {  	[tilespmem:s19+$0xC0] =	vst v0  }
0x1f: {  	[tilespmem:s19+$0xD0] =	vst v0  }
0x20: {  	[tilespmem:s19+$0xE0] =	vst v0  }
0x21: {  	[tilespmem:s19+$0xF0] =	vst v0;
	s19 =	simm.s32 @!p0 $0x100;
	s20 =	simm.s32 @!p0 $0x1  }
0x22: {  	[spmem:s4] =	stream.linear.scatter @!p0 [tilespmem:s19], [sflag:$0x1], $0x6400, $0x38;
	[tilespmem:$0x19D80] =	vst v63  }
0x23: {  	_ =	swait.ge @!p0 [sflag:s20], $0x6400  }
0x24: {  	[sflag:s20] =	ssyncset.done @!p0 $0x0  }
0x25: {  	[sflag:s20] =	ssyncadd.s32 @!p0 $0xFFFF9C00  }
0x26: {  	[spmem:s7] =	stream.linear.scatter @!p0 [tilespmem:s19], [sflag:$0x1], $0x6400, $0x38;
	[tilespmem:$0x19D80] =	vst v63  }
0x27: {  	_ =	swait.ge @!p0 [sflag:s20], $0x6400  }
0x28: {  	[sflag:s20] =	ssyncset.done @!p0 $0x0  }
0x29: {  	[sflag:s20] =	ssyncadd.s32 @!p0 $0xFFFF9C00  }
0x2a: {  	[spmem:s8] =	stream.linear.scatter @!p0 [tilespmem:s19], [sflag:$0x1], $0x6400, $0x38;
	[tilespmem:$0x19D80] =	vst v63  }
0x2b: {  	_ =	swait.ge @!p0 [sflag:s20], $0x6400  }
0x2c: {  	[sflag:s20] =	ssyncset.done @!p0 $0x0  }
0x2d: {  	[sflag:s20] =	ssyncadd.s32 @!p0 $0xFFFF9C00  }
0x2e: {  	[spmem:s9] =	stream.linear.scatter @!p0 [tilespmem:s19], [sflag:$0x1], $0x6400, $0x38;
	[tilespmem:$0x19D80] =	vst v63  }
0x2f: {  	_ =	swait.ge @!p0 [sflag:s20], $0x6400  }
0x30: {  	[sflag:s20] =	ssyncset.done @!p0 $0x0  }
0x31: {  	[sflag:s20] =	ssyncadd.s32 @!p0 $0xFFFF9C00  }
0x32: {  	[spmem:s10] =	stream.linear.scatter @!p0 [tilespmem:s19], [sflag:$0x1], $0x6400, $0x38;
	[tilespmem:$0x19D80] =	vst v63  }
0x33: {  	_ =	swait.ge @!p0 [sflag:s20], $0x6400  }
0x34: {  	[sflag:s20] =	ssyncset.done @!p0 $0x0  }
0x35: {  	[sflag:s20] =	ssyncadd.s32 @!p0 $0xFFFF9C00  }
0x36: {  	s31 =	sadd.s32 $0x0, s12;
	[bflag:$0x0] =	sbarrier.arrive $0xFFFF  }
0x37: {  	[tilespmem:s3], [sflag:$0x1] =	stream.linear.gather [hbm4b:s31+s3], $0xC8, $0x38;
	[tilespmem:$0x19D80] =	vst v63  }
0x38: {  	_ =	swait.ge [sflag:s13], $0xC8  }
0x39: {  	[sflag:s13] =	ssyncset.done $0x0  }
0x3a: {  	[sflag:s13] =	ssyncadd.s32 $0xFFFFFF38  }
0x3b: {  	[tilespmem:s14], [sflag:$0x1] =	stream.linear.gather [hbm4b:s11+s3], $0x6400, $0x38;
	[tilespmem:$0x19D80] =	vst v63  }
0x3c: {  	_ =	swait.ge [sflag:s13], $0x6400  }
0x3d: {  	[sflag:s13] =	ssyncset.done $0x0  }
0x3e: {  	[sflag:s13] =	ssyncadd.s32 $0xFFFF9C00  }
0x3f: {  	[spmem:s2] =	stream.indirect.scatter.add.f32 [tilespmem:s14], [sflag:$0x1], $0x80, s3, s15, $0xb8;
	[tilespmem:$0x19D80] =	vst v63  }
0x40: {  	s21 =	simm.s32 $0x32;
	_ =	swait.ge [sflag:s13], $0x6400  }
0x41: {  	s19 =	sadd.s32 $0xC80, s11;
	s20 =	simm.s32 $0x19;
	[sflag:s13] =	ssyncset.done $0x0  }
.LBB2_4:
0x42: {  	s22 =	sadd.s32 s20, s12  }
0x43: {  	[sflag:s13] =	ssyncadd.s32 $0xFFFF9C00;
	s20 =	smov.u32 s21;
	s23 =	sadd.s32 $0x19, s21  }
0x44: {  	[tilespmem:s3], [sflag:$0x1] =	stream.linear.gather [hbm4b:s22+s3], $0xC8, $0x38;
	[tilespmem:$0x19D80] =	vst v63  }
0x45: {  	p1 =	sne.s32 s21, $0x113;
	_ =	swait.ge [sflag:s13], $0xC8  }
0x46: {  	[sflag:s13] =	ssyncset.done $0x0  }
0x47: {  	[sflag:s13] =	ssyncadd.s32 $0xFFFFFF38  }
0x48: {  	[tilespmem:s14], [sflag:$0x1] =	stream.linear.gather [hbm4b:s19+s3], $0x6400, $0x38;
	[tilespmem:$0x19D80] =	vst v63  }
0x49: {  	_ =	swait.ge [sflag:s13], $0x6400  }
.Ltmp1:
0x4a: {  	[sflag:s13] =	ssyncset.done $0x0;
	(pc) =	sbr.rel @p1 .LBB2_4-.Ltmp1, $4  }
0x4b: {  	[sflag:s13] =	ssyncadd.s32 $0xFFFF9C00  }
0x4c: {  	[spmem:s2] =	stream.indirect.scatter.add.f32 [tilespmem:s14], [sflag:$0x1], $0x80, s3, s15, $0xb8;
	[tilespmem:$0x19D80] =	vst v63  }
0x4d: {  	_ =	swait.ge [sflag:s13], $0x6400  }
0x4e: {  	s21 =	smov.u32 s23;
	s19 =	sadd.s32 $0xC80, s19;
	[sflag:s13] =	ssyncset.done $0x0  }
0x4f: {  	s20 =	sadd.s32 s20, s12;
	[sflag:s13] =	ssyncadd.s32 $0xFFFF9C00  }
0x50: {  	[tilespmem:s3], [sflag:$0x1] =	stream.linear.gather [hbm4b:s20+s3], $0xC8, $0x38;
	[tilespmem:$0x19D80] =	vst v63  }
0x51: {  	_ =	swait.ge [sflag:s13], $0xC8  }
0x52: {  	[sflag:s13] =	ssyncset.done $0x0  }
0x53: {  	[sflag:s13] =	ssyncadd.s32 $0xFFFFFF38  }
0x54: {  	[tilespmem:s14], [sflag:$0x1] =	stream.linear.gather [hbm4b:s19+s3], $0x6400, $0x38;
	[tilespmem:$0x19D80] =	vst v63  }
0x55: {  	_ =	swait.ge [sflag:s13], $0x6400  }
0x56: {  	[sflag:s13] =	ssyncset.done $0x0  }
0x57: {  	[sflag:s13] =	ssyncadd.s32 $0xFFFF9C00  }
0x58: {  	[spmem:s2] =	stream.indirect.scatter.add.f32 [tilespmem:s14], [sflag:$0x1], $0x80, s3, s15, $0xb8;
	[tilespmem:$0x19D80] =	vst v63  }
0x59: {  	_ =	swait.ge [sflag:s13], $0x6400  }
0x5a: {  	s18 =	sadd.s32 $0x1, s18;
	[sflag:s13] =	ssyncset.done $0x0  }
0x5b: {  	p1 =	sne.s32 s18, s6;
	[sflag:s13] =	ssyncadd.s32 $0xFFFF9C00  }
.Ltmp2:
0x5c: {  	s19 =	simm.s32 @!p0 $0x1;
	[bflag:$0x0] =	sbarrier.arrive $0xFFFF;
	(pc) =	sbr.rel @p1 .LBB2_1-.Ltmp2, $4  }
0x5d: {  	[hbm:s5], [sflag:s16] =	dma.local @!p0 [spmem:s17], $0x3E80  }
0x5e: {  	_ =	swait.ge @!p0 [sflag:s19], $0x3E80  }
0x5f: {  	[sflag:s19] =	ssyncset.done @!p0 $0x0  }
0x60: {  	[sflag:s19] =	ssyncadd.s32 @!p0 $0xFFFFC180  }
0x61: {  	_ =	sfence.sel $0x180000  }
0x62: {  	[bflag:$0x0] =	sbarrier.arrive $0xFFFF  }
0x63: {  	p0 =	sne.s32 s0, $0x0;
	_ =	strace $0x9000004D  }
0x64: {  	s0 =	sadd.s32 @!p0 $0x100000, s1;
	[bflag:$0x2] =	sbarrier.arrive $0xFFFF  }
0x65: {  	[sflag:s0] =	ssyncadd.tile.s32 @!p0 $0x1;
	_ =	shalt  }
.Lfunc_end2:
_tile_overlayer_lowered:
.L_overlay_start_2:
0x66: {  	(tag) =	ssettag $0x2  }
0x67: {  	s0 =	rddreg [dreg:$0x0];
	s2 =	stileid.u32  }
0x68: {  	s1 =	rddreg [dreg:$0x1];
	p0 =	sne.s32 s2, $0x0  }
0x69: {  	s3 =	rddreg [dreg:$0x2];
	[bflag:$0x3] =	sbarrier.arrive $0xFFFF;
	s2 =	simm.s32 @!p0 $0x1C01  }
0x6a: {  	[timem:s3], [sflag:s2] =	dma.local @!p0 [hbm:s0], s1  }
0x6b: {  	s0 =	simm.s32 @!p0 $0x1  }
0x6c: {  	_ =	swait.ge @!p0 [sflag:s0], s1  }
0x6d: {  	s1 =	ssub.s32 @!p0 $0x0, s1;
	[sflag:s0] =	ssyncset.done @!p0 $0x0  }
0x6e: {  	[sflag:s0] =	ssyncadd.s32 @!p0 s1  }
0x6f: {  	[bflag:$0x3] =	sbarrier.arrive $0xFFFF  }
0x70: {  	_ =	shalt  }

// kernel: kernel.21.cloned.1.call-start
scs
__scs_entry_jumppad:
0x0: {  	(pc) =	sbr.rel $0x88, $3  }
0x1: {  	(tag) =	ssettag $0x0;
	lr =	simm.s32 $0x1  }
0x2: {  	[smem:$0x3F90] =	sst lr;
	_ =	strace $0xD0000000  }
0x3: {  	_ = 	snop  }
0x4: {  	_ = 	snop  }
0x5: {  	_ = 	snop  }
0x6: {  	_ = 	snop  }
0x7: {  	_ = 	snop  }
__scs_overlays_trampoline_lowered:
0x8: {  	[smem:$0x3F9F] =	sst s0  }
0x9: {  	[smem:$0x3FA0] =	sst s1  }
0xa: {  	[smem:$0x3FA1] =	sst s2  }
0xb: {  	[smem:$0x3FA2] =	sst s3  }
0xc: {  	[smem:$0x3FA3] =	sst s4  }
0xd: {  	[smem:$0x3FA4] =	sst s5  }
0xe: {  	[smem:$0x3FA5] =	sst s6  }
0xf: {  	[smem:$0x3FA6] =	sst s7  }
0x10: {  	[smem:$0x3FA7] =	sst s8  }
0x11: {  	[smem:$0x3FA8] =	sst s9;
	s0 =	simm.s32 @!p0 $0x0  }
0x12: {  	s1 =	sld [smem:$0x3F8E];
	s0 =	simm.s32 @p0 $0x1  }
0x13: {  	[smem:$0x3FA9] =	sst s0;
	s0 =	simm.s32 @!p1 $0x0  }
0x14: {  	s2 =	sld [smem:$0x3F8D];
	s0 =	simm.s32 @p1 $0x1  }
0x15: {  	[smem:$0x3FAA] =	sst s0;
	s0 =	simm.s32 @!p2 $0x0  }
0x16: {  	s3 =	sld [smem:$0x3FDB];
	s0 =	simm.s32 @p2 $0x1  }
0x17: {  	s4 =	simm.s32 $0x1BF5;
	[smem:$0x3FAC] =	sst s0  }
0x18: {  	s0 =	sld [smem:$0x3F8F];
	_ =	swait.ge [sflag:s4], $0x0  }
0x19: {  	s7 =	sld [smem:$0x3F90]  }
0x1a: {  	s8 =	sadd.s32 $0xFFFFE003, lr  }
0x1b: {  	s9 =	sadd.s32 $0xFFFFFEF7, lr;
	s5 =	simm.s32 $0xFFFFFFFF;
	p2 =	slt.u32 s8, $0xFFFFF086  }
0x1c: {  	p1 =	slt.u32 s9, $0xF7A;
	s5 =	simm.s32 @!p2 $0x0  }
0x1d: {  	s5 =	simm.s32 @p1 $0x1;
	p0 =	seq.s32 s7, s2  }
0x1e: {  	s7 =	smul.u32 @!p0 $0xF7A, s2;
	p2 =	seq.s32 @!p0 s5, $0x0  }
0x1f: {  	s9 =	smul.u32 $0xF7A, s1;
	s8 =	simm.s32 @!p0 $0x1BF5;
	p2 =	por !p2, p0  }
0x20: {  	[sflag:s8] =	ssyncset.s32 @!p0 $0xFFFFF086;
	s6 =	sadd.s32 @!p0 s3, s7;
	s7 =	simm.s32 @!p0 $0x108  }
0x21: {  	s3 =	sadd.s32 s3, s9;
	s6 =	sadd.s32 @!p0 $0x88, s6;
	s7 =	simm.s32 @p2 $0x1082  }
0x22: {  	[simem:s7], [sflag:s8] =	dma.local @!p0 [hbm:s6], $0xF7A  }
0x23: {  	s9 =	sor.u32 $0xD0000000, s2;
	s6 =	simm.s32 $0x108;
	_ =	swait.ge @!p0 [sflag:s8], $0x0  }
0x24: {  	s3 =	sadd.s32 $0x88, s3;
	s6 =	simm.s32 @!p1 $0x1082;
	[sflag:s4] =	ssyncset.s32 $0xFFFFF086  }
0x25: {  	[simem:s6], [sflag:s4] =	dma.local [hbm:s3], $0xF7A  }
0x26: {  	[smem:$0x3F90] =	sst s1;
	(tag) =	ssettag s2;
	_ =	strace s9  }
0x27: {  	s1 =	sld [smem:$0x3FA0]  }
0x28: {  	s2 =	sld [smem:$0x3FA1]  }
0x29: {  	s4 =	sld [smem:$0x3FA3]  }
0x2a: {  	p0 =	seq.s32 s5, $0x0;
	s5 =	sld [smem:$0x3FA4]  }
0x2b: {  	s6 =	sld [smem:$0x3FA5]  }
0x2c: {  	s7 =	sld [smem:$0x3FA6]  }
0x2d: {  	s3 =	simm.s32 $0x108;
	s8 =	sld [smem:$0x3FA7]  }
0x2e: {  	s3 =	simm.s32 @!p0 $0x1082;
	s9 =	sld [smem:$0x3FA8]  }
0x2f: {  	lr =	sadd.s32 s0, s3;
	s0 =	sld [smem:$0x3F9F]  }
0x30: {  	s3 =	sld [smem:$0x3FA2]  }
0x31: {  	[smem:$0x3FAB] =	sst s10  }
0x32: {  	s10 =	sld [smem:$0x3FA9];
	_ =	sdelay $0x3  }
0x33: {  	p0 =	seq.s32 s10, $0x1;
	s10 =	sld [smem:$0x3FAB];
	_ =	sdelay $0x3  }
0x34: {  	[smem:$0x3FAB] =	sst s10  }
0x35: {  	s10 =	sld [smem:$0x3FAA];
	_ =	sdelay $0x3  }
0x36: {  	p1 =	seq.s32 s10, $0x1;
	s10 =	sld [smem:$0x3FAB];
	_ =	sdelay $0x3  }
0x37: {  	[smem:$0x3FAB] =	sst s10  }
0x38: {  	s10 =	sld [smem:$0x3FAC]  }
0x39: {  	_ = 	snop;
	(pc) =	sbr.ind lr, $3  }
0x3a: {  	_ = 	snop  }
0x3b: {  	_ = 	snop  }
0x3c: {  	p2 =	seq.s32 s10, $0x1;
	s10 =	sld [smem:$0x3FAB]  }
0x3d: {  	_ =	shalt  }
0x3e: {  	_ =	shalt  }
0x3f: {  	_ =	shalt  }
0x40: {  	_ =	shalt  }
0x41: {  	_ =	shalt  }
0x42: {  	_ =	shalt  }
0x43: {  	_ =	shalt  }
0x44: {  	_ =	shalt  }
0x45: {  	_ =	shalt  }
0x46: {  	_ =	shalt  }
0x47: {  	_ =	shalt  }
0x48: {  	_ =	shalt  }
0x49: {  	_ =	shalt  }
0x4a: {  	_ =	shalt  }
0x4b: {  	_ =	shalt  }
0x4c: {  	_ =	shalt  }
0x4d: {  	_ =	shalt  }
0x4e: {  	_ =	shalt  }
0x4f: {  	_ =	shalt  }
0x50: {  	_ =	shalt  }
0x51: {  	_ =	shalt  }
0x52: {  	_ =	shalt  }
0x53: {  	_ =	shalt  }
0x54: {  	_ =	shalt  }
0x55: {  	_ =	shalt  }
0x56: {  	_ =	shalt  }
0x57: {  	_ =	shalt  }
0x58: {  	_ =	shalt  }
0x59: {  	_ =	shalt  }
0x5a: {  	_ =	shalt  }
0x5b: {  	_ =	shalt  }
0x5c: {  	_ =	shalt  }
0x5d: {  	_ =	shalt  }
0x5e: {  	_ =	shalt  }
0x5f: {  	_ =	shalt  }
0x60: {  	_ =	shalt  }
0x61: {  	_ =	shalt  }
0x62: {  	_ =	shalt  }
0x63: {  	_ =	shalt  }
0x64: {  	_ =	shalt  }
0x65: {  	_ =	shalt  }
0x66: {  	_ =	shalt  }
0x67: {  	_ =	shalt  }
0x68: {  	_ =	shalt  }
0x69: {  	_ =	shalt  }
0x6a: {  	_ =	shalt  }
0x6b: {  	_ =	shalt  }
0x6c: {  	_ =	shalt  }
0x6d: {  	_ =	shalt  }
0x6e: {  	_ =	shalt  }
0x6f: {  	_ =	shalt  }
0x70: {  	_ =	shalt  }
0x71: {  	_ =	shalt  }
0x72: {  	_ =	shalt  }
0x73: {  	_ =	shalt  }
0x74: {  	_ =	shalt  }
0x75: {  	_ =	shalt  }
0x76: {  	_ =	shalt  }
0x77: {  	_ =	shalt  }
0x78: {  	_ =	shalt  }
0x79: {  	_ =	shalt  }
0x7a: {  	_ =	shalt  }
0x7b: {  	_ =	shalt  }
0x7c: {  	_ =	shalt  }
0x7d: {  	_ =	shalt  }
0x7e: {  	_ =	shalt  }
0x7f: {  	_ =	shalt  }
0x80: {  	_ =	shalt  }
0x81: {  	_ =	shalt  }
0x82: {  	_ =	shalt  }
0x83: {  	_ =	shalt  }
0x84: {  	_ =	shalt  }
0x85: {  	_ =	shalt  }
0x86: {  	_ =	shalt  }
0x87: {  	_ =	shalt  }
.Lfunc_end0:
.L_simem_size_0:
called_computation.3_lowered:
.L_overlay_start_0:
0x88: {  	s2 =	sld [smem:$0x3FD9]  }
0x89: {  	s3 =	sld [smem:$0x3FFE];
	_ =	sdelay $0x1  }
0x8a: {  	s1 =	srdreg.scid  }
0x8b: {  	s0 =	sand.u32 $0x1, s1  }
0x8c: {  	s15 =	sshll.u32 s0, $0xA;
	s2 =	sadd.s32 s3, s2  }
0x8d: {  	s2 =	sadd.s32 s2, s15  }
0x8e: {  	[smem:$0x3FB7] =	sst s2  }
0x8f: {  	_ = 	snop  }
0x90: {  	s2 =	sld [smem:$0x3FD0];
	_ =	sdelay $0x2  }
0x91: {  	s16 =	simm.s32 $0xB;
	s4 =	simm.s32 $0x10  }
0x92: {  	[smem:s4], [sflag:s16] =	dma.local [hbm:s2], $0x1  }
0x93: {  	_ =	swait.eq [sflag:s16], $0x1  }
0x94: {  	[sflag:s16] =	ssyncset.done $0x0  }
0x95: {  	[sflag:s16] =	ssyncadd.s32 $0xFFFFFFFF  }
0x96: {  	s17 =	sld [smem:$0x11];
	(tm) =	ssettm $0x1  }
0x97: {  	s18 =	sld [smem:$0x3FFB];
	_ =	sdelay $0x3  }
0x98: {  	_ =	strace s18  }
0x99: {  	s2 =	sld [smem:$0x3FFC];
	_ =	sdelay $0x3  }
0x9a: {  	_ =	strace s2  }
0x9b: {  	s2 =	sld [smem:$0x3FFD];
	_ =	sdelay $0x3  }
0x9c: {  	_ =	strace s2  }
0x9d: {  	_ =	strace $0x8FFFFFFF  }
0x9e: {  	s19 =	sld [smem:$0x3FDB];
	_ =	sdelay $0x1  }
0x9f: {  	s20 =	simm.s32 $_scs_section_size  }
0xa0: {  	s5 =	simm.s32 $_size__tile_overlayer_lowered;
	s6 =	simm.s32 $_tile_overlayer_lowered  }
0xa1: {  	s7 =	simm.s32 $0x1BFF;
	s21 =	sshll.u32 s6, $0x1;
	s4 =	sadd.s32 s20, s19  }
0xa2: {  	s22 =	simm.s32 $0x0;
	s5 =	sshll.u32 s5, $0x1;
	s6 =	sadd.s32 s21, s4  }
0xa3: {  	[timem:s22], [sflag:s7] =	dma.local [hbm:s6], s5  }
0xa4: {  	_ =	swait.ge [sflag:s7], s5  }
0xa5: {  	s5 =	ssub.s32 $0x0, s5;
	[sflag:s7] =	ssyncset.done $0x0  }
0xa6: {  	[sflag:s7] =	ssyncadd.s32 s5;
	_ =	sdelay $0x1  }
0xa7: {  	s23 =	simm.s32 $0x1B8B  }
0xa8: {  	_ =	swait.ge [sflag:s23], $0x1  }
0xa9: {  	[sflag:s23] =	ssyncset.done $0x0  }
0xaa: {  	[sflag:s23] =	ssyncadd.s32 $0xFFFFFFFF  }
0xab: {  	s5 =	sld [smem:$0x0]  }
0xac: {  	s6 =	sand.u32 $0xFFFFFFFE, s1  }
0xad: {  	p0 =	sne.s32 s1, s6  }
0xae: {  	s6 =	sshll.u32 @p0 s6, $0xE  }
0xaf: {  	s6 =	sadd.s32 @p0 $0x11B8D, s6;
	s7 =	sshll.u32 @p0 s5, $0x11  }
0xb0: {  	s6 =	sor.u32 @p0 s7, s6  }
0xb1: {  	[sflag:s6] =	ssyncadd.remote.s32 @p0 $0x1;
	_ =	sdelay $0x1  }
0xb2: {  	s6 =	simm.s32 @p0 $0x1B8D  }
0xb3: {  	_ =	swait.eq @p0 [sflag:s6], $0x1  }
0xb4: {  	[sflag:s6] =	ssyncadd.s32 @p0 $0xFFFFFFFF  }
0xb5: {  	s7 =	sshll.u32 @!p0 s1, $0xE  }
0xb6: {  	s7 =	sor.u32 @!p0 $0x4000, s7;
	s6 =	simm.s32 @!p0 $0x1B8D  }
0xb7: {  	s5 =	sshll.u32 @!p0 s5, $0x11;
	s7 =	sadd.s32 @!p0 $0x11B8D, s7;
	_ =	swait.eq @!p0 [sflag:s6], $0x1  }
0xb8: {  	s5 =	sor.u32 @!p0 s5, s7;
	[sflag:s6] =	ssyncadd.s32 @!p0 $0xFFFFFFFF  }
0xb9: {  	s25 =	simm.s32 $0x1B8E;
	s24 =	sld [smem:$0x3FFE];
	[sflag:s5] =	ssyncadd.remote.s32 @!p0 $0x1  }
0xba: {  	s26 =	simm.s32 $execute0_lowered;
	[smem:$0x3FD2] =	sst s25  }
0xbb: {  	s6 =	sshll.u32 s26, $0x1;
	_ =	strace $0x8000004F;
	[dreg:$0x1] =	wrdreg $0xFFFFFFFF  }
0xbc: {  	s28 =	simm.s32 $_size_execute0_lowered;
	s4 =	sadd.s32 s4, s6;
	[dreg:$0x0] =	wrdreg $0x0  }
0xbd: {  	s6 =	sshll.u32 s28, $0x1;
	[dreg:$0x2] =	wrdreg s4  }
0xbe: {  	[dreg:$0x3] =	wrdreg s6  }
0xbf: {  	[dreg:$0x4] =	wrdreg $0xC0  }
0xc0: {  	_ =	task [dreg:s22], $0x5FFFF  }
0xc1: {  	[dreg:$0x1] =	wrdreg $0xFFFFFFFF  }
0xc2: {  	[dreg:$0x0] =	wrdreg $0x60  }
0xc3: {  	[dreg:$0x2] =	wrdreg s17  }
0xc4: {  	[dreg:$0x3] =	wrdreg s24  }
0xc5: {  	[dreg:$0x4] =	wrdreg $0x65000  }
0xc6: {  	[dreg:$0x5] =	wrdreg $0x9  }
0xc7: {  	_ =	task.clear_ibuf [dreg:s22], $0x6FFFF;
	_ =	strace $0x9000004F  }
0xc8: {  	s29 =	simm.s32 $0x9;
	_ =	strace $0x80000051  }
0xc9: {  	_ =	swait.ge [sflag:s29], $0x1  }
0xca: {  	[sflag:s29] =	ssyncadd.s32 $0xFFFFFFFF  }
0xcb: {  	_ =	strace $0x90000051  }
0xcc: {  	_ =	sfence  }
0xcd: {  	s30 =	sld [smem:$0x0];
	_ =	sdelay $0x2  }
0xce: {  	s31 =	sshll.u32 s1, $0xD;
	s1 =	sshrl.u32 s1, $0x2  }
0xcf: {  	s4 =	sand.u32 $0x4000, s31;
	s1 =	sadd.s32 s1, s30  }
0xd0: {  	s0 =	sor.u32 s4, s0;
	s1 =	sshll.u32 s1, $0x11  }
0xd1: {  	s0 =	sor.u32 s1, s0  }
0xd2: {  	s0 =	sadd.s32 $0x8F2B, s0  }
0xd3: {  	[sflag:s0] =	ssyncadd.remote.s32 $0x1  }
0xd4: {  	_ =	sfence.sel $0xFFFF  }
0xd5: {  	[dreg:$0x0] =	wrdreg $0xFFFFFFFF;
	(pc) =	sbr.abs _section_cstart, $3  }
0xd6: {  	[dreg:$0x1] =	wrdreg $0xFFFFFFFF  }
0xd7: {  	_ =	task.clear_ibuf [dreg:s22], $0x2FFFF;
	_ =	strace $0x9FFFFFFF  }
0xd8: {  	(tm) =	ssettm $0x7FFFFFFF  }
0xd9: {  	_ =	shalt  }
tec
execute0_lowered:
.L_overlay_start_1:
0x0: {  	(tag) =	ssettag $0x1  }
0x1: {  	s9 =	rddreg [dreg:$0x0];
	s1 =	srdreg.scid  }
0x2: {  	s0 =	stileid.u32;
	s4 =	rddreg [dreg:$0x1]  }
0x3: {  	s2 =	rddreg [dreg:$0x2];
	s5 =	smul.u32 $0x1450, s0  }
0x4: {  	s3 =	simm.s32 $0x0;
	s14 =	simm.s32 $0x100;
	s8 =	smul.u32 $0x3E80, s0  }
0x5: {  	s15 =	simm.s32 $0xC8;
	s18 =	simm.s32 $0x0;
	s10 =	smul.u32 $0x7D000, s0  }
0x6: {  	s7 =	sand.u32 $0x1, s1;
	s1 =	rddreg [dreg:$0x3];
	s31 =	smul.u32 $0x14500, s0  }
0x7: {  	[smem:$0x7FF] =	sst s3;
	p0 =	sgt.u32 s0, $0x9;
	s6 =	smul.u32 $0xA28, s7  }
0x8: {  	s25 =	smul.u32 $0x27100, s7;
	_ =	strace $0x80000050;
	s28 =	ssub.s32 $0x2, s7  }
0x9: {  	s11 =	smul.u32 $0xA280, s7;
	s16 =	sshll.u32 @!p0 s0, $0x6;
	s29 =	sshrl.u32 s28, $0x1  }
0xa: {  	s30 =	sshrl.u32 s10, $0x2;
	s13 =	sadd.s32 s31, s9;
	s5 =	sadd.s32 s6, s5  }
0xb: {  	s16 =	sor.u32 @!p0 $0x1C01, s16;
	s26 =	sadd.s32 s8, s25;
	s5 =	sadd.s32 $0x12C00, s5  }
0xc: {  	s6 =	ssub.s32 s28, s29;
	s11 =	sadd.s32 s11, s13;
	s5 =	sshrl.u32 s5, $0x3  }
0xd: {  	s13 =	simm.s32 $0x1;
	s12 =	sadd.s32 s5, s4;
	s5 =	sadd.s32 s26, s4  }
0xe: {  	s6 =	smax.u32 s6, $0x1;
	s4 =	sadd.s32 s30, s2;
	s5 =	sadd.s32 $0xE800, s5  }
0xf: {  	s7 =	sadd.s32 $0x6400, s4;
	s8 =	sadd.s32 $0xC800, s4;
	s9 =	sadd.s32 $0x12C00, s4  }
0x10: {  	v0 =	vimm.f32 $0.0e+00;
	s10 =	sadd.s32 $0x19000, s4;
	s12 =	sadd.s32 $0x9800, s12;
	s17 =	sshrl.u32 @!p0 s4, $0x3  }
.LBB2_1:
0x11: {  	s19 =	simm.s32 $0x70;
	s20 =	simm.s32 $0x3C0  }
.LBB2_2:
0x12: {  	p1 =	sne.s32 s20, $0x18FC0;
	[tilespmem:s19+$0x100] =	vst v0  }
0x13: {  	[tilespmem:s19+$0x90] =	vst v0  }
0x14: {  	[tilespmem:s19+$0xA0] =	vst v0  }
.Ltmp0:
0x15: {  	[tilespmem:s19+$0xB0] =	vst v0;
	(pc) =	sbr.rel @p1 .LBB2_2-.Ltmp0, $4  }
0x16: {  	[tilespmem:s19+$0xC0] =	vst v0  }
0x17: {  	[tilespmem:s19+$0xD0] =	vst v0  }
0x18: {  	[tilespmem:s19+$0xE0] =	vst v0  }
0x19: {  	[tilespmem:s19+$0xF0] =	vst v0;
	s19 =	sshra.s32 s20, $0x2;
	s20 =	sadd.s32 $0x200, s20  }
0x1a: {  	[tilespmem:s19+$0x100] =	vst v0  }
0x1b: {  	[tilespmem:s19+$0x90] =	vst v0  }
0x1c: {  	[tilespmem:s19+$0xA0] =	vst v0  }
0x1d: {  	[tilespmem:s19+$0xB0] =	vst v0  }
0x1e: {  	[tilespmem:s19+$0xC0] =	vst v0  }
0x1f: {  	[tilespmem:s19+$0xD0] =	vst v0  }
0x20: {  	[tilespmem:s19+$0xE0] =	vst v0  }
0x21: {  	[tilespmem:s19+$0xF0] =	vst v0;
	s19 =	simm.s32 @!p0 $0x100;
	s20 =	simm.s32 @!p0 $0x1  }
0x22: {  	[spmem:s4] =	stream.linear.scatter @!p0 [tilespmem:s19], [sflag:$0x1], $0x6400, $0x38;
	[tilespmem:$0x19D80] =	vst v63  }
0x23: {  	_ =	swait.ge @!p0 [sflag:s20], $0x6400  }
0x24: {  	[sflag:s20] =	ssyncset.done @!p0 $0x0  }
0x25: {  	[sflag:s20] =	ssyncadd.s32 @!p0 $0xFFFF9C00  }
0x26: {  	[spmem:s7] =	stream.linear.scatter @!p0 [tilespmem:s19], [sflag:$0x1], $0x6400, $0x38;
	[tilespmem:$0x19D80] =	vst v63  }
0x27: {  	_ =	swait.ge @!p0 [sflag:s20], $0x6400  }
0x28: {  	[sflag:s20] =	ssyncset.done @!p0 $0x0  }
0x29: {  	[sflag:s20] =	ssyncadd.s32 @!p0 $0xFFFF9C00  }
0x2a: {  	[spmem:s8] =	stream.linear.scatter @!p0 [tilespmem:s19], [sflag:$0x1], $0x6400, $0x38;
	[tilespmem:$0x19D80] =	vst v63  }
0x2b: {  	_ =	swait.ge @!p0 [sflag:s20], $0x6400  }
0x2c: {  	[sflag:s20] =	ssyncset.done @!p0 $0x0  }
0x2d: {  	[sflag:s20] =	ssyncadd.s32 @!p0 $0xFFFF9C00  }
0x2e: {  	[spmem:s9] =	stream.linear.scatter @!p0 [tilespmem:s19], [sflag:$0x1], $0x6400, $0x38;
	[tilespmem:$0x19D80] =	vst v63  }
0x2f: {  	_ =	swait.ge @!p0 [sflag:s20], $0x6400  }
0x30: {  	[sflag:s20] =	ssyncset.done @!p0 $0x0  }
0x31: {  	[sflag:s20] =	ssyncadd.s32 @!p0 $0xFFFF9C00  }
0x32: {  	[spmem:s10] =	stream.linear.scatter @!p0 [tilespmem:s19], [sflag:$0x1], $0x6400, $0x38;
	[tilespmem:$0x19D80] =	vst v63  }
0x33: {  	_ =	swait.ge @!p0 [sflag:s20], $0x6400  }
0x34: {  	[sflag:s20] =	ssyncset.done @!p0 $0x0  }
0x35: {  	[sflag:s20] =	ssyncadd.s32 @!p0 $0xFFFF9C00  }
0x36: {  	s31 =	sadd.s32 $0x0, s12;
	[bflag:$0x0] =	sbarrier.arrive $0xFFFF  }
0x37: {  	[tilespmem:s3], [sflag:$0x1] =	stream.linear.gather [hbm4b:s31+s3], $0xC8, $0x38;
	[tilespmem:$0x19D80] =	vst v63  }
0x38: {  	_ =	swait.ge [sflag:s13], $0xC8  }
0x39: {  	[sflag:s13] =	ssyncset.done $0x0  }
0x3a: {  	[sflag:s13] =	ssyncadd.s32 $0xFFFFFF38  }
0x3b: {  	[tilespmem:s14], [sflag:$0x1] =	stream.linear.gather [hbm4b:s11+s3], $0x6400, $0x38;
	[tilespmem:$0x19D80] =	vst v63  }
0x3c: {  	_ =	swait.ge [sflag:s13], $0x6400  }
0x3d: {  	[sflag:s13] =	ssyncset.done $0x0  }
0x3e: {  	[sflag:s13] =	ssyncadd.s32 $0xFFFF9C00  }
0x3f: {  	[spmem:s2] =	stream.indirect.scatter.add.f32 [tilespmem:s14], [sflag:$0x1], $0x80, s3, s15, $0xb8;
	[tilespmem:$0x19D80] =	vst v63  }
0x40: {  	s21 =	simm.s32 $0x32;
	_ =	swait.ge [sflag:s13], $0x6400  }
0x41: {  	s19 =	sadd.s32 $0xC80, s11;
	s20 =	simm.s32 $0x19;
	[sflag:s13] =	ssyncset.done $0x0  }
.LBB2_4:
0x42: {  	s22 =	sadd.s32 s20, s12  }
0x43: {  	[sflag:s13] =	ssyncadd.s32 $0xFFFF9C00;
	s20 =	smov.u32 s21;
	s23 =	sadd.s32 $0x19, s21  }
0x44: {  	[tilespmem:s3], [sflag:$0x1] =	stream.linear.gather [hbm4b:s22+s3], $0xC8, $0x38;
	[tilespmem:$0x19D80] =	vst v63  }
0x45: {  	p1 =	sne.s32 s21, $0x12C;
	_ =	swait.ge [sflag:s13], $0xC8  }
0x46: {  	[sflag:s13] =	ssyncset.done $0x0  }
0x47: {  	[sflag:s13] =	ssyncadd.s32 $0xFFFFFF38  }
0x48: {  	[tilespmem:s14], [sflag:$0x1] =	stream.linear.gather [hbm4b:s19+s3], $0x6400, $0x38;
	[tilespmem:$0x19D80] =	vst v63  }
0x49: {  	_ =	swait.ge [sflag:s13], $0x6400  }
.Ltmp1:
0x4a: {  	[sflag:s13] =	ssyncset.done $0x0;
	(pc) =	sbr.rel @p1 .LBB2_4-.Ltmp1, $4  }
0x4b: {  	[sflag:s13] =	ssyncadd.s32 $0xFFFF9C00  }
0x4c: {  	[spmem:s2] =	stream.indirect.scatter.add.f32 [tilespmem:s14], [sflag:$0x1], $0x80, s3, s15, $0xb8;
	[tilespmem:$0x19D80] =	vst v63  }
0x4d: {  	_ =	swait.ge [sflag:s13], $0x6400  }
0x4e: {  	s21 =	smov.u32 s23;
	s19 =	sadd.s32 $0xC80, s19;
	[sflag:s13] =	ssyncset.done $0x0  }
0x4f: {  	s20 =	sadd.s32 s20, s12;
	[sflag:s13] =	ssyncadd.s32 $0xFFFF9C00  }
0x50: {  	[tilespmem:s3], [sflag:$0x1] =	stream.linear.gather [hbm4b:s20+s3], $0xC8, $0x38;
	[tilespmem:$0x19D80] =	vst v63  }
0x51: {  	_ =	swait.ge [sflag:s13], $0xC8  }
0x52: {  	[sflag:s13] =	ssyncset.done $0x0  }
0x53: {  	[sflag:s13] =	ssyncadd.s32 $0xFFFFFF38  }
0x54: {  	[tilespmem:s14], [sflag:$0x1] =	stream.linear.gather [hbm4b:s19+s3], $0x6400, $0x38;
	[tilespmem:$0x19D80] =	vst v63  }
0x55: {  	_ =	swait.ge [sflag:s13], $0x6400  }
0x56: {  	[sflag:s13] =	ssyncset.done $0x0  }
0x57: {  	[sflag:s13] =	ssyncadd.s32 $0xFFFF9C00  }
0x58: {  	[spmem:s2] =	stream.indirect.scatter.add.f32 [tilespmem:s14], [sflag:$0x1], $0x80, s3, s15, $0xb8;
	[tilespmem:$0x19D80] =	vst v63  }
0x59: {  	_ =	swait.ge [sflag:s13], $0x6400  }
0x5a: {  	s18 =	sadd.s32 $0x1, s18;
	[sflag:s13] =	ssyncset.done $0x0  }
0x5b: {  	p1 =	sne.s32 s18, s6;
	[sflag:s13] =	ssyncadd.s32 $0xFFFF9C00  }
.Ltmp2:
0x5c: {  	s19 =	simm.s32 @!p0 $0x1;
	[bflag:$0x0] =	sbarrier.arrive $0xFFFF;
	(pc) =	sbr.rel @p1 .LBB2_1-.Ltmp2, $4  }
0x5d: {  	[hbm:s5], [sflag:s16] =	dma.local @!p0 [spmem:s17], $0x3E80  }
0x5e: {  	_ =	swait.ge @!p0 [sflag:s19], $0x3E80  }
0x5f: {  	[sflag:s19] =	ssyncset.done @!p0 $0x0  }
0x60: {  	[sflag:s19] =	ssyncadd.s32 @!p0 $0xFFFFC180  }
0x61: {  	_ =	sfence.sel $0x180000  }
0x62: {  	[bflag:$0x0] =	sbarrier.arrive $0xFFFF  }
0x63: {  	p0 =	sne.s32 s0, $0x0;
	_ =	strace $0x90000050  }
0x64: {  	s0 =	sadd.s32 @!p0 $0x100000, s1;
	[bflag:$0x2] =	sbarrier.arrive $0xFFFF  }
0x65: {  	[sflag:s0] =	ssyncadd.tile.s32 @!p0 $0x1;
	_ =	shalt  }
.Lfunc_end2:
_tile_overlayer_lowered:
.L_overlay_start_2:
0x66: {  	(tag) =	ssettag $0x2  }
0x67: {  	s0 =	rddreg [dreg:$0x0];
	s2 =	stileid.u32  }
0x68: {  	s1 =	rddreg [dreg:$0x1];
	p0 =	sne.s32 s2, $0x0  }
0x69: {  	s3 =	rddreg [dreg:$0x2];
	[bflag:$0x3] =	sbarrier.arrive $0xFFFF;
	s2 =	simm.s32 @!p0 $0x1C01  }
0x6a: {  	[timem:s3], [sflag:s2] =	dma.local @!p0 [hbm:s0], s1  }
0x6b: {  	s0 =	simm.s32 @!p0 $0x1  }
0x6c: {  	_ =	swait.ge @!p0 [sflag:s0], s1  }
0x6d: {  	s1 =	ssub.s32 @!p0 $0x0, s1;
	[sflag:s0] =	ssyncset.done @!p0 $0x0  }
0x6e: {  	[sflag:s0] =	ssyncadd.s32 @!p0 s1  }
0x6f: {  	[bflag:$0x3] =	sbarrier.arrive $0xFFFF  }
0x70: {  	_ =	shalt  }

// kernel: kernel.24.cloned.1.call-start
scs
__scs_entry_jumppad:
0x0: {  	(pc) =	sbr.rel $0x88, $3  }
0x1: {  	(tag) =	ssettag $0x0;
	lr =	simm.s32 $0x1  }
0x2: {  	[smem:$0x3F90] =	sst lr;
	_ =	strace $0xD0000000  }
0x3: {  	_ = 	snop  }
0x4: {  	_ = 	snop  }
0x5: {  	_ = 	snop  }
0x6: {  	_ = 	snop  }
0x7: {  	_ = 	snop  }
__scs_overlays_trampoline_lowered:
0x8: {  	[smem:$0x3F9F] =	sst s0  }
0x9: {  	[smem:$0x3FA0] =	sst s1  }
0xa: {  	[smem:$0x3FA1] =	sst s2  }
0xb: {  	[smem:$0x3FA2] =	sst s3  }
0xc: {  	[smem:$0x3FA3] =	sst s4  }
0xd: {  	[smem:$0x3FA4] =	sst s5  }
0xe: {  	[smem:$0x3FA5] =	sst s6  }
0xf: {  	[smem:$0x3FA6] =	sst s7  }
0x10: {  	[smem:$0x3FA7] =	sst s8  }
0x11: {  	[smem:$0x3FA8] =	sst s9;
	s0 =	simm.s32 @!p0 $0x0  }
0x12: {  	s1 =	sld [smem:$0x3F8E];
	s0 =	simm.s32 @p0 $0x1  }
0x13: {  	[smem:$0x3FA9] =	sst s0;
	s0 =	simm.s32 @!p1 $0x0  }
0x14: {  	s2 =	sld [smem:$0x3F8D];
	s0 =	simm.s32 @p1 $0x1  }
0x15: {  	[smem:$0x3FAA] =	sst s0;
	s0 =	simm.s32 @!p2 $0x0  }
0x16: {  	s3 =	sld [smem:$0x3FDB];
	s0 =	simm.s32 @p2 $0x1  }
0x17: {  	s4 =	simm.s32 $0x1BF5;
	[smem:$0x3FAC] =	sst s0  }
0x18: {  	s0 =	sld [smem:$0x3F8F];
	_ =	swait.ge [sflag:s4], $0x0  }
0x19: {  	s7 =	sld [smem:$0x3F90]  }
0x1a: {  	s8 =	sadd.s32 $0xFFFFE003, lr  }
0x1b: {  	s9 =	sadd.s32 $0xFFFFFEF7, lr;
	s5 =	simm.s32 $0xFFFFFFFF;
	p2 =	slt.u32 s8, $0xFFFFF086  }
0x1c: {  	p1 =	slt.u32 s9, $0xF7A;
	s5 =	simm.s32 @!p2 $0x0  }
0x1d: {  	s5 =	simm.s32 @p1 $0x1;
	p0 =	seq.s32 s7, s2  }
0x1e: {  	s7 =	smul.u32 @!p0 $0xF7A, s2;
	p2 =	seq.s32 @!p0 s5, $0x0  }
0x1f: {  	s9 =	smul.u32 $0xF7A, s1;
	s8 =	simm.s32 @!p0 $0x1BF5;
	p2 =	por !p2, p0  }
0x20: {  	[sflag:s8] =	ssyncset.s32 @!p0 $0xFFFFF086;
	s6 =	sadd.s32 @!p0 s3, s7;
	s7 =	simm.s32 @!p0 $0x108  }
0x21: {  	s3 =	sadd.s32 s3, s9;
	s6 =	sadd.s32 @!p0 $0x88, s6;
	s7 =	simm.s32 @p2 $0x1082  }
0x22: {  	[simem:s7], [sflag:s8] =	dma.local @!p0 [hbm:s6], $0xF7A  }
0x23: {  	s9 =	sor.u32 $0xD0000000, s2;
	s6 =	simm.s32 $0x108;
	_ =	swait.ge @!p0 [sflag:s8], $0x0  }
0x24: {  	s3 =	sadd.s32 $0x88, s3;
	s6 =	simm.s32 @!p1 $0x1082;
	[sflag:s4] =	ssyncset.s32 $0xFFFFF086  }
0x25: {  	[simem:s6], [sflag:s4] =	dma.local [hbm:s3], $0xF7A  }
0x26: {  	[smem:$0x3F90] =	sst s1;
	(tag) =	ssettag s2;
	_ =	strace s9  }
0x27: {  	s1 =	sld [smem:$0x3FA0]  }
0x28: {  	s2 =	sld [smem:$0x3FA1]  }
0x29: {  	s4 =	sld [smem:$0x3FA3]  }
0x2a: {  	p0 =	seq.s32 s5, $0x0;
	s5 =	sld [smem:$0x3FA4]  }
0x2b: {  	s6 =	sld [smem:$0x3FA5]  }
0x2c: {  	s7 =	sld [smem:$0x3FA6]  }
0x2d: {  	s3 =	simm.s32 $0x108;
	s8 =	sld [smem:$0x3FA7]  }
0x2e: {  	s3 =	simm.s32 @!p0 $0x1082;
	s9 =	sld [smem:$0x3FA8]  }
0x2f: {  	lr =	sadd.s32 s0, s3;
	s0 =	sld [smem:$0x3F9F]  }
0x30: {  	s3 =	sld [smem:$0x3FA2]  }
0x31: {  	[smem:$0x3FAB] =	sst s10  }
0x32: {  	s10 =	sld [smem:$0x3FA9];
	_ =	sdelay $0x3  }
0x33: {  	p0 =	seq.s32 s10, $0x1;
	s10 =	sld [smem:$0x3FAB];
	_ =	sdelay $0x3  }
0x34: {  	[smem:$0x3FAB] =	sst s10  }
0x35: {  	s10 =	sld [smem:$0x3FAA];
	_ =	sdelay $0x3  }
0x36: {  	p1 =	seq.s32 s10, $0x1;
	s10 =	sld [smem:$0x3FAB];
	_ =	sdelay $0x3  }
0x37: {  	[smem:$0x3FAB] =	sst s10  }
0x38: {  	s10 =	sld [smem:$0x3FAC]  }
0x39: {  	_ = 	snop;
	(pc) =	sbr.ind lr, $3  }
0x3a: {  	_ = 	snop  }
0x3b: {  	_ = 	snop  }
0x3c: {  	p2 =	seq.s32 s10, $0x1;
	s10 =	sld [smem:$0x3FAB]  }
0x3d: {  	_ =	shalt  }
0x3e: {  	_ =	shalt  }
0x3f: {  	_ =	shalt  }
0x40: {  	_ =	shalt  }
0x41: {  	_ =	shalt  }
0x42: {  	_ =	shalt  }
0x43: {  	_ =	shalt  }
0x44: {  	_ =	shalt  }
0x45: {  	_ =	shalt  }
0x46: {  	_ =	shalt  }
0x47: {  	_ =	shalt  }
0x48: {  	_ =	shalt  }
0x49: {  	_ =	shalt  }
0x4a: {  	_ =	shalt  }
0x4b: {  	_ =	shalt  }
0x4c: {  	_ =	shalt  }
0x4d: {  	_ =	shalt  }
0x4e: {  	_ =	shalt  }
0x4f: {  	_ =	shalt  }
0x50: {  	_ =	shalt  }
0x51: {  	_ =	shalt  }
0x52: {  	_ =	shalt  }
0x53: {  	_ =	shalt  }
0x54: {  	_ =	shalt  }
0x55: {  	_ =	shalt  }
0x56: {  	_ =	shalt  }
0x57: {  	_ =	shalt  }
0x58: {  	_ =	shalt  }
0x59: {  	_ =	shalt  }
0x5a: {  	_ =	shalt  }
0x5b: {  	_ =	shalt  }
0x5c: {  	_ =	shalt  }
0x5d: {  	_ =	shalt  }
0x5e: {  	_ =	shalt  }
0x5f: {  	_ =	shalt  }
0x60: {  	_ =	shalt  }
0x61: {  	_ =	shalt  }
0x62: {  	_ =	shalt  }
0x63: {  	_ =	shalt  }
0x64: {  	_ =	shalt  }
0x65: {  	_ =	shalt  }
0x66: {  	_ =	shalt  }
0x67: {  	_ =	shalt  }
0x68: {  	_ =	shalt  }
0x69: {  	_ =	shalt  }
0x6a: {  	_ =	shalt  }
0x6b: {  	_ =	shalt  }
0x6c: {  	_ =	shalt  }
0x6d: {  	_ =	shalt  }
0x6e: {  	_ =	shalt  }
0x6f: {  	_ =	shalt  }
0x70: {  	_ =	shalt  }
0x71: {  	_ =	shalt  }
0x72: {  	_ =	shalt  }
0x73: {  	_ =	shalt  }
0x74: {  	_ =	shalt  }
0x75: {  	_ =	shalt  }
0x76: {  	_ =	shalt  }
0x77: {  	_ =	shalt  }
0x78: {  	_ =	shalt  }
0x79: {  	_ =	shalt  }
0x7a: {  	_ =	shalt  }
0x7b: {  	_ =	shalt  }
0x7c: {  	_ =	shalt  }
0x7d: {  	_ =	shalt  }
0x7e: {  	_ =	shalt  }
0x7f: {  	_ =	shalt  }
0x80: {  	_ =	shalt  }
0x81: {  	_ =	shalt  }
0x82: {  	_ =	shalt  }
0x83: {  	_ =	shalt  }
0x84: {  	_ =	shalt  }
0x85: {  	_ =	shalt  }
0x86: {  	_ =	shalt  }
0x87: {  	_ =	shalt  }
.Lfunc_end0:
.L_simem_size_0:
called_computation.4_lowered:
.L_overlay_start_0:
0x88: {  	s2 =	sld [smem:$0x3FD9]  }
0x89: {  	s3 =	sld [smem:$0x3FFE];
	_ =	sdelay $0x1  }
0x8a: {  	s1 =	srdreg.scid  }
0x8b: {  	s0 =	sand.u32 $0x1, s1  }
0x8c: {  	s14 =	sshll.u32 s0, $0xA;
	s2 =	sadd.s32 s3, s2  }
0x8d: {  	s2 =	sadd.s32 s2, s14  }
0x8e: {  	[smem:$0x3FB7] =	sst s2  }
0x8f: {  	_ = 	snop  }
0x90: {  	s2 =	sld [smem:$0x3FD0];
	_ =	sdelay $0x2  }
0x91: {  	s15 =	simm.s32 $0xB;
	s4 =	simm.s32 $0x10  }
0x92: {  	[smem:s4], [sflag:s15] =	dma.local [hbm:s2], $0x1  }
0x93: {  	_ =	swait.eq [sflag:s15], $0x1  }
0x94: {  	[sflag:s15] =	ssyncset.done $0x0  }
0x95: {  	[sflag:s15] =	ssyncadd.s32 $0xFFFFFFFF  }
0x96: {  	s16 =	sld [smem:$0x11];
	(tm) =	ssettm $0x1  }
0x97: {  	s17 =	sld [smem:$0x3FFB];
	_ =	sdelay $0x3  }
0x98: {  	_ =	strace s17  }
0x99: {  	s3 =	sld [smem:$0x3FFC];
	_ =	sdelay $0x3  }
0x9a: {  	_ =	strace s3  }
0x9b: {  	s3 =	sld [smem:$0x3FFD];
	_ =	sdelay $0x3  }
0x9c: {  	_ =	strace s3  }
0x9d: {  	_ =	strace $0x8FFFFFFF  }
0x9e: {  	s18 =	sld [smem:$0x3FDB];
	_ =	sdelay $0x1  }
0x9f: {  	s19 =	simm.s32 $_scs_section_size  }
0xa0: {  	s5 =	simm.s32 $_size__tile_overlayer_lowered;
	s6 =	simm.s32 $_tile_overlayer_lowered  }
0xa1: {  	s22 =	simm.s32 $0x1BFF;
	s21 =	sshll.u32 s6, $0x1;
	s3 =	sadd.s32 s19, s18  }
0xa2: {  	s7 =	simm.s32 $0x0;
	s20 =	sshll.u32 s5, $0x1;
	s5 =	sadd.s32 s21, s3  }
0xa3: {  	[timem:s7], [sflag:s22] =	dma.local [hbm:s5], s20  }
0xa4: {  	_ =	swait.ge [sflag:s22], s20  }
0xa5: {  	s4 =	ssub.s32 $0x0, s20;
	[sflag:s22] =	ssyncset.done $0x0  }
0xa6: {  	[sflag:s22] =	ssyncadd.s32 s4;
	_ =	sdelay $0x1  }
0xa7: {  	s23 =	simm.s32 $0x1B8B  }
0xa8: {  	_ =	swait.ge [sflag:s23], $0x1  }
0xa9: {  	[sflag:s23] =	ssyncset.done $0x0  }
0xaa: {  	s25 =	simm.s32 $0x1B8E;
	s24 =	sld [smem:$0x3FFE];
	[sflag:s23] =	ssyncadd.s32 $0xFFFFFFFF  }
0xab: {  	s26 =	simm.s32 $execute0_lowered;
	[smem:$0x3FD2] =	sst s25  }
0xac: {  	s5 =	sshll.u32 s26, $0x1;
	_ =	strace $0x80000052;
	[dreg:$0x1] =	wrdreg $0xFFFFFFFF  }
0xad: {  	s28 =	simm.s32 $_size_execute0_lowered;
	s3 =	sadd.s32 s3, s5;
	[dreg:$0x0] =	wrdreg $0x0  }
0xae: {  	s5 =	sshll.u32 s28, $0x1;
	[dreg:$0x2] =	wrdreg s3  }
0xaf: {  	[dreg:$0x3] =	wrdreg s5  }
0xb0: {  	[dreg:$0x4] =	wrdreg $0xC0  }
0xb1: {  	_ =	task [dreg:s7], $0x5FFFF  }
0xb2: {  	[dreg:$0x1] =	wrdreg $0xFFFFFFFF  }
0xb3: {  	[dreg:$0x0] =	wrdreg $0x60  }
0xb4: {  	[dreg:$0x2] =	wrdreg s16  }
0xb5: {  	[dreg:$0x3] =	wrdreg s24  }
0xb6: {  	[dreg:$0x4] =	wrdreg $0x9  }
0xb7: {  	_ =	task.clear_ibuf [dreg:s7], $0x5FFFF;
	_ =	strace $0x90000052  }
0xb8: {  	s29 =	simm.s32 $0x9;
	_ =	strace $0x80000054  }
0xb9: {  	_ =	swait.ge [sflag:s29], $0x1  }
0xba: {  	[sflag:s29] =	ssyncadd.s32 $0xFFFFFFFF  }
0xbb: {  	_ =	strace $0x90000054  }
0xbc: {  	_ =	sfence  }
0xbd: {  	s30 =	sld [smem:$0x0];
	_ =	sdelay $0x2  }
0xbe: {  	s31 =	sshll.u32 s1, $0xD;
	s1 =	sshrl.u32 s1, $0x2  }
0xbf: {  	s3 =	sand.u32 $0x4000, s31;
	s1 =	sadd.s32 s1, s30  }
0xc0: {  	s0 =	sor.u32 s3, s0;
	s1 =	sshll.u32 s1, $0x11  }
0xc1: {  	s0 =	sor.u32 s1, s0  }
0xc2: {  	s0 =	sadd.s32 $0x8F2B, s0  }
0xc3: {  	[sflag:s0] =	ssyncadd.remote.s32 $0x1  }
0xc4: {  	_ =	sfence.sel $0xFFFF  }
0xc5: {  	[dreg:$0x0] =	wrdreg $0xFFFFFFFF;
	(pc) =	sbr.abs _section_cstart, $3  }
0xc6: {  	[dreg:$0x1] =	wrdreg $0xFFFFFFFF  }
0xc7: {  	_ =	task.clear_ibuf [dreg:s7], $0x2FFFF;
	_ =	strace $0x9FFFFFFF  }
0xc8: {  	(tm) =	ssettm $0x7FFFFFFF  }
0xc9: {  	_ =	shalt  }
tec
execute0_lowered:
.L_overlay_start_1:
0x0: {  	(tag) =	ssettag $0x1  }
0x1: {  	s1 =	rddreg [dreg:$0x0]  }
0x2: {  	s7 =	rddreg [dreg:$0x1]  }
0x3: {  	s0 =	rddreg [dreg:$0x2];
	s2 =	simm.s32 $0x0  }
0x4: {  	s3 =	srdreg.scid;
	s12 =	simm.s32 $0x400;
	s13 =	simm.s32 $0x0  }
0x5: {  	s18 =	simm.s32 $0x0;
	[smem:$0x7FF] =	sst s2;
	s4 =	sadd.s32 $0x4800, s7  }
0x6: {  	s8 =	sand.u32 $0x1, s3;
	s5 =	sadd.s32 $0x9800, s7;
	s3 =	stileid.u32  }
0x7: {  	s6 =	sadd.s32 $0xE800, s7;
	s7 =	sadd.s32 $0x27F800, s7;
	s9 =	ssub.s32 $0x2, s8  }
0x8: {  	_ =	strace $0x80000053;
	s11 =	sshll.u32 s3, $0x1;
	s10 =	sshrl.u32 s9, $0x1  }
0x9: {  	s8 =	sor.u32 s8, s11;
	s11 =	simm.s32 $0x3E8;
	s9 =	ssub.s32 s9, s10  }
0xa: {  	s8 =	smul.u32 $0x1388, s8;
	s10 =	simm.s32 $0x1;
	s9 =	smax.u32 s9, $0x1  }
.LBB2_1:
0xb: {  	s14 =	simm.s32 $0x0  }
.LBB2_2:
0xc: {  	s15 =	smul.u32 $0x3E8, s14;
	_ =	sdelay $0x1  }
0xd: {  	s15 =	sadd.s32 s8, s15  }
0xe: {  	s16 =	sshrl.u32 s15, $0x3  }
0xf: {  	s17 =	sadd.s32 s4, s16  }
0x10: {  	[tilespmem:s18], [sflag:$0x1] =	stream.linear.gather [hbm4b:s17+s18], $0x3E8, $0x38;
	[tilespmem:$0x1F800] =	vst v63  }
0x11: {  	_ =	swait.ge [sflag:s10], $0x3E8  }
0x12: {  	[sflag:s10] =	ssyncset.done $0x0  }
0x13: {  	[sflag:s10] =	ssyncadd.s32 $0xFFFFFC18  }
0x14: {  	[tilespmem:s12], [sflag:$0x1] =	stream.indirect.gather [hbm4b:s1+s11], $0x80, s18, s11, $0xb8;
	[tilespmem:$0x1F800] =	vst v63  }
0x15: {  	_ =	swait.ge [sflag:s10], $0x1F400  }
0x16: {  	s15 =	sshll.u32 s15, $0x4;
	[sflag:s10] =	ssyncset.done $0x0  }
0x17: {  	s31 =	sadd.s32 s6, s15;
	[sflag:s10] =	ssyncadd.s32 $0xFFFE0C00  }
0x18: {  	[hbm4b:s31+s18] =	stream.linear.scatter [tilespmem:s12], [sflag:$0x1], $0x1F400, $0x38;
	[tilespmem:$0x1F800] =	vst v63  }
0x19: {  	_ =	swait.ge [sflag:s10], $0x1F400  }
0x1a: {  	[sflag:s10] =	ssyncset.done $0x0  }
0x1b: {  	s16 =	sadd.s32 s5, s16;
	[sflag:s10] =	ssyncadd.s32 $0xFFFE0C00  }
0x1c: {  	[tilespmem:s18], [sflag:$0x1] =	stream.linear.gather [hbm4b:s16+s18], $0x3E8, $0x38;
	[tilespmem:$0x1F800] =	vst v63  }
0x1d: {  	_ =	swait.ge [sflag:s10], $0x3E8  }
0x1e: {  	[sflag:s10] =	ssyncset.done $0x0  }
0x1f: {  	s17 =	simm.s32 $0x40;
	s16 =	simm.s32 $0x0;
	[sflag:s10] =	ssyncadd.s32 $0xFFFFFC18  }
.LBB2_3:
0x20: {  	p0 =	sne.s32 s17, $0xF80;
	v0 =	vld [tilespmem:s16+$0x0];
	_ =	sdelay $0x1  }
.Ltmp0:
0x21: {  	(pc) =	sbr.rel @p0 .LBB2_3-.Ltmp0, $3  }
0x22: {  	_ =	sdelay $0x1  }
0x23: {  	v0 =	vadd.s32 $0x2710, v0  }
0x24: {  	[tilespmem:s16+$0x0] =	vst v0;
	s16 =	sshra.s32 s17, $0x2;
	s17 =	sadd.s32 $0x40, s17  }
0x25: {  	v0 =	vld [tilespmem:s16+$0x0];
	_ =	sdelay $0x4  }
0x26: {  	v0 =	vadd.s32 $0x2710, v0  }
0x27: {  	[tilespmem:s16+$0x0] =	vst v0  }
0x28: {  	[tilespmem:s12], [sflag:$0x1] =	stream.indirect.gather [hbm4b:s1+s11], $0x80, s2, s11, $0xb8;
	[tilespmem:$0x1F800] =	vst v63  }
0x29: {  	s14 =	sadd.s32 $0x1, s14;
	_ =	swait.ge [sflag:s10], $0x1F400  }
0x2a: {  	p0 =	sne.s32 s14, $0x5;
	[sflag:s10] =	ssyncset.done $0x0  }
.Ltmp1:
0x2b: {  	s15 =	sadd.s32 s7, s15;
	[sflag:s10] =	ssyncadd.s32 $0xFFFE0C00;
	(pc) =	sbr.rel @p0 .LBB2_2-.Ltmp1, $4  }
0x2c: {  	[hbm4b:s15+s2] =	stream.linear.scatter [tilespmem:s12], [sflag:$0x1], $0x1F400, $0x38;
	[tilespmem:$0x1F800] =	vst v63  }
0x2d: {  	_ =	swait.ge [sflag:s10], $0x1F400  }
0x2e: {  	[sflag:s10] =	ssyncset.done $0x0  }
0x2f: {  	[sflag:s10] =	ssyncadd.s32 $0xFFFE0C00  }
0x30: {  	s13 =	sadd.s32 $0x1, s13  }
0x31: {  	p0 =	sne.s32 s13, s9  }
.Ltmp2:
0x32: {  	_ = 	snop;
	(pc) =	sbr.rel @p0 .LBB2_1-.Ltmp2, $1  }
0x33: {  	_ =	sdelay $0x3  }
0x34: {  	_ =	sfence.sel $0x180000  }
0x35: {  	[bflag:$0x0] =	sbarrier.arrive $0xFFFF  }
0x36: {  	p0 =	sne.s32 s3, $0x0;
	_ =	strace $0x90000053  }
0x37: {  	s0 =	sadd.s32 @!p0 $0x100000, s0;
	[bflag:$0x2] =	sbarrier.arrive $0xFFFF  }
0x38: {  	[sflag:s0] =	ssyncadd.tile.s32 @!p0 $0x1;
	_ =	shalt  }
.Lfunc_end2:
_tile_overlayer_lowered:
.L_overlay_start_2:
0x39: {  	(tag) =	ssettag $0x2  }
0x3a: {  	s0 =	rddreg [dreg:$0x0];
	s2 =	stileid.u32  }
0x3b: {  	s1 =	rddreg [dreg:$0x1];
	p0 =	sne.s32 s2, $0x0  }
0x3c: {  	s3 =	rddreg [dreg:$0x2];
	[bflag:$0x3] =	sbarrier.arrive $0xFFFF;
	s2 =	simm.s32 @!p0 $0x1C01  }
0x3d: {  	[timem:s3], [sflag:s2] =	dma.local @!p0 [hbm:s0], s1  }
0x3e: {  	s0 =	simm.s32 @!p0 $0x1  }
0x3f: {  	_ =	swait.ge @!p0 [sflag:s0], s1  }
0x40: {  	s1 =	ssub.s32 @!p0 $0x0, s1;
	[sflag:s0] =	ssyncset.done @!p0 $0x0  }
0x41: {  	[sflag:s0] =	ssyncadd.s32 @!p0 s1  }
0x42: {  	[bflag:$0x3] =	sbarrier.arrive $0xFFFF  }
0x43: {  	_ =	shalt  }

</sc_bundles>
